<compile_context>
chip_gen: v7x
topology: tpu7x:2x2x1
jax: 0.10.2.dev20260603
libtpu: 0.0.44.dev20260713+nightly
codegen_flags: <defaults>
</compile_context>

<pallas_src>
import functools

import jax
import jax.numpy as jnp
from jax import lax
from jax.experimental import pallas as pl
from jax.experimental.pallas import tpu as pltpu
from jax.experimental.pallas import tpu_sc as plsc

N = 10000
E = 320000
D = 128
H = 128
C = 16
G = 128
K = 3

NC = 2
NS = 16
NW = NC * NS

CH = 64
CPW = 160
E_PAD = NW * CH * CPW
N_PROP = 10112
SUB_P = N_PROP // NS
N_DEG = 10240
SUB_D = N_DEG // NS
DUMMY_ROW = N

@functools.cache
def _mesh():
    return plsc.VectorSubcoreMesh(core_axis_name="c", subcore_axis_name="s",
                                  num_cores=NC, num_subcores=NS)


@functools.cache
def _cp():
    import dataclasses
    cp = pltpu.CompilerParams()
    if "needs_layout_passes" in pltpu.CompilerParams.__dataclass_fields__:
        cp = dataclasses.replace(cp, needs_layout_passes=False)
    return cp


def _sc_degree(rows_pad):

    @functools.partial(
        pl.kernel,
        out_type=jax.ShapeDtypeStruct((NC, N_DEG), jnp.float32),
        mesh=_mesh(),
        compiler_params=_cp(),
        scratch_types=[
            pltpu.VMEM_SHARED((NS, N_DEG), jnp.float32),
            pltpu.VMEM((CPW * CH,), jnp.int32),
            pltpu.VMEM((N_DEG,), jnp.float32),
            pltpu.VMEM((NS, SUB_D), jnp.float32),
        ],
    )
    def k(rows_hbm, out_hbm, stage, rowv, hist, gath):
        c = lax.axis_index("c")
        s = lax.axis_index("s")
        w = s * NC + c
        pltpu.sync_copy(rows_hbm.at[pl.ds(w * (CPW * CH), CPW * CH)], rowv)

        @pl.loop(0, N_DEG, step=16)
        def _(i):
            hist[pl.ds(i, 16)] = jnp.zeros((16,), jnp.float32)

        ones = jnp.ones((16,), jnp.float32)

        @pl.loop(0, CPW * CH, step=16)
        def _(j):
            plsc.addupdate_scatter(hist, [rowv[pl.ds(j, 16)]], ones)

        pltpu.sync_copy(hist, stage.at[s])
        plsc.subcore_barrier()
        pltpu.sync_copy(stage.at[:, pl.ds(s * SUB_D, SUB_D)], gath)

        @pl.loop(0, SUB_D, step=16)
        def _(i):
            acc16 = gath[0, pl.ds(i, 16)]
            for t in range(1, NS):
                acc16 = acc16 + gath[t, pl.ds(i, 16)]
            hist[pl.ds(i, 16)] = acc16

        pltpu.sync_copy(hist.at[pl.ds(0, SUB_D)],
                        out_hbm.at[c, pl.ds(s * SUB_D, SUB_D)])

    return k(rows_pad)


def _sc_propagate(h, rows3, cols3, zeros_d):

    R = 4
    NT = (CPW + 2 + R - 1) // R

    @functools.partial(
        pl.kernel,
        out_type=jax.ShapeDtypeStruct((NC, N_PROP, D), jnp.float32),
        mesh=_mesh(),
        scratch_types=(
            [pltpu.VMEM_SHARED((N_PROP, D), jnp.float32)]
            + [pltpu.VMEM((CH,), jnp.int32) for _ in range(2 * R)]
            + [pltpu.VMEM((CH, D), jnp.float32) for _ in range(R)]
            + [pltpu.SemaphoreType.DMA for _ in range(4 * R)]
        ),
    )
    def k(h_hbm, rows_hbm, cols_hbm, zeros_hbm, out_hbm, acc, *sc):
        colv = sc[0:R]
        rowv = sc[R:2 * R]
        buf = sc[2 * R:3 * R]
        sg = sc[3 * R:4 * R]
        ss = sc[4 * R:5 * R]
        sic = sc[5 * R:6 * R]
        sir = sc[6 * R:7 * R]
        c = lax.axis_index("c")
        s = lax.axis_index("s")
        w = s * NC + c
        for u in range(R):
            pltpu.sync_copy(cols_hbm.at[w, u], colv[u])
        pltpu.sync_copy(zeros_hbm, acc.at[pl.ds(s * SUB_P, SUB_P)])
        plsc.subcore_barrier()

        @pl.loop(0, NT)
        def _(it):
            for u in range(R):
                j = it * R + u
                b = u
                b2 = (u - 2) % R

                @pl.when(j >= R)
                def _():
                    pltpu.make_async_copy(buf[b], acc.at[rowv[b]], ss[b]).wait()

                @pl.when(j < CPW)
                def _():
                    pltpu.async_copy(rows_hbm.at[w, j], rowv[b], sir[b])

                    @pl.when(j >= R)
                    def _():
                        pltpu.make_async_copy(cols_hbm.at[w, 0], colv[b],
                                              sic[b]).wait()

                    pltpu.async_copy(h_hbm.at[colv[b]], buf[b], sg[b])

                @pl.when(jnp.logical_and(j >= 2, j < CPW + 2))
                def _():
                    pltpu.make_async_copy(h_hbm.at[colv[b2]], buf[b2],
                                          sg[b2]).wait()

                    @pl.when(jnp.logical_and(j >= 2, j + 2 < CPW))
                    def _():
                        pltpu.async_copy(cols_hbm.at[w, j + 2], colv[b2],
                                         sic[b2])

                    pltpu.make_async_copy(cols_hbm.at[w, 0], rowv[b2],
                                          sir[b2]).wait()
                    pltpu.async_copy(buf[b2], acc.at[rowv[b2]], ss[b2],
                                     add=True)

        plsc.subcore_barrier()
        pltpu.sync_copy(acc.at[pl.ds(s * SUB_P, SUB_P)],
                        out_hbm.at[c, pl.ds(s * SUB_P, SUB_P)])

    return k(h, rows3, cols3, zeros_d)


BN = 1000


def _tc_scale(t_parts, h, deg2):

    def body(t0, t1, h_ref, d0, d1, o_ref):
        d = (d0[0, 0, 0, :] + d1[0, 0, 0, :] + 1.0).reshape(BN, 1)
        o_ref[...] = (t0[0] + t1[0] + h_ref[...]) / d

    return pl.pallas_call(
        body,
        grid=(N // BN,),
        in_specs=[
            pl.BlockSpec((1, BN, D), lambda i: (0, i, 0)),
            pl.BlockSpec((1, BN, D), lambda i: (1, i, 0)),
            pl.BlockSpec((BN, D), lambda i: (i, 0)),
            pl.BlockSpec((1, 1, 1, BN), lambda i: (0, i, 0, 0)),
            pl.BlockSpec((1, 1, 1, BN), lambda i: (1, i, 0, 0)),
        ],
        out_specs=pl.BlockSpec((BN, D), lambda i: (i, 0)),
        out_shape=jax.ShapeDtypeStruct((N, D), jnp.float32),
    )(t_parts, t_parts, h, deg2, deg2)


def _tc_mlp_pool(t_parts, h, deg2, batch3, W1, b1, W2, b2, Wc, bc):
    nblk = N // BN

    def body(t0, t1, h_ref, d0, d1, b_ref, W1r, b1r, W2r, b2r, Wcr, bcr,
             o_ref, accr, cntr):
        i = pl.program_id(0)

        @pl.when(i == 0)
        def _():
            accr[...] = jnp.zeros_like(accr)
            cntr[...] = jnp.zeros_like(cntr)

        d = (d0[0, 0, 0, :] + d1[0, 0, 0, :] + 1.0).reshape(BN, 1)
        h3 = (t0[0] + t1[0] + h_ref[...]) / d
        a = jnp.dot(h3, W1r[...], preferred_element_type=jnp.float32) + b1r[...]
        a = jnp.maximum(a, 0.0)
        bvals = b_ref[...].reshape(1, BN)
        onehot_t = (lax.broadcasted_iota(jnp.int32, (G, BN), 0) == bvals
                    ).astype(jnp.float32)
        accr[...] += jnp.dot(onehot_t, a, preferred_element_type=jnp.float32)
        cntr[...] += jnp.sum(onehot_t, axis=1, keepdims=True)

        @pl.when(i == nblk - 1)
        def _():
            pooled = accr[...] / jnp.maximum(cntr[...], 1.0)
            p2 = jnp.dot(pooled, W2r[...], preferred_element_type=jnp.float32) + b2r[...]
            o_ref[...] = jnp.dot(p2, Wcr[...], preferred_element_type=jnp.float32) + bcr[...]

    return pl.pallas_call(
        body,
        grid=(nblk,),
        in_specs=[
            pl.BlockSpec((1, BN, D), lambda i: (0, i, 0)),
            pl.BlockSpec((1, BN, D), lambda i: (1, i, 0)),
            pl.BlockSpec((BN, D), lambda i: (i, 0)),
            pl.BlockSpec((1, 1, 1, BN), lambda i: (0, i, 0, 0)),
            pl.BlockSpec((1, 1, 1, BN), lambda i: (1, i, 0, 0)),
            pl.BlockSpec((1, 1, BN), lambda i: (i, 0, 0)),
            pl.BlockSpec((D, H), lambda i: (0, 0)),
            pl.BlockSpec((1, H), lambda i: (0, 0)),
            pl.BlockSpec((H, H), lambda i: (0, 0)),
            pl.BlockSpec((1, H), lambda i: (0, 0)),
            pl.BlockSpec((H, C), lambda i: (0, 0)),
            pl.BlockSpec((1, C), lambda i: (0, 0)),
        ],
        out_specs=pl.BlockSpec((G, C), lambda i: (0, 0)),
        out_shape=jax.ShapeDtypeStruct((G, C), jnp.float32),
        scratch_shapes=[
            pltpu.VMEM((G, H), jnp.float32),
            pltpu.VMEM((G, 1), jnp.float32),
        ],
    )(t_parts, t_parts, h, deg2, deg2, batch3,
      W1, b1.reshape(1, H), W2, b2.reshape(1, H), Wc, bc.reshape(1, C))


def kernel(x, edge_index, batch, W1, b1, W2, b2, Wc, bc):
    rows = edge_index[0]
    cols = edge_index[1]
    pad = E_PAD - E
    pad_idx = jnp.arange(pad, dtype=jnp.int32)
    rows_pad = jnp.concatenate([rows, DUMMY_ROW + pad_idx % (N_PROP - N)])
    cols_pad = jnp.concatenate([cols, pad_idx % N])
    zeros_d = jnp.zeros((SUB_P, D), jnp.float32)
    batch3 = batch.reshape(N // BN, 1, BN)

    rows3 = rows_pad.reshape(NW, CPW, CH)
    cols3 = cols_pad.reshape(NW, CPW, CH)
    deg_parts = _sc_degree(rows_pad)
    deg2 = deg_parts[:, :N].reshape(NC, N // BN, 1, BN)
    h = x
    t_parts = None
    for step in range(K):
        t_parts = _sc_propagate(h, rows3, cols3, zeros_d)
        if step < K - 1:
            h = _tc_scale(t_parts, h, deg2)
    return _tc_mlp_pool(t_parts, h, deg2, batch3, W1, b1, W2, b2, Wc, bc)

# --- scband reference (transcript-rebuilt; emitter-appended) ---
"""Pipeline reference for scband-grandpp-40802189312204 (READ-ONLY COPY).

The authoritative reference and input builder live on the scoring server;
editing this copy changes nothing except your own understanding.
"""

import jax, jax.numpy as jnp
import numpy as np

N = 10000
E = 320000
D = 128
H = 128
C = 16
G = 128
K = 3


def setup_inputs(seed: int = 0) -> dict:
    key = jax.random.key(seed)
    k1, k2, k3, k4, k5, k6 = jax.random.split(key, 6)
    x = jax.random.normal(k1, (N, D), dtype=jnp.float32)
    edge_index = jax.random.randint(k2, (2, E), 0, N, dtype=jnp.int32)
    batch = jnp.sort(jax.random.randint(k3, (N,), 0, G, dtype=jnp.int32))
    W1 = jax.random.normal(k4, (D, H), dtype=jnp.float32) * 0.05
    b1 = jnp.zeros((H,), dtype=jnp.float32)
    W2 = jax.random.normal(k5, (H, H), dtype=jnp.float32) * 0.05
    b2 = jnp.zeros((H,), dtype=jnp.float32)
    Wc = jax.random.normal(k6, (H, C), dtype=jnp.float32) * 0.05
    bc = jnp.zeros((C,), dtype=jnp.float32)
    return {"x": x, "edge_index": edge_index, "batch": batch,
            "W1": W1, "b1": b1, "W2": W2, "b2": b2, "Wc": Wc, "bc": bc}


def reference(x, edge_index, batch, W1, b1, W2, b2, Wc, bc):
    num_nodes = x.shape[0]
    # add_self_loops
    loop = jnp.arange(num_nodes, dtype=edge_index.dtype)
    row = jnp.concatenate([edge_index[0], loop])
    col = jnp.concatenate([edge_index[1], loop])
    # degree normalization (clamp min=1)
    deg = jnp.maximum(jnp.bincount(row, length=num_nodes).astype(jnp.float32), 1.0)
    norm = 1.0 / deg[row]
    # K-step feature propagation: gather from col, scatter-add to row
    h = x
    for _ in range(K):
        msg = h[col] * norm[:, None]
        h = jnp.zeros_like(h).at[row].add(msg)
    # MLP
    h = jnp.maximum(h @ W1 + b1, 0.0)
    h = h @ W2 + b2
    # global mean pool over graphs
    sums = jax.ops.segment_sum(h, batch, num_segments=G)
    counts = jnp.maximum(jax.ops.segment_sum(jnp.ones((num_nodes,), dtype=jnp.float32), batch, num_segments=G), 1.0)
    pooled = sums / counts[:, None]
    # classifier
    return pooled @ Wc + bc

if __name__ == "__main__":
    import jax
    _d = setup_inputs()
    print(jax.jit(kernel)(*tuple(_d.values())))

</pallas_src>

<mosaic_0001>
#map = affine_map<(d0, d1) -> (0, 0)>
#map1 = affine_map<(d0, d1) -> (0, 0, 0)>
module attributes {stable_mosaic.version = 14 : i64} {
  func.func @k(%arg0: i32, %arg1: i32, %arg2: memref<10000x128xf32, #tpu.memory_space<hbm>>, %arg3: memref<32x160x64xi32, #tpu.memory_space<hbm>>, %arg4: memref<32x160x64xi32, #tpu.memory_space<hbm>>, %arg5: memref<632x128xf32, #tpu.memory_space<hbm>>, %arg6: memref<2x10112x128xf32, #tpu.memory_space<hbm>>, %arg7: memref<10112x128xf32, #tpu.memory_space<vmem_shared>>, %arg8: memref<64xi32, #tpu.memory_space<vmem>>, %arg9: memref<64xi32, #tpu.memory_space<vmem>>, %arg10: memref<64xi32, #tpu.memory_space<vmem>>, %arg11: memref<64xi32, #tpu.memory_space<vmem>>, %arg12: memref<64xi32, #tpu.memory_space<vmem>>, %arg13: memref<64xi32, #tpu.memory_space<vmem>>, %arg14: memref<64xi32, #tpu.memory_space<vmem>>, %arg15: memref<64xi32, #tpu.memory_space<vmem>>, %arg16: memref<64x128xf32, #tpu.memory_space<vmem>>, %arg17: memref<64x128xf32, #tpu.memory_space<vmem>>, %arg18: memref<64x128xf32, #tpu.memory_space<vmem>>, %arg19: memref<64x128xf32, #tpu.memory_space<vmem>>, %arg20: memref<!tpu.dma_semaphore, #tpu.memory_space<semaphore_mem>>, %arg21: memref<!tpu.dma_semaphore, #tpu.memory_space<semaphore_mem>>, %arg22: memref<!tpu.dma_semaphore, #tpu.memory_space<semaphore_mem>>, %arg23: memref<!tpu.dma_semaphore, #tpu.memory_space<semaphore_mem>>, %arg24: memref<!tpu.dma_semaphore, #tpu.memory_space<semaphore_mem>>, %arg25: memref<!tpu.dma_semaphore, #tpu.memory_space<semaphore_mem>>, %arg26: memref<!tpu.dma_semaphore, #tpu.memory_space<semaphore_mem>>, %arg27: memref<!tpu.dma_semaphore, #tpu.memory_space<semaphore_mem>>, %arg28: memref<!tpu.dma_semaphore, #tpu.memory_space<semaphore_mem>>, %arg29: memref<!tpu.dma_semaphore, #tpu.memory_space<semaphore_mem>>, %arg30: memref<!tpu.dma_semaphore, #tpu.memory_space<semaphore_mem>>, %arg31: memref<!tpu.dma_semaphore, #tpu.memory_space<semaphore_mem>>, %arg32: memref<!tpu.dma_semaphore, #tpu.memory_space<semaphore_mem>>, %arg33: memref<!tpu.dma_semaphore, #tpu.memory_space<semaphore_mem>>, %arg34: memref<!tpu.dma_semaphore, #tpu.memory_space<semaphore_mem>>, %arg35: memref<!tpu.dma_semaphore, #tpu.memory_space<semaphore_mem>>) attributes {dimension_semantics = [#tpu.dimension_semantics<core_parallel>, #tpu.dimension_semantics<subcore_parallel>], iteration_bounds = array<i64: 2, 16>, scalar_prefetch = 0 : i64, scratch_operands = 29 : i64, tpu.core_type = #tpu.core_type<sc_vector_subcore>, window_params = [{transform_indices = #map}, {transform_indices = #map1}, {transform_indices = #map1}, {transform_indices = #map}, {transform_indices = #map1}]} {
    %mul3A = arith.constant 2 : i32
    %mul3A_0 = arith.muli %arg1, %mul3A : i32
    %add3A = arith.addi %mul3A_0, %arg0 : i32
    %run_scoped3A = arith.constant 0 : i32
    "tpu.region"() ({
      %run_scoped3A_15 = tpu.sem_alloc : memref<!tpu.dma_semaphore, #tpu.memory_space<semaphore_mem>>
      %dma_start3A = arith.constant 0 : i32
      %dma_start3A_16 = tpu.memref_slice %arg4[%add3A, %run_scoped3A, %dma_start3A] : memref<32x160x64xi32, #tpu.memory_space<hbm>> -> memref<1x1x64xi32, #tpu.memory_space<hbm>>
      %dma_start3A_17 = tpu.memref_squeeze %dma_start3A_16 : memref<1x1x64xi32, #tpu.memory_space<hbm>> -> memref<64xi32, #tpu.memory_space<hbm>>
      %dma_start3A_18 = arith.constant 0 : i32
      %dma_start3A_19 = tpu.memref_slice %arg4[%add3A, %run_scoped3A, %dma_start3A_18] : memref<32x160x64xi32, #tpu.memory_space<hbm>> -> memref<1x1x64xi32, #tpu.memory_space<hbm>>
      %dma_start3A_20 = tpu.memref_squeeze %dma_start3A_19 : memref<1x1x64xi32, #tpu.memory_space<hbm>> -> memref<64xi32, #tpu.memory_space<hbm>>
      tpu.enqueue_dma source(%dma_start3A_20 : memref<64xi32, #tpu.memory_space<hbm>>) target(%arg8 : memref<64xi32, #tpu.memory_space<vmem>>) target_semaphore(%run_scoped3A_15 : memref<!tpu.dma_semaphore, #tpu.memory_space<semaphore_mem>>)
      %dma_wait3A = arith.constant 0 : i32
      %dma_wait3A_21 = tpu.memref_slice %arg4[%add3A, %run_scoped3A, %dma_wait3A] : memref<32x160x64xi32, #tpu.memory_space<hbm>> -> memref<1x1x64xi32, #tpu.memory_space<hbm>>
      %dma_wait3A_22 = tpu.memref_squeeze %dma_wait3A_21 : memref<1x1x64xi32, #tpu.memory_space<hbm>> -> memref<64xi32, #tpu.memory_space<hbm>>
      %dma_wait3A_23 = arith.constant 0 : i32
      %dma_wait3A_24 = tpu.memref_slice %arg4[%add3A, %run_scoped3A, %dma_wait3A_23] : memref<32x160x64xi32, #tpu.memory_space<hbm>> -> memref<1x1x64xi32, #tpu.memory_space<hbm>>
      %dma_wait3A_25 = tpu.memref_squeeze %dma_wait3A_24 : memref<1x1x64xi32, #tpu.memory_space<hbm>> -> memref<64xi32, #tpu.memory_space<hbm>>
      tpu.wait_dma2 semaphore(%run_scoped3A_15 : memref<!tpu.dma_semaphore, #tpu.memory_space<semaphore_mem>>) src(%dma_wait3A_25 : memref<64xi32, #tpu.memory_space<hbm>>) dst(%arg8 : memref<64xi32, #tpu.memory_space<vmem>>)
      tpu.yield
    }) : () -> ()
    %run_scoped3A_1 = arith.constant 1 : i32
    "tpu.region"() ({
      %run_scoped3A_15 = tpu.sem_alloc : memref<!tpu.dma_semaphore, #tpu.memory_space<semaphore_mem>>
      %dma_start3A = arith.constant 0 : i32
      %dma_start3A_16 = tpu.memref_slice %arg4[%add3A, %run_scoped3A_1, %dma_start3A] : memref<32x160x64xi32, #tpu.memory_space<hbm>> -> memref<1x1x64xi32, #tpu.memory_space<hbm>>
      %dma_start3A_17 = tpu.memref_squeeze %dma_start3A_16 : memref<1x1x64xi32, #tpu.memory_space<hbm>> -> memref<64xi32, #tpu.memory_space<hbm>>
      %dma_start3A_18 = arith.constant 0 : i32
      %dma_start3A_19 = tpu.memref_slice %arg4[%add3A, %run_scoped3A_1, %dma_start3A_18] : memref<32x160x64xi32, #tpu.memory_space<hbm>> -> memref<1x1x64xi32, #tpu.memory_space<hbm>>
      %dma_start3A_20 = tpu.memref_squeeze %dma_start3A_19 : memref<1x1x64xi32, #tpu.memory_space<hbm>> -> memref<64xi32, #tpu.memory_space<hbm>>
      tpu.enqueue_dma source(%dma_start3A_20 : memref<64xi32, #tpu.memory_space<hbm>>) target(%arg9 : memref<64xi32, #tpu.memory_space<vmem>>) target_semaphore(%run_scoped3A_15 : memref<!tpu.dma_semaphore, #tpu.memory_space<semaphore_mem>>)
      %dma_wait3A = arith.constant 0 : i32
      %dma_wait3A_21 = tpu.memref_slice %arg4[%add3A, %run_scoped3A_1, %dma_wait3A] : memref<32x160x64xi32, #tpu.memory_space<hbm>> -> memref<1x1x64xi32, #tpu.memory_space<hbm>>
      %dma_wait3A_22 = tpu.memref_squeeze %dma_wait3A_21 : memref<1x1x64xi32, #tpu.memory_space<hbm>> -> memref<64xi32, #tpu.memory_space<hbm>>
      %dma_wait3A_23 = arith.constant 0 : i32
      %dma_wait3A_24 = tpu.memref_slice %arg4[%add3A, %run_scoped3A_1, %dma_wait3A_23] : memref<32x160x64xi32, #tpu.memory_space<hbm>> -> memref<1x1x64xi32, #tpu.memory_space<hbm>>
      %dma_wait3A_25 = tpu.memref_squeeze %dma_wait3A_24 : memref<1x1x64xi32, #tpu.memory_space<hbm>> -> memref<64xi32, #tpu.memory_space<hbm>>
      tpu.wait_dma2 semaphore(%run_scoped3A_15 : memref<!tpu.dma_semaphore, #tpu.memory_space<semaphore_mem>>) src(%dma_wait3A_25 : memref<64xi32, #tpu.memory_space<hbm>>) dst(%arg9 : memref<64xi32, #tpu.memory_space<vmem>>)
      tpu.yield
    }) : () -> ()
    %run_scoped3A_2 = arith.constant 2 : i32
    "tpu.region"() ({
      %run_scoped3A_15 = tpu.sem_alloc : memref<!tpu.dma_semaphore, #tpu.memory_space<semaphore_mem>>
      %dma_start3A = arith.constant 0 : i32
      %dma_start3A_16 = tpu.memref_slice %arg4[%add3A, %run_scoped3A_2, %dma_start3A] : memref<32x160x64xi32, #tpu.memory_space<hbm>> -> memref<1x1x64xi32, #tpu.memory_space<hbm>>
      %dma_start3A_17 = tpu.memref_squeeze %dma_start3A_16 : memref<1x1x64xi32, #tpu.memory_space<hbm>> -> memref<64xi32, #tpu.memory_space<hbm>>
      %dma_start3A_18 = arith.constant 0 : i32
      %dma_start3A_19 = tpu.memref_slice %arg4[%add3A, %run_scoped3A_2, %dma_start3A_18] : memref<32x160x64xi32, #tpu.memory_space<hbm>> -> memref<1x1x64xi32, #tpu.memory_space<hbm>>
      %dma_start3A_20 = tpu.memref_squeeze %dma_start3A_19 : memref<1x1x64xi32, #tpu.memory_space<hbm>> -> memref<64xi32, #tpu.memory_space<hbm>>
      tpu.enqueue_dma source(%dma_start3A_20 : memref<64xi32, #tpu.memory_space<hbm>>) target(%arg10 : memref<64xi32, #tpu.memory_space<vmem>>) target_semaphore(%run_scoped3A_15 : memref<!tpu.dma_semaphore, #tpu.memory_space<semaphore_mem>>)
      %dma_wait3A = arith.constant 0 : i32
      %dma_wait3A_21 = tpu.memref_slice %arg4[%add3A, %run_scoped3A_2, %dma_wait3A] : memref<32x160x64xi32, #tpu.memory_space<hbm>> -> memref<1x1x64xi32, #tpu.memory_space<hbm>>
      %dma_wait3A_22 = tpu.memref_squeeze %dma_wait3A_21 : memref<1x1x64xi32, #tpu.memory_space<hbm>> -> memref<64xi32, #tpu.memory_space<hbm>>
      %dma_wait3A_23 = arith.constant 0 : i32
      %dma_wait3A_24 = tpu.memref_slice %arg4[%add3A, %run_scoped3A_2, %dma_wait3A_23] : memref<32x160x64xi32, #tpu.memory_space<hbm>> -> memref<1x1x64xi32, #tpu.memory_space<hbm>>
      %dma_wait3A_25 = tpu.memref_squeeze %dma_wait3A_24 : memref<1x1x64xi32, #tpu.memory_space<hbm>> -> memref<64xi32, #tpu.memory_space<hbm>>
      tpu.wait_dma2 semaphore(%run_scoped3A_15 : memref<!tpu.dma_semaphore, #tpu.memory_space<semaphore_mem>>) src(%dma_wait3A_25 : memref<64xi32, #tpu.memory_space<hbm>>) dst(%arg10 : memref<64xi32, #tpu.memory_space<vmem>>)
      tpu.yield
    }) : () -> ()
    %run_scoped3A_3 = arith.constant 3 : i32
    "tpu.region"() ({
      %run_scoped3A_15 = tpu.sem_alloc : memref<!tpu.dma_semaphore, #tpu.memory_space<semaphore_mem>>
      %dma_start3A = arith.constant 0 : i32
      %dma_start3A_16 = tpu.memref_slice %arg4[%add3A, %run_scoped3A_3, %dma_start3A] : memref<32x160x64xi32, #tpu.memory_space<hbm>> -> memref<1x1x64xi32, #tpu.memory_space<hbm>>
      %dma_start3A_17 = tpu.memref_squeeze %dma_start3A_16 : memref<1x1x64xi32, #tpu.memory_space<hbm>> -> memref<64xi32, #tpu.memory_space<hbm>>
      %dma_start3A_18 = arith.constant 0 : i32
      %dma_start3A_19 = tpu.memref_slice %arg4[%add3A, %run_scoped3A_3, %dma_start3A_18] : memref<32x160x64xi32, #tpu.memory_space<hbm>> -> memref<1x1x64xi32, #tpu.memory_space<hbm>>
      %dma_start3A_20 = tpu.memref_squeeze %dma_start3A_19 : memref<1x1x64xi32, #tpu.memory_space<hbm>> -> memref<64xi32, #tpu.memory_space<hbm>>
      tpu.enqueue_dma source(%dma_start3A_20 : memref<64xi32, #tpu.memory_space<hbm>>) target(%arg11 : memref<64xi32, #tpu.memory_space<vmem>>) target_semaphore(%run_scoped3A_15 : memref<!tpu.dma_semaphore, #tpu.memory_space<semaphore_mem>>)
      %dma_wait3A = arith.constant 0 : i32
      %dma_wait3A_21 = tpu.memref_slice %arg4[%add3A, %run_scoped3A_3, %dma_wait3A] : memref<32x160x64xi32, #tpu.memory_space<hbm>> -> memref<1x1x64xi32, #tpu.memory_space<hbm>>
      %dma_wait3A_22 = tpu.memref_squeeze %dma_wait3A_21 : memref<1x1x64xi32, #tpu.memory_space<hbm>> -> memref<64xi32, #tpu.memory_space<hbm>>
      %dma_wait3A_23 = arith.constant 0 : i32
      %dma_wait3A_24 = tpu.memref_slice %arg4[%add3A, %run_scoped3A_3, %dma_wait3A_23] : memref<32x160x64xi32, #tpu.memory_space<hbm>> -> memref<1x1x64xi32, #tpu.memory_space<hbm>>
      %dma_wait3A_25 = tpu.memref_squeeze %dma_wait3A_24 : memref<1x1x64xi32, #tpu.memory_space<hbm>> -> memref<64xi32, #tpu.memory_space<hbm>>
      tpu.wait_dma2 semaphore(%run_scoped3A_15 : memref<!tpu.dma_semaphore, #tpu.memory_space<semaphore_mem>>) src(%dma_wait3A_25 : memref<64xi32, #tpu.memory_space<hbm>>) dst(%arg11 : memref<64xi32, #tpu.memory_space<vmem>>)
      tpu.yield
    }) : () -> ()
    %mul3A_4 = arith.constant 632 : i32
    %mul3A_5 = arith.muli %arg1, %mul3A_4 : i32
    "tpu.region"() ({
      %run_scoped3A_15 = tpu.sem_alloc : memref<!tpu.dma_semaphore, #tpu.memory_space<semaphore_mem>>
      %dma_start3A = arith.constant 0 : i32
      %dma_start3A_16 = tpu.memref_slice %arg7[%mul3A_5, %dma_start3A] : memref<10112x128xf32, #tpu.memory_space<vmem_shared>> -> memref<632x128xf32, #tpu.memory_space<vmem_shared>>
      tpu.enqueue_dma source(%arg5 : memref<632x128xf32, #tpu.memory_space<hbm>>) target(%dma_start3A_16 : memref<632x128xf32, #tpu.memory_space<vmem_shared>>) target_semaphore(%run_scoped3A_15 : memref<!tpu.dma_semaphore, #tpu.memory_space<semaphore_mem>>)
      %dma_wait3A = arith.constant 0 : i32
      %dma_wait3A_17 = tpu.memref_slice %arg7[%mul3A_5, %dma_wait3A] : memref<10112x128xf32, #tpu.memory_space<vmem_shared>> -> memref<632x128xf32, #tpu.memory_space<vmem_shared>>
      tpu.wait_dma2 semaphore(%run_scoped3A_15 : memref<!tpu.dma_semaphore, #tpu.memory_space<semaphore_mem>>) src(%arg5 : memref<632x128xf32, #tpu.memory_space<hbm>>) dst(%dma_wait3A_17 : memref<632x128xf32, #tpu.memory_space<vmem_shared>>)
      tpu.yield
    }) : () -> ()
    %barrier3A = arith.constant 0 : index
    tpu.barrier barrier_id(%barrier3A)
    %scan3A = arith.constant 0 : i32
    %scan3A_6 = arith.constant 41 : i32
    %scan3A_7 = arith.addi %scan3A, %scan3A_6 : i32
    %scan3A_8 = arith.constant 1 : i32
    scf.for %scan3A_15 = %scan3A to %scan3A_7 step %scan3A_8  : i32 {
      %mul3A_16 = arith.constant 1 : i32
      %mul3A_17 = arith.muli %scan3A_15, %mul3A_16 : i32
      %add3A_18 = arith.constant 0 : i32
      %add3A_19 = arith.addi %add3A_18, %mul3A_17 : i32
      %mul3A_20 = arith.constant 4 : i32
      %mul3A_21 = arith.muli %add3A_19, %mul3A_20 : i32
      %add3A_22 = arith.constant 0 : i32
      %add3A_23 = arith.addi %mul3A_21, %add3A_22 : i32
      %ge3A = arith.constant 4 : i32
      %ge3A_24 = arith.cmpi sge, %add3A_23, %ge3A : i32
      %convert_element_type3A = arith.extui %ge3A_24 : i1 to i32
      %cond3A = arith.constant 0 : i32
      %cond3A_25 = arith.cmpi ne, %convert_element_type3A, %cond3A : i32
      scf.if %cond3A_25 {
        %dma_wait3A = arith.constant 0 : i32
        %dma_wait3A_103 = arith.constant 0 : i32
        %dma_wait3A_104 = tpu.memref_slice %arg7[%dma_wait3A, %dma_wait3A_103] : memref<10112x128xf32, #tpu.memory_space<vmem_shared>> -> memref<10112x128xf32, #tpu.memory_space<vmem_shared>>
        tpu.wait_indirect_dma semaphore(%arg24 : memref<!tpu.dma_semaphore, #tpu.memory_space<semaphore_mem>>) src(%arg16 : memref<64x128xf32, #tpu.memory_space<vmem>>) dst(%dma_wait3A_104 : memref<10112x128xf32, #tpu.memory_space<vmem_shared>>)
      } else {
      }
      %lt3A = arith.constant 160 : i32
      %lt3A_26 = arith.cmpi slt, %add3A_23, %lt3A : i32
      %convert_element_type3A_27 = arith.extui %lt3A_26 : i1 to i32
      %cond3A_28 = arith.constant 0 : i32
      %cond3A_29 = arith.cmpi ne, %convert_element_type3A_27, %cond3A_28 : i32
      scf.if %cond3A_29 {
        %dma_start3A = arith.constant 0 : i32
        %dma_start3A_103 = tpu.memref_slice %arg3[%add3A, %add3A_23, %dma_start3A] : memref<32x160x64xi32, #tpu.memory_space<hbm>> -> memref<1x1x64xi32, #tpu.memory_space<hbm>>
        %dma_start3A_104 = tpu.memref_squeeze %dma_start3A_103 : memref<1x1x64xi32, #tpu.memory_space<hbm>> -> memref<64xi32, #tpu.memory_space<hbm>>
        %dma_start3A_105 = arith.constant 0 : i32
        %dma_start3A_106 = tpu.memref_slice %arg3[%add3A, %add3A_23, %dma_start3A_105] : memref<32x160x64xi32, #tpu.memory_space<hbm>> -> memref<1x1x64xi32, #tpu.memory_space<hbm>>
        %dma_start3A_107 = tpu.memref_squeeze %dma_start3A_106 : memref<1x1x64xi32, #tpu.memory_space<hbm>> -> memref<64xi32, #tpu.memory_space<hbm>>
        tpu.enqueue_dma source(%dma_start3A_107 : memref<64xi32, #tpu.memory_space<hbm>>) target(%arg12 : memref<64xi32, #tpu.memory_space<vmem>>) target_semaphore(%arg32 : memref<!tpu.dma_semaphore, #tpu.memory_space<semaphore_mem>>)
        %ge3A_108 = arith.constant 4 : i32
        %ge3A_109 = arith.cmpi sge, %add3A_23, %ge3A_108 : i32
        %convert_element_type3A_110 = arith.extui %ge3A_109 : i1 to i32
        %cond3A_111 = arith.constant 0 : i32
        %cond3A_112 = arith.cmpi ne, %convert_element_type3A_110, %cond3A_111 : i32
        scf.if %cond3A_112 {
          %dma_wait3A = arith.constant 0 : i32
          %dma_wait3A_116 = arith.constant 0 : i32
          %dma_wait3A_117 = tpu.memref_slice %arg4[%add3A, %dma_wait3A, %dma_wait3A_116] : memref<32x160x64xi32, #tpu.memory_space<hbm>> -> memref<1x1x64xi32, #tpu.memory_space<hbm>>
          %dma_wait3A_118 = tpu.memref_squeeze %dma_wait3A_117 : memref<1x1x64xi32, #tpu.memory_space<hbm>> -> memref<64xi32, #tpu.memory_space<hbm>>
          %dma_wait3A_119 = arith.constant 0 : i32
          %dma_wait3A_120 = tpu.memref_slice %arg4[%add3A, %dma_wait3A, %dma_wait3A_119] : memref<32x160x64xi32, #tpu.memory_space<hbm>> -> memref<1x1x64xi32, #tpu.memory_space<hbm>>
          %dma_wait3A_121 = tpu.memref_squeeze %dma_wait3A_120 : memref<1x1x64xi32, #tpu.memory_space<hbm>> -> memref<64xi32, #tpu.memory_space<hbm>>
          tpu.wait_dma2 semaphore(%arg28 : memref<!tpu.dma_semaphore, #tpu.memory_space<semaphore_mem>>) src(%dma_wait3A_121 : memref<64xi32, #tpu.memory_space<hbm>>) dst(%arg8 : memref<64xi32, #tpu.memory_space<vmem>>)
        } else {
        }
        %dma_start3A_113 = arith.constant 0 : i32
        %dma_start3A_114 = arith.constant 0 : i32
        %dma_start3A_115 = tpu.memref_slice %arg2[%dma_start3A_113, %dma_start3A_114] : memref<10000x128xf32, #tpu.memory_space<hbm>> -> memref<10000x128xf32, #tpu.memory_space<hbm>>
        tpu.enqueue_indirect_dma source(%dma_start3A_115 : memref<10000x128xf32, #tpu.memory_space<hbm>>) target(%arg16 : memref<64x128xf32, #tpu.memory_space<vmem>>) offsets(%arg8 : memref<64xi32, #tpu.memory_space<vmem>>) semaphore(%arg20 : memref<!tpu.dma_semaphore, #tpu.memory_space<semaphore_mem>>)
      } else {
      }
      %ge3A_30 = arith.constant 2 : i32
      %ge3A_31 = arith.cmpi sge, %add3A_23, %ge3A_30 : i32
      %lt3A_32 = arith.constant 162 : i32
      %lt3A_33 = arith.cmpi slt, %add3A_23, %lt3A_32 : i32
      %and3A = arith.andi %ge3A_31, %lt3A_33 : i1
      %convert_element_type3A_34 = arith.extui %and3A : i1 to i32
      %cond3A_35 = arith.constant 0 : i32
      %cond3A_36 = arith.cmpi ne, %convert_element_type3A_34, %cond3A_35 : i32
      scf.if %cond3A_36 {
        %dma_wait3A = arith.constant 0 : i32
        %dma_wait3A_103 = arith.constant 0 : i32
        %dma_wait3A_104 = tpu.memref_slice %arg2[%dma_wait3A, %dma_wait3A_103] : memref<10000x128xf32, #tpu.memory_space<hbm>> -> memref<10000x128xf32, #tpu.memory_space<hbm>>
        tpu.wait_indirect_dma semaphore(%arg22 : memref<!tpu.dma_semaphore, #tpu.memory_space<semaphore_mem>>) src(%dma_wait3A_104 : memref<10000x128xf32, #tpu.memory_space<hbm>>) dst(%arg18 : memref<64x128xf32, #tpu.memory_space<vmem>>)
        %ge3A_105 = arith.constant 2 : i32
        %ge3A_106 = arith.cmpi sge, %add3A_23, %ge3A_105 : i32
        %add3A_107 = arith.constant 2 : i32
        %add3A_108 = arith.addi %add3A_23, %add3A_107 : i32
        %lt3A_109 = arith.constant 160 : i32
        %lt3A_110 = arith.cmpi slt, %add3A_108, %lt3A_109 : i32
        %and3A_111 = arith.andi %ge3A_106, %lt3A_110 : i1
        %convert_element_type3A_112 = arith.extui %and3A_111 : i1 to i32
        %cond3A_113 = arith.constant 0 : i32
        %cond3A_114 = arith.cmpi ne, %convert_element_type3A_112, %cond3A_113 : i32
        scf.if %cond3A_114 {
          %add3A_124 = arith.constant 2 : i32
          %add3A_125 = arith.addi %add3A_23, %add3A_124 : i32
          %dma_start3A_126 = arith.constant 0 : i32
          %dma_start3A_127 = tpu.memref_slice %arg4[%add3A, %add3A_125, %dma_start3A_126] : memref<32x160x64xi32, #tpu.memory_space<hbm>> -> memref<1x1x64xi32, #tpu.memory_space<hbm>>
          %dma_start3A_128 = tpu.memref_squeeze %dma_start3A_127 : memref<1x1x64xi32, #tpu.memory_space<hbm>> -> memref<64xi32, #tpu.memory_space<hbm>>
          %dma_start3A_129 = arith.constant 0 : i32
          %dma_start3A_130 = tpu.memref_slice %arg4[%add3A, %add3A_125, %dma_start3A_129] : memref<32x160x64xi32, #tpu.memory_space<hbm>> -> memref<1x1x64xi32, #tpu.memory_space<hbm>>
          %dma_start3A_131 = tpu.memref_squeeze %dma_start3A_130 : memref<1x1x64xi32, #tpu.memory_space<hbm>> -> memref<64xi32, #tpu.memory_space<hbm>>
          tpu.enqueue_dma source(%dma_start3A_131 : memref<64xi32, #tpu.memory_space<hbm>>) target(%arg10 : memref<64xi32, #tpu.memory_space<vmem>>) target_semaphore(%arg30 : memref<!tpu.dma_semaphore, #tpu.memory_space<semaphore_mem>>)
        } else {
        }
        %dma_wait3A_115 = arith.constant 0 : i32
        %dma_wait3A_116 = arith.constant 0 : i32
        %dma_wait3A_117 = tpu.memref_slice %arg4[%add3A, %dma_wait3A_115, %dma_wait3A_116] : memref<32x160x64xi32, #tpu.memory_space<hbm>> -> memref<1x1x64xi32, #tpu.memory_space<hbm>>
        %dma_wait3A_118 = tpu.memref_squeeze %dma_wait3A_117 : memref<1x1x64xi32, #tpu.memory_space<hbm>> -> memref<64xi32, #tpu.memory_space<hbm>>
        %dma_wait3A_119 = arith.constant 0 : i32
        %dma_wait3A_120 = tpu.memref_slice %arg4[%add3A, %dma_wait3A_115, %dma_wait3A_119] : memref<32x160x64xi32, #tpu.memory_space<hbm>> -> memref<1x1x64xi32, #tpu.memory_space<hbm>>
        %dma_wait3A_121 = tpu.memref_squeeze %dma_wait3A_120 : memref<1x1x64xi32, #tpu.memory_space<hbm>> -> memref<64xi32, #tpu.memory_space<hbm>>
        tpu.wait_dma2 semaphore(%arg34 : memref<!tpu.dma_semaphore, #tpu.memory_space<semaphore_mem>>) src(%dma_wait3A_121 : memref<64xi32, #tpu.memory_space<hbm>>) dst(%arg14 : memref<64xi32, #tpu.memory_space<vmem>>)
        %dma_start3A = arith.constant 0 : i32
        %dma_start3A_122 = arith.constant 0 : i32
        %dma_start3A_123 = tpu.memref_slice %arg7[%dma_start3A, %dma_start3A_122] : memref<10112x128xf32, #tpu.memory_space<vmem_shared>> -> memref<10112x128xf32, #tpu.memory_space<vmem_shared>>
        tpu.enqueue_indirect_dma source(%arg18 : memref<64x128xf32, #tpu.memory_space<vmem>>) target(%dma_start3A_123 : memref<10112x128xf32, #tpu.memory_space<vmem_shared>>) offsets(%arg14 : memref<64xi32, #tpu.memory_space<vmem>>) semaphore(%arg26 : memref<!tpu.dma_semaphore, #tpu.memory_space<semaphore_mem>>) {add = true}
      } else {
      }
      %mul3A_37 = arith.constant 4 : i32
      %mul3A_38 = arith.muli %add3A_19, %mul3A_37 : i32
      %add3A_39 = arith.constant 1 : i32
      %add3A_40 = arith.addi %mul3A_38, %add3A_39 : i32
      %ge3A_41 = arith.constant 4 : i32
      %ge3A_42 = arith.cmpi sge, %add3A_40, %ge3A_41 : i32
      %convert_element_type3A_43 = arith.extui %ge3A_42 : i1 to i32
      %cond3A_44 = arith.constant 0 : i32
      %cond3A_45 = arith.cmpi ne, %convert_element_type3A_43, %cond3A_44 : i32
      scf.if %cond3A_45 {
        %dma_wait3A = arith.constant 0 : i32
        %dma_wait3A_103 = arith.constant 0 : i32
        %dma_wait3A_104 = tpu.memref_slice %arg7[%dma_wait3A, %dma_wait3A_103] : memref<10112x128xf32, #tpu.memory_space<vmem_shared>> -> memref<10112x128xf32, #tpu.memory_space<vmem_shared>>
        tpu.wait_indirect_dma semaphore(%arg25 : memref<!tpu.dma_semaphore, #tpu.memory_space<semaphore_mem>>) src(%arg17 : memref<64x128xf32, #tpu.memory_space<vmem>>) dst(%dma_wait3A_104 : memref<10112x128xf32, #tpu.memory_space<vmem_shared>>)
      } else {
      }
      %lt3A_46 = arith.constant 160 : i32
      %lt3A_47 = arith.cmpi slt, %add3A_40, %lt3A_46 : i32
      %convert_element_type3A_48 = arith.extui %lt3A_47 : i1 to i32
      %cond3A_49 = arith.constant 0 : i32
      %cond3A_50 = arith.cmpi ne, %convert_element_type3A_48, %cond3A_49 : i32
      scf.if %cond3A_50 {
        %dma_start3A = arith.constant 0 : i32
        %dma_start3A_103 = tpu.memref_slice %arg3[%add3A, %add3A_40, %dma_start3A] : memref<32x160x64xi32, #tpu.memory_space<hbm>> -> memref<1x1x64xi32, #tpu.memory_space<hbm>>
        %dma_start3A_104 = tpu.memref_squeeze %dma_start3A_103 : memref<1x1x64xi32, #tpu.memory_space<hbm>> -> memref<64xi32, #tpu.memory_space<hbm>>
        %dma_start3A_105 = arith.constant 0 : i32
        %dma_start3A_106 = tpu.memref_slice %arg3[%add3A, %add3A_40, %dma_start3A_105] : memref<32x160x64xi32, #tpu.memory_space<hbm>> -> memref<1x1x64xi32, #tpu.memory_space<hbm>>
        %dma_start3A_107 = tpu.memref_squeeze %dma_start3A_106 : memref<1x1x64xi32, #tpu.memory_space<hbm>> -> memref<64xi32, #tpu.memory_space<hbm>>
        tpu.enqueue_dma source(%dma_start3A_107 : memref<64xi32, #tpu.memory_space<hbm>>) target(%arg13 : memref<64xi32, #tpu.memory_space<vmem>>) target_semaphore(%arg33 : memref<!tpu.dma_semaphore, #tpu.memory_space<semaphore_mem>>)
        %ge3A_108 = arith.constant 4 : i32
        %ge3A_109 = arith.cmpi sge, %add3A_40, %ge3A_108 : i32
        %convert_element_type3A_110 = arith.extui %ge3A_109 : i1 to i32
        %cond3A_111 = arith.constant 0 : i32
        %cond3A_112 = arith.cmpi ne, %convert_element_type3A_110, %cond3A_111 : i32
        scf.if %cond3A_112 {
          %dma_wait3A = arith.constant 0 : i32
          %dma_wait3A_116 = arith.constant 0 : i32
          %dma_wait3A_117 = tpu.memref_slice %arg4[%add3A, %dma_wait3A, %dma_wait3A_116] : memref<32x160x64xi32, #tpu.memory_space<hbm>> -> memref<1x1x64xi32, #tpu.memory_space<hbm>>
          %dma_wait3A_118 = tpu.memref_squeeze %dma_wait3A_117 : memref<1x1x64xi32, #tpu.memory_space<hbm>> -> memref<64xi32, #tpu.memory_space<hbm>>
          %dma_wait3A_119 = arith.constant 0 : i32
          %dma_wait3A_120 = tpu.memref_slice %arg4[%add3A, %dma_wait3A, %dma_wait3A_119] : memref<32x160x64xi32, #tpu.memory_space<hbm>> -> memref<1x1x64xi32, #tpu.memory_space<hbm>>
          %dma_wait3A_121 = tpu.memref_squeeze %dma_wait3A_120 : memref<1x1x64xi32, #tpu.memory_space<hbm>> -> memref<64xi32, #tpu.memory_space<hbm>>
          tpu.wait_dma2 semaphore(%arg29 : memref<!tpu.dma_semaphore, #tpu.memory_space<semaphore_mem>>) src(%dma_wait3A_121 : memref<64xi32, #tpu.memory_space<hbm>>) dst(%arg9 : memref<64xi32, #tpu.memory_space<vmem>>)
        } else {
        }
        %dma_start3A_113 = arith.constant 0 : i32
        %dma_start3A_114 = arith.constant 0 : i32
        %dma_start3A_115 = tpu.memref_slice %arg2[%dma_start3A_113, %dma_start3A_114] : memref<10000x128xf32, #tpu.memory_space<hbm>> -> memref<10000x128xf32, #tpu.memory_space<hbm>>
        tpu.enqueue_indirect_dma source(%dma_start3A_115 : memref<10000x128xf32, #tpu.memory_space<hbm>>) target(%arg17 : memref<64x128xf32, #tpu.memory_space<vmem>>) offsets(%arg9 : memref<64xi32, #tpu.memory_space<vmem>>) semaphore(%arg21 : memref<!tpu.dma_semaphore, #tpu.memory_space<semaphore_mem>>)
      } else {
      }
      %ge3A_51 = arith.constant 2 : i32
      %ge3A_52 = arith.cmpi sge, %add3A_40, %ge3A_51 : i32
      %lt3A_53 = arith.constant 162 : i32
      %lt3A_54 = arith.cmpi slt, %add3A_40, %lt3A_53 : i32
      %and3A_55 = arith.andi %ge3A_52, %lt3A_54 : i1
      %convert_element_type3A_56 = arith.extui %and3A_55 : i1 to i32
      %cond3A_57 = arith.constant 0 : i32
      %cond3A_58 = arith.cmpi ne, %convert_element_type3A_56, %cond3A_57 : i32
      scf.if %cond3A_58 {
        %dma_wait3A = arith.constant 0 : i32
        %dma_wait3A_103 = arith.constant 0 : i32
        %dma_wait3A_104 = tpu.memref_slice %arg2[%dma_wait3A, %dma_wait3A_103] : memref<10000x128xf32, #tpu.memory_space<hbm>> -> memref<10000x128xf32, #tpu.memory_space<hbm>>
        tpu.wait_indirect_dma semaphore(%arg23 : memref<!tpu.dma_semaphore, #tpu.memory_space<semaphore_mem>>) src(%dma_wait3A_104 : memref<10000x128xf32, #tpu.memory_space<hbm>>) dst(%arg19 : memref<64x128xf32, #tpu.memory_space<vmem>>)
        %ge3A_105 = arith.constant 2 : i32
        %ge3A_106 = arith.cmpi sge, %add3A_40, %ge3A_105 : i32
        %add3A_107 = arith.constant 2 : i32
        %add3A_108 = arith.addi %add3A_40, %add3A_107 : i32
        %lt3A_109 = arith.constant 160 : i32
        %lt3A_110 = arith.cmpi slt, %add3A_108, %lt3A_109 : i32
        %and3A_111 = arith.andi %ge3A_106, %lt3A_110 : i1
        %convert_element_type3A_112 = arith.extui %and3A_111 : i1 to i32
        %cond3A_113 = arith.constant 0 : i32
        %cond3A_114 = arith.cmpi ne, %convert_element_type3A_112, %cond3A_113 : i32
        scf.if %cond3A_114 {
          %add3A_124 = arith.constant 2 : i32
          %add3A_125 = arith.addi %add3A_40, %add3A_124 : i32
          %dma_start3A_126 = arith.constant 0 : i32
          %dma_start3A_127 = tpu.memref_slice %arg4[%add3A, %add3A_125, %dma_start3A_126] : memref<32x160x64xi32, #tpu.memory_space<hbm>> -> memref<1x1x64xi32, #tpu.memory_space<hbm>>
          %dma_start3A_128 = tpu.memref_squeeze %dma_start3A_127 : memref<1x1x64xi32, #tpu.memory_space<hbm>> -> memref<64xi32, #tpu.memory_space<hbm>>
          %dma_start3A_129 = arith.constant 0 : i32
          %dma_start3A_130 = tpu.memref_slice %arg4[%add3A, %add3A_125, %dma_start3A_129] : memref<32x160x64xi32, #tpu.memory_space<hbm>> -> memref<1x1x64xi32, #tpu.memory_space<hbm>>
          %dma_start3A_131 = tpu.memref_squeeze %dma_start3A_130 : memref<1x1x64xi32, #tpu.memory_space<hbm>> -> memref<64xi32, #tpu.memory_space<hbm>>
          tpu.enqueue_dma source(%dma_start3A_131 : memref<64xi32, #tpu.memory_space<hbm>>) target(%arg11 : memref<64xi32, #tpu.memory_space<vmem>>) target_semaphore(%arg31 : memref<!tpu.dma_semaphore, #tpu.memory_space<semaphore_mem>>)
        } else {
        }
        %dma_wait3A_115 = arith.constant 0 : i32
        %dma_wait3A_116 = arith.constant 0 : i32
        %dma_wait3A_117 = tpu.memref_slice %arg4[%add3A, %dma_wait3A_115, %dma_wait3A_116] : memref<32x160x64xi32, #tpu.memory_space<hbm>> -> memref<1x1x64xi32, #tpu.memory_space<hbm>>
        %dma_wait3A_118 = tpu.memref_squeeze %dma_wait3A_117 : memref<1x1x64xi32, #tpu.memory_space<hbm>> -> memref<64xi32, #tpu.memory_space<hbm>>
        %dma_wait3A_119 = arith.constant 0 : i32
        %dma_wait3A_120 = tpu.memref_slice %arg4[%add3A, %dma_wait3A_115, %dma_wait3A_119] : memref<32x160x64xi32, #tpu.memory_space<hbm>> -> memref<1x1x64xi32, #tpu.memory_space<hbm>>
        %dma_wait3A_121 = tpu.memref_squeeze %dma_wait3A_120 : memref<1x1x64xi32, #tpu.memory_space<hbm>> -> memref<64xi32, #tpu.memory_space<hbm>>
        tpu.wait_dma2 semaphore(%arg35 : memref<!tpu.dma_semaphore, #tpu.memory_space<semaphore_mem>>) src(%dma_wait3A_121 : memref<64xi32, #tpu.memory_space<hbm>>) dst(%arg15 : memref<64xi32, #tpu.memory_space<vmem>>)
        %dma_start3A = arith.constant 0 : i32
        %dma_start3A_122 = arith.constant 0 : i32
        %dma_start3A_123 = tpu.memref_slice %arg7[%dma_start3A, %dma_start3A_122] : memref<10112x128xf32, #tpu.memory_space<vmem_shared>> -> memref<10112x128xf32, #tpu.memory_space<vmem_shared>>
        tpu.enqueue_indirect_dma source(%arg19 : memref<64x128xf32, #tpu.memory_space<vmem>>) target(%dma_start3A_123 : memref<10112x128xf32, #tpu.memory_space<vmem_shared>>) offsets(%arg15 : memref<64xi32, #tpu.memory_space<vmem>>) semaphore(%arg27 : memref<!tpu.dma_semaphore, #tpu.memory_space<semaphore_mem>>) {add = true}
      } else {
      }
      %mul3A_59 = arith.constant 4 : i32
      %mul3A_60 = arith.muli %add3A_19, %mul3A_59 : i32
      %add3A_61 = arith.constant 2 : i32
      %add3A_62 = arith.addi %mul3A_60, %add3A_61 : i32
      %ge3A_63 = arith.constant 4 : i32
      %ge3A_64 = arith.cmpi sge, %add3A_62, %ge3A_63 : i32
      %convert_element_type3A_65 = arith.extui %ge3A_64 : i1 to i32
      %cond3A_66 = arith.constant 0 : i32
      %cond3A_67 = arith.cmpi ne, %convert_element_type3A_65, %cond3A_66 : i32
      scf.if %cond3A_67 {
        %dma_wait3A = arith.constant 0 : i32
        %dma_wait3A_103 = arith.constant 0 : i32
        %dma_wait3A_104 = tpu.memref_slice %arg7[%dma_wait3A, %dma_wait3A_103] : memref<10112x128xf32, #tpu.memory_space<vmem_shared>> -> memref<10112x128xf32, #tpu.memory_space<vmem_shared>>
        tpu.wait_indirect_dma semaphore(%arg26 : memref<!tpu.dma_semaphore, #tpu.memory_space<semaphore_mem>>) src(%arg18 : memref<64x128xf32, #tpu.memory_space<vmem>>) dst(%dma_wait3A_104 : memref<10112x128xf32, #tpu.memory_space<vmem_shared>>)
      } else {
      }
      %lt3A_68 = arith.constant 160 : i32
      %lt3A_69 = arith.cmpi slt, %add3A_62, %lt3A_68 : i32
      %convert_element_type3A_70 = arith.extui %lt3A_69 : i1 to i32
      %cond3A_71 = arith.constant 0 : i32
      %cond3A_72 = arith.cmpi ne, %convert_element_type3A_70, %cond3A_71 : i32
      scf.if %cond3A_72 {
        %dma_start3A = arith.constant 0 : i32
        %dma_start3A_103 = tpu.memref_slice %arg3[%add3A, %add3A_62, %dma_start3A] : memref<32x160x64xi32, #tpu.memory_space<hbm>> -> memref<1x1x64xi32, #tpu.memory_space<hbm>>
        %dma_start3A_104 = tpu.memref_squeeze %dma_start3A_103 : memref<1x1x64xi32, #tpu.memory_space<hbm>> -> memref<64xi32, #tpu.memory_space<hbm>>
        %dma_start3A_105 = arith.constant 0 : i32
        %dma_start3A_106 = tpu.memref_slice %arg3[%add3A, %add3A_62, %dma_start3A_105] : memref<32x160x64xi32, #tpu.memory_space<hbm>> -> memref<1x1x64xi32, #tpu.memory_space<hbm>>
        %dma_start3A_107 = tpu.memref_squeeze %dma_start3A_106 : memref<1x1x64xi32, #tpu.memory_space<hbm>> -> memref<64xi32, #tpu.memory_space<hbm>>
        tpu.enqueue_dma source(%dma_start3A_107 : memref<64xi32, #tpu.memory_space<hbm>>) target(%arg14 : memref<64xi32, #tpu.memory_space<vmem>>) target_semaphore(%arg34 : memref<!tpu.dma_semaphore, #tpu.memory_space<semaphore_mem>>)
        %ge3A_108 = arith.constant 4 : i32
        %ge3A_109 = arith.cmpi sge, %add3A_62, %ge3A_108 : i32
        %convert_element_type3A_110 = arith.extui %ge3A_109 : i1 to i32
        %cond3A_111 = arith.constant 0 : i32
        %cond3A_112 = arith.cmpi ne, %convert_element_type3A_110, %cond3A_111 : i32
        scf.if %cond3A_112 {
          %dma_wait3A = arith.constant 0 : i32
          %dma_wait3A_116 = arith.constant 0 : i32
          %dma_wait3A_117 = tpu.memref_slice %arg4[%add3A, %dma_wait3A, %dma_wait3A_116] : memref<32x160x64xi32, #tpu.memory_space<hbm>> -> memref<1x1x64xi32, #tpu.memory_space<hbm>>
          %dma_wait3A_118 = tpu.memref_squeeze %dma_wait3A_117 : memref<1x1x64xi32, #tpu.memory_space<hbm>> -> memref<64xi32, #tpu.memory_space<hbm>>
          %dma_wait3A_119 = arith.constant 0 : i32
          %dma_wait3A_120 = tpu.memref_slice %arg4[%add3A, %dma_wait3A, %dma_wait3A_119] : memref<32x160x64xi32, #tpu.memory_space<hbm>> -> memref<1x1x64xi32, #tpu.memory_space<hbm>>
          %dma_wait3A_121 = tpu.memref_squeeze %dma_wait3A_120 : memref<1x1x64xi32, #tpu.memory_space<hbm>> -> memref<64xi32, #tpu.memory_space<hbm>>
          tpu.wait_dma2 semaphore(%arg30 : memref<!tpu.dma_semaphore, #tpu.memory_space<semaphore_mem>>) src(%dma_wait3A_121 : memref<64xi32, #tpu.memory_space<hbm>>) dst(%arg10 : memref<64xi32, #tpu.memory_space<vmem>>)
        } else {
        }
        %dma_start3A_113 = arith.constant 0 : i32
        %dma_start3A_114 = arith.constant 0 : i32
        %dma_start3A_115 = tpu.memref_slice %arg2[%dma_start3A_113, %dma_start3A_114] : memref<10000x128xf32, #tpu.memory_space<hbm>> -> memref<10000x128xf32, #tpu.memory_space<hbm>>
        tpu.enqueue_indirect_dma source(%dma_start3A_115 : memref<10000x128xf32, #tpu.memory_space<hbm>>) target(%arg18 : memref<64x128xf32, #tpu.memory_space<vmem>>) offsets(%arg10 : memref<64xi32, #tpu.memory_space<vmem>>) semaphore(%arg22 : memref<!tpu.dma_semaphore, #tpu.memory_space<semaphore_mem>>)
      } else {
      }
      %ge3A_73 = arith.constant 2 : i32
      %ge3A_74 = arith.cmpi sge, %add3A_62, %ge3A_73 : i32
      %lt3A_75 = arith.constant 162 : i32
      %lt3A_76 = arith.cmpi slt, %add3A_62, %lt3A_75 : i32
      %and3A_77 = arith.andi %ge3A_74, %lt3A_76 : i1
      %convert_element_type3A_78 = arith.extui %and3A_77 : i1 to i32
      %cond3A_79 = arith.constant 0 : i32
      %cond3A_80 = arith.cmpi ne, %convert_element_type3A_78, %cond3A_79 : i32
      scf.if %cond3A_80 {
        %dma_wait3A = arith.constant 0 : i32
        %dma_wait3A_103 = arith.constant 0 : i32
        %dma_wait3A_104 = tpu.memref_slice %arg2[%dma_wait3A, %dma_wait3A_103] : memref<10000x128xf32, #tpu.memory_space<hbm>> -> memref<10000x128xf32, #tpu.memory_space<hbm>>
        tpu.wait_indirect_dma semaphore(%arg20 : memref<!tpu.dma_semaphore, #tpu.memory_space<semaphore_mem>>) src(%dma_wait3A_104 : memref<10000x128xf32, #tpu.memory_space<hbm>>) dst(%arg16 : memref<64x128xf32, #tpu.memory_space<vmem>>)
        %ge3A_105 = arith.constant 2 : i32
        %ge3A_106 = arith.cmpi sge, %add3A_62, %ge3A_105 : i32
        %add3A_107 = arith.constant 2 : i32
        %add3A_108 = arith.addi %add3A_62, %add3A_107 : i32
        %lt3A_109 = arith.constant 160 : i32
        %lt3A_110 = arith.cmpi slt, %add3A_108, %lt3A_109 : i32
        %and3A_111 = arith.andi %ge3A_106, %lt3A_110 : i1
        %convert_element_type3A_112 = arith.extui %and3A_111 : i1 to i32
        %cond3A_113 = arith.constant 0 : i32
        %cond3A_114 = arith.cmpi ne, %convert_element_type3A_112, %cond3A_113 : i32
        scf.if %cond3A_114 {
          %add3A_124 = arith.constant 2 : i32
          %add3A_125 = arith.addi %add3A_62, %add3A_124 : i32
          %dma_start3A_126 = arith.constant 0 : i32
          %dma_start3A_127 = tpu.memref_slice %arg4[%add3A, %add3A_125, %dma_start3A_126] : memref<32x160x64xi32, #tpu.memory_space<hbm>> -> memref<1x1x64xi32, #tpu.memory_space<hbm>>
          %dma_start3A_128 = tpu.memref_squeeze %dma_start3A_127 : memref<1x1x64xi32, #tpu.memory_space<hbm>> -> memref<64xi32, #tpu.memory_space<hbm>>
          %dma_start3A_129 = arith.constant 0 : i32
          %dma_start3A_130 = tpu.memref_slice %arg4[%add3A, %add3A_125, %dma_start3A_129] : memref<32x160x64xi32, #tpu.memory_space<hbm>> -> memref<1x1x64xi32, #tpu.memory_space<hbm>>
          %dma_start3A_131 = tpu.memref_squeeze %dma_start3A_130 : memref<1x1x64xi32, #tpu.memory_space<hbm>> -> memref<64xi32, #tpu.memory_space<hbm>>
          tpu.enqueue_dma source(%dma_start3A_131 : memref<64xi32, #tpu.memory_space<hbm>>) target(%arg8 : memref<64xi32, #tpu.memory_space<vmem>>) target_semaphore(%arg28 : memref<!tpu.dma_semaphore, #tpu.memory_space<semaphore_mem>>)
        } else {
        }
        %dma_wait3A_115 = arith.constant 0 : i32
        %dma_wait3A_116 = arith.constant 0 : i32
        %dma_wait3A_117 = tpu.memref_slice %arg4[%add3A, %dma_wait3A_115, %dma_wait3A_116] : memref<32x160x64xi32, #tpu.memory_space<hbm>> -> memref<1x1x64xi32, #tpu.memory_space<hbm>>
        %dma_wait3A_118 = tpu.memref_squeeze %dma_wait3A_117 : memref<1x1x64xi32, #tpu.memory_space<hbm>> -> memref<64xi32, #tpu.memory_space<hbm>>
        %dma_wait3A_119 = arith.constant 0 : i32
        %dma_wait3A_120 = tpu.memref_slice %arg4[%add3A, %dma_wait3A_115, %dma_wait3A_119] : memref<32x160x64xi32, #tpu.memory_space<hbm>> -> memref<1x1x64xi32, #tpu.memory_space<hbm>>
        %dma_wait3A_121 = tpu.memref_squeeze %dma_wait3A_120 : memref<1x1x64xi32, #tpu.memory_space<hbm>> -> memref<64xi32, #tpu.memory_space<hbm>>
        tpu.wait_dma2 semaphore(%arg32 : memref<!tpu.dma_semaphore, #tpu.memory_space<semaphore_mem>>) src(%dma_wait3A_121 : memref<64xi32, #tpu.memory_space<hbm>>) dst(%arg12 : memref<64xi32, #tpu.memory_space<vmem>>)
        %dma_start3A = arith.constant 0 : i32
        %dma_start3A_122 = arith.constant 0 : i32
        %dma_start3A_123 = tpu.memref_slice %arg7[%dma_start3A, %dma_start3A_122] : memref<10112x128xf32, #tpu.memory_space<vmem_shared>> -> memref<10112x128xf32, #tpu.memory_space<vmem_shared>>
        tpu.enqueue_indirect_dma source(%arg16 : memref<64x128xf32, #tpu.memory_space<vmem>>) target(%dma_start3A_123 : memref<10112x128xf32, #tpu.memory_space<vmem_shared>>) offsets(%arg12 : memref<64xi32, #tpu.memory_space<vmem>>) semaphore(%arg24 : memref<!tpu.dma_semaphore, #tpu.memory_space<semaphore_mem>>) {add = true}
      } else {
      }
      %mul3A_81 = arith.constant 4 : i32
      %mul3A_82 = arith.muli %add3A_19, %mul3A_81 : i32
      %add3A_83 = arith.constant 3 : i32
      %add3A_84 = arith.addi %mul3A_82, %add3A_83 : i32
      %ge3A_85 = arith.constant 4 : i32
      %ge3A_86 = arith.cmpi sge, %add3A_84, %ge3A_85 : i32
      %convert_element_type3A_87 = arith.extui %ge3A_86 : i1 to i32
      %cond3A_88 = arith.constant 0 : i32
      %cond3A_89 = arith.cmpi ne, %convert_element_type3A_87, %cond3A_88 : i32
      scf.if %cond3A_89 {
        %dma_wait3A = arith.constant 0 : i32
        %dma_wait3A_103 = arith.constant 0 : i32
        %dma_wait3A_104 = tpu.memref_slice %arg7[%dma_wait3A, %dma_wait3A_103] : memref<10112x128xf32, #tpu.memory_space<vmem_shared>> -> memref<10112x128xf32, #tpu.memory_space<vmem_shared>>
        tpu.wait_indirect_dma semaphore(%arg27 : memref<!tpu.dma_semaphore, #tpu.memory_space<semaphore_mem>>) src(%arg19 : memref<64x128xf32, #tpu.memory_space<vmem>>) dst(%dma_wait3A_104 : memref<10112x128xf32, #tpu.memory_space<vmem_shared>>)
      } else {
      }
      %lt3A_90 = arith.constant 160 : i32
      %lt3A_91 = arith.cmpi slt, %add3A_84, %lt3A_90 : i32
      %convert_element_type3A_92 = arith.extui %lt3A_91 : i1 to i32
      %cond3A_93 = arith.constant 0 : i32
      %cond3A_94 = arith.cmpi ne, %convert_element_type3A_92, %cond3A_93 : i32
      scf.if %cond3A_94 {
        %dma_start3A = arith.constant 0 : i32
        %dma_start3A_103 = tpu.memref_slice %arg3[%add3A, %add3A_84, %dma_start3A] : memref<32x160x64xi32, #tpu.memory_space<hbm>> -> memref<1x1x64xi32, #tpu.memory_space<hbm>>
        %dma_start3A_104 = tpu.memref_squeeze %dma_start3A_103 : memref<1x1x64xi32, #tpu.memory_space<hbm>> -> memref<64xi32, #tpu.memory_space<hbm>>
        %dma_start3A_105 = arith.constant 0 : i32
        %dma_start3A_106 = tpu.memref_slice %arg3[%add3A, %add3A_84, %dma_start3A_105] : memref<32x160x64xi32, #tpu.memory_space<hbm>> -> memref<1x1x64xi32, #tpu.memory_space<hbm>>
        %dma_start3A_107 = tpu.memref_squeeze %dma_start3A_106 : memref<1x1x64xi32, #tpu.memory_space<hbm>> -> memref<64xi32, #tpu.memory_space<hbm>>
        tpu.enqueue_dma source(%dma_start3A_107 : memref<64xi32, #tpu.memory_space<hbm>>) target(%arg15 : memref<64xi32, #tpu.memory_space<vmem>>) target_semaphore(%arg35 : memref<!tpu.dma_semaphore, #tpu.memory_space<semaphore_mem>>)
        %ge3A_108 = arith.constant 4 : i32
        %ge3A_109 = arith.cmpi sge, %add3A_84, %ge3A_108 : i32
        %convert_element_type3A_110 = arith.extui %ge3A_109 : i1 to i32
        %cond3A_111 = arith.constant 0 : i32
        %cond3A_112 = arith.cmpi ne, %convert_element_type3A_110, %cond3A_111 : i32
        scf.if %cond3A_112 {
          %dma_wait3A = arith.constant 0 : i32
          %dma_wait3A_116 = arith.constant 0 : i32
          %dma_wait3A_117 = tpu.memref_slice %arg4[%add3A, %dma_wait3A, %dma_wait3A_116] : memref<32x160x64xi32, #tpu.memory_space<hbm>> -> memref<1x1x64xi32, #tpu.memory_space<hbm>>
          %dma_wait3A_118 = tpu.memref_squeeze %dma_wait3A_117 : memref<1x1x64xi32, #tpu.memory_space<hbm>> -> memref<64xi32, #tpu.memory_space<hbm>>
          %dma_wait3A_119 = arith.constant 0 : i32
          %dma_wait3A_120 = tpu.memref_slice %arg4[%add3A, %dma_wait3A, %dma_wait3A_119] : memref<32x160x64xi32, #tpu.memory_space<hbm>> -> memref<1x1x64xi32, #tpu.memory_space<hbm>>
          %dma_wait3A_121 = tpu.memref_squeeze %dma_wait3A_120 : memref<1x1x64xi32, #tpu.memory_space<hbm>> -> memref<64xi32, #tpu.memory_space<hbm>>
          tpu.wait_dma2 semaphore(%arg31 : memref<!tpu.dma_semaphore, #tpu.memory_space<semaphore_mem>>) src(%dma_wait3A_121 : memref<64xi32, #tpu.memory_space<hbm>>) dst(%arg11 : memref<64xi32, #tpu.memory_space<vmem>>)
        } else {
        }
        %dma_start3A_113 = arith.constant 0 : i32
        %dma_start3A_114 = arith.constant 0 : i32
        %dma_start3A_115 = tpu.memref_slice %arg2[%dma_start3A_113, %dma_start3A_114] : memref<10000x128xf32, #tpu.memory_space<hbm>> -> memref<10000x128xf32, #tpu.memory_space<hbm>>
        tpu.enqueue_indirect_dma source(%dma_start3A_115 : memref<10000x128xf32, #tpu.memory_space<hbm>>) target(%arg19 : memref<64x128xf32, #tpu.memory_space<vmem>>) offsets(%arg11 : memref<64xi32, #tpu.memory_space<vmem>>) semaphore(%arg23 : memref<!tpu.dma_semaphore, #tpu.memory_space<semaphore_mem>>)
      } else {
      }
      %ge3A_95 = arith.constant 2 : i32
      %ge3A_96 = arith.cmpi sge, %add3A_84, %ge3A_95 : i32
      %lt3A_97 = arith.constant 162 : i32
      %lt3A_98 = arith.cmpi slt, %add3A_84, %lt3A_97 : i32
      %and3A_99 = arith.andi %ge3A_96, %lt3A_98 : i1
      %convert_element_type3A_100 = arith.extui %and3A_99 : i1 to i32
      %cond3A_101 = arith.constant 0 : i32
      %cond3A_102 = arith.cmpi ne, %convert_element_type3A_100, %cond3A_101 : i32
      scf.if %cond3A_102 {
        %dma_wait3A = arith.constant 0 : i32
        %dma_wait3A_103 = arith.constant 0 : i32
        %dma_wait3A_104 = tpu.memref_slice %arg2[%dma_wait3A, %dma_wait3A_103] : memref<10000x128xf32, #tpu.memory_space<hbm>> -> memref<10000x128xf32, #tpu.memory_space<hbm>>
        tpu.wait_indirect_dma semaphore(%arg21 : memref<!tpu.dma_semaphore, #tpu.memory_space<semaphore_mem>>) src(%dma_wait3A_104 : memref<10000x128xf32, #tpu.memory_space<hbm>>) dst(%arg17 : memref<64x128xf32, #tpu.memory_space<vmem>>)
        %ge3A_105 = arith.constant 2 : i32
        %ge3A_106 = arith.cmpi sge, %add3A_84, %ge3A_105 : i32
        %add3A_107 = arith.constant 2 : i32
        %add3A_108 = arith.addi %add3A_84, %add3A_107 : i32
        %lt3A_109 = arith.constant 160 : i32
        %lt3A_110 = arith.cmpi slt, %add3A_108, %lt3A_109 : i32
        %and3A_111 = arith.andi %ge3A_106, %lt3A_110 : i1
        %convert_element_type3A_112 = arith.extui %and3A_111 : i1 to i32
        %cond3A_113 = arith.constant 0 : i32
        %cond3A_114 = arith.cmpi ne, %convert_element_type3A_112, %cond3A_113 : i32
        scf.if %cond3A_114 {
          %add3A_124 = arith.constant 2 : i32
          %add3A_125 = arith.addi %add3A_84, %add3A_124 : i32
          %dma_start3A_126 = arith.constant 0 : i32
          %dma_start3A_127 = tpu.memref_slice %arg4[%add3A, %add3A_125, %dma_start3A_126] : memref<32x160x64xi32, #tpu.memory_space<hbm>> -> memref<1x1x64xi32, #tpu.memory_space<hbm>>
          %dma_start3A_128 = tpu.memref_squeeze %dma_start3A_127 : memref<1x1x64xi32, #tpu.memory_space<hbm>> -> memref<64xi32, #tpu.memory_space<hbm>>
          %dma_start3A_129 = arith.constant 0 : i32
          %dma_start3A_130 = tpu.memref_slice %arg4[%add3A, %add3A_125, %dma_start3A_129] : memref<32x160x64xi32, #tpu.memory_space<hbm>> -> memref<1x1x64xi32, #tpu.memory_space<hbm>>
          %dma_start3A_131 = tpu.memref_squeeze %dma_start3A_130 : memref<1x1x64xi32, #tpu.memory_space<hbm>> -> memref<64xi32, #tpu.memory_space<hbm>>
          tpu.enqueue_dma source(%dma_start3A_131 : memref<64xi32, #tpu.memory_space<hbm>>) target(%arg9 : memref<64xi32, #tpu.memory_space<vmem>>) target_semaphore(%arg29 : memref<!tpu.dma_semaphore, #tpu.memory_space<semaphore_mem>>)
        } else {
        }
        %dma_wait3A_115 = arith.constant 0 : i32
        %dma_wait3A_116 = arith.constant 0 : i32
        %dma_wait3A_117 = tpu.memref_slice %arg4[%add3A, %dma_wait3A_115, %dma_wait3A_116] : memref<32x160x64xi32, #tpu.memory_space<hbm>> -> memref<1x1x64xi32, #tpu.memory_space<hbm>>
        %dma_wait3A_118 = tpu.memref_squeeze %dma_wait3A_117 : memref<1x1x64xi32, #tpu.memory_space<hbm>> -> memref<64xi32, #tpu.memory_space<hbm>>
        %dma_wait3A_119 = arith.constant 0 : i32
        %dma_wait3A_120 = tpu.memref_slice %arg4[%add3A, %dma_wait3A_115, %dma_wait3A_119] : memref<32x160x64xi32, #tpu.memory_space<hbm>> -> memref<1x1x64xi32, #tpu.memory_space<hbm>>
        %dma_wait3A_121 = tpu.memref_squeeze %dma_wait3A_120 : memref<1x1x64xi32, #tpu.memory_space<hbm>> -> memref<64xi32, #tpu.memory_space<hbm>>
        tpu.wait_dma2 semaphore(%arg33 : memref<!tpu.dma_semaphore, #tpu.memory_space<semaphore_mem>>) src(%dma_wait3A_121 : memref<64xi32, #tpu.memory_space<hbm>>) dst(%arg13 : memref<64xi32, #tpu.memory_space<vmem>>)
        %dma_start3A = arith.constant 0 : i32
        %dma_start3A_122 = arith.constant 0 : i32
        %dma_start3A_123 = tpu.memref_slice %arg7[%dma_start3A, %dma_start3A_122] : memref<10112x128xf32, #tpu.memory_space<vmem_shared>> -> memref<10112x128xf32, #tpu.memory_space<vmem_shared>>
        tpu.enqueue_indirect_dma source(%arg17 : memref<64x128xf32, #tpu.memory_space<vmem>>) target(%dma_start3A_123 : memref<10112x128xf32, #tpu.memory_space<vmem_shared>>) offsets(%arg13 : memref<64xi32, #tpu.memory_space<vmem>>) semaphore(%arg25 : memref<!tpu.dma_semaphore, #tpu.memory_space<semaphore_mem>>) {add = true}
      } else {
      }
    }
    %scan3A_9 = arith.constant 41 : i32
    %barrier3A_10 = arith.constant 0 : index
    tpu.barrier barrier_id(%barrier3A_10)
    %mul3A_11 = arith.constant 632 : i32
    %mul3A_12 = arith.muli %arg1, %mul3A_11 : i32
    %mul3A_13 = arith.constant 632 : i32
    %mul3A_14 = arith.muli %arg1, %mul3A_13 : i32
    "tpu.region"() ({
      %run_scoped3A_15 = tpu.sem_alloc : memref<!tpu.dma_semaphore, #tpu.memory_space<semaphore_mem>>
      %dma_start3A = arith.constant 0 : i32
      %dma_start3A_16 = tpu.memref_slice %arg6[%arg0, %mul3A_14, %dma_start3A] : memref<2x10112x128xf32, #tpu.memory_space<hbm>> -> memref<1x632x128xf32, #tpu.memory_space<hbm>>
      %dma_start3A_17 = tpu.memref_squeeze %dma_start3A_16 : memref<1x632x128xf32, #tpu.memory_space<hbm>> -> memref<632x128xf32, #tpu.memory_space<hbm>>
      %dma_start3A_18 = arith.constant 0 : i32
      %dma_start3A_19 = tpu.memref_slice %arg7[%mul3A_12, %dma_start3A_18] : memref<10112x128xf32, #tpu.memory_space<vmem_shared>> -> memref<632x128xf32, #tpu.memory_space<vmem_shared>>
      tpu.enqueue_dma source(%dma_start3A_19 : memref<632x128xf32, #tpu.memory_space<vmem_shared>>) target(%dma_start3A_17 : memref<632x128xf32, #tpu.memory_space<hbm>>) target_semaphore(%run_scoped3A_15 : memref<!tpu.dma_semaphore, #tpu.memory_space<semaphore_mem>>)
      %dma_wait3A = arith.constant 0 : i32
      %dma_wait3A_20 = tpu.memref_slice %arg6[%arg0, %mul3A_14, %dma_wait3A] : memref<2x10112x128xf32, #tpu.memory_space<hbm>> -> memref<1x632x128xf32, #tpu.memory_space<hbm>>
      %dma_wait3A_21 = tpu.memref_squeeze %dma_wait3A_20 : memref<1x632x128xf32, #tpu.memory_space<hbm>> -> memref<632x128xf32, #tpu.memory_space<hbm>>
      %dma_wait3A_22 = arith.constant 0 : i32
      %dma_wait3A_23 = tpu.memref_slice %arg7[%mul3A_12, %dma_wait3A_22] : memref<10112x128xf32, #tpu.memory_space<vmem_shared>> -> memref<632x128xf32, #tpu.memory_space<vmem_shared>>
      tpu.wait_dma2 semaphore(%run_scoped3A_15 : memref<!tpu.dma_semaphore, #tpu.memory_space<semaphore_mem>>) src(%dma_wait3A_23 : memref<632x128xf32, #tpu.memory_space<vmem_shared>>) dst(%dma_wait3A_21 : memref<632x128xf32, #tpu.memory_space<hbm>>)
      tpu.yield
    }) : () -> ()
    return
  }
}

#map = affine_map<(d0, d1) -> (0, 0)>
#map1 = affine_map<(d0, d1) -> (0, 0, 0)>
module attributes {stable_mosaic.version = 14 : i64} {
  func.func @k(%arg0: i32, %arg1: i32, %arg2: memref<10000x128xf32, #tpu.memory_space<hbm>>, %arg3: memref<32x160x64xi32, #tpu.memory_space<hbm>>, %arg4: memref<32x160x64xi32, #tpu.memory_space<hbm>>, %arg5: memref<632x128xf32, #tpu.memory_space<hbm>>, %arg6: memref<2x10112x128xf32, #tpu.memory_space<hbm>>, %arg7: memref<10112x128xf32, #tpu.memory_space<vmem_shared>>, %arg8: memref<64xi32, #tpu.memory_space<vmem>>, %arg9: memref<64xi32, #tpu.memory_space<vmem>>, %arg10: memref<64xi32, #tpu.memory_space<vmem>>, %arg11: memref<64xi32, #tpu.memory_space<vmem>>, %arg12: memref<64xi32, #tpu.memory_space<vmem>>, %arg13: memref<64xi32, #tpu.memory_space<vmem>>, %arg14: memref<64xi32, #tpu.memory_space<vmem>>, %arg15: memref<64xi32, #tpu.memory_space<vmem>>, %arg16: memref<64x128xf32, #tpu.memory_space<vmem>>, %arg17: memref<64x128xf32, #tpu.memory_space<vmem>>, %arg18: memref<64x128xf32, #tpu.memory_space<vmem>>, %arg19: memref<64x128xf32, #tpu.memory_space<vmem>>, %arg20: memref<!tpu.dma_semaphore, #tpu.memory_space<semaphore_mem>>, %arg21: memref<!tpu.dma_semaphore, #tpu.memory_space<semaphore_mem>>, %arg22: memref<!tpu.dma_semaphore, #tpu.memory_space<semaphore_mem>>, %arg23: memref<!tpu.dma_semaphore, #tpu.memory_space<semaphore_mem>>, %arg24: memref<!tpu.dma_semaphore, #tpu.memory_space<semaphore_mem>>, %arg25: memref<!tpu.dma_semaphore, #tpu.memory_space<semaphore_mem>>, %arg26: memref<!tpu.dma_semaphore, #tpu.memory_space<semaphore_mem>>, %arg27: memref<!tpu.dma_semaphore, #tpu.memory_space<semaphore_mem>>, %arg28: memref<!tpu.dma_semaphore, #tpu.memory_space<semaphore_mem>>, %arg29: memref<!tpu.dma_semaphore, #tpu.memory_space<semaphore_mem>>, %arg30: memref<!tpu.dma_semaphore, #tpu.memory_space<semaphore_mem>>, %arg31: memref<!tpu.dma_semaphore, #tpu.memory_space<semaphore_mem>>, %arg32: memref<!tpu.dma_semaphore, #tpu.memory_space<semaphore_mem>>, %arg33: memref<!tpu.dma_semaphore, #tpu.memory_space<semaphore_mem>>, %arg34: memref<!tpu.dma_semaphore, #tpu.memory_space<semaphore_mem>>, %arg35: memref<!tpu.dma_semaphore, #tpu.memory_space<semaphore_mem>>) attributes {dimension_semantics = [#tpu.dimension_semantics<core_parallel>, #tpu.dimension_semantics<subcore_parallel>], iteration_bounds = array<i64: 2, 16>, scalar_prefetch = 0 : i64, scratch_operands = 29 : i64, tpu.core_type = #tpu.core_type<sc_vector_subcore>, window_params = [{transform_indices = #map}, {transform_indices = #map1}, {transform_indices = #map1}, {transform_indices = #map}, {transform_indices = #map1}]} {
    %mul3A = arith.constant 2 : i32
    %mul3A_0 = arith.muli %arg1, %mul3A : i32
    %add3A = arith.addi %mul3A_0, %arg0 : i32
    %run_scoped3A = arith.constant 0 : i32
    "tpu.region"() ({
      %run_scoped3A_15 = tpu.sem_alloc : memref<!tpu.dma_semaphore, #tpu.memory_space<semaphore_mem>>
      %dma_start3A = arith.constant 0 : i32
      %dma_start3A_16 = tpu.memref_slice %arg4[%add3A, %run_scoped3A, %dma_start3A] : memref<32x160x64xi32, #tpu.memory_space<hbm>> -> memref<1x1x64xi32, #tpu.memory_space<hbm>>
      %dma_start3A_17 = tpu.memref_squeeze %dma_start3A_16 : memref<1x1x64xi32, #tpu.memory_space<hbm>> -> memref<64xi32, #tpu.memory_space<hbm>>
      %dma_start3A_18 = arith.constant 0 : i32
      %dma_start3A_19 = tpu.memref_slice %arg4[%add3A, %run_scoped3A, %dma_start3A_18] : memref<32x160x64xi32, #tpu.memory_space<hbm>> -> memref<1x1x64xi32, #tpu.memory_space<hbm>>
      %dma_start3A_20 = tpu.memref_squeeze %dma_start3A_19 : memref<1x1x64xi32, #tpu.memory_space<hbm>> -> memref<64xi32, #tpu.memory_space<hbm>>
      tpu.enqueue_dma source(%dma_start3A_20 : memref<64xi32, #tpu.memory_space<hbm>>) target(%arg8 : memref<64xi32, #tpu.memory_space<vmem>>) target_semaphore(%run_scoped3A_15 : memref<!tpu.dma_semaphore, #tpu.memory_space<semaphore_mem>>)
      %dma_wait3A = arith.constant 0 : i32
      %dma_wait3A_21 = tpu.memref_slice %arg4[%add3A, %run_scoped3A, %dma_wait3A] : memref<32x160x64xi32, #tpu.memory_space<hbm>> -> memref<1x1x64xi32, #tpu.memory_space<hbm>>
      %dma_wait3A_22 = tpu.memref_squeeze %dma_wait3A_21 : memref<1x1x64xi32, #tpu.memory_space<hbm>> -> memref<64xi32, #tpu.memory_space<hbm>>
      %dma_wait3A_23 = arith.constant 0 : i32
      %dma_wait3A_24 = tpu.memref_slice %arg4[%add3A, %run_scoped3A, %dma_wait3A_23] : memref<32x160x64xi32, #tpu.memory_space<hbm>> -> memref<1x1x64xi32, #tpu.memory_space<hbm>>
      %dma_wait3A_25 = tpu.memref_squeeze %dma_wait3A_24 : memref<1x1x64xi32, #tpu.memory_space<hbm>> -> memref<64xi32, #tpu.memory_space<hbm>>
      tpu.wait_dma2 semaphore(%run_scoped3A_15 : memref<!tpu.dma_semaphore, #tpu.memory_space<semaphore_mem>>) src(%dma_wait3A_25 : memref<64xi32, #tpu.memory_space<hbm>>) dst(%arg8 : memref<64xi32, #tpu.memory_space<vmem>>)
      tpu.yield
    }) : () -> ()
    %run_scoped3A_1 = arith.constant 1 : i32
    "tpu.region"() ({
      %run_scoped3A_15 = tpu.sem_alloc : memref<!tpu.dma_semaphore, #tpu.memory_space<semaphore_mem>>
      %dma_start3A = arith.constant 0 : i32
      %dma_start3A_16 = tpu.memref_slice %arg4[%add3A, %run_scoped3A_1, %dma_start3A] : memref<32x160x64xi32, #tpu.memory_space<hbm>> -> memref<1x1x64xi32, #tpu.memory_space<hbm>>
      %dma_start3A_17 = tpu.memref_squeeze %dma_start3A_16 : memref<1x1x64xi32, #tpu.memory_space<hbm>> -> memref<64xi32, #tpu.memory_space<hbm>>
      %dma_start3A_18 = arith.constant 0 : i32
      %dma_start3A_19 = tpu.memref_slice %arg4[%add3A, %run_scoped3A_1, %dma_start3A_18] : memref<32x160x64xi32, #tpu.memory_space<hbm>> -> memref<1x1x64xi32, #tpu.memory_space<hbm>>
      %dma_start3A_20 = tpu.memref_squeeze %dma_start3A_19 : memref<1x1x64xi32, #tpu.memory_space<hbm>> -> memref<64xi32, #tpu.memory_space<hbm>>
      tpu.enqueue_dma source(%dma_start3A_20 : memref<64xi32, #tpu.memory_space<hbm>>) target(%arg9 : memref<64xi32, #tpu.memory_space<vmem>>) target_semaphore(%run_scoped3A_15 : memref<!tpu.dma_semaphore, #tpu.memory_space<semaphore_mem>>)
      %dma_wait3A = arith.constant 0 : i32
      %dma_wait3A_21 = tpu.memref_slice %arg4[%add3A, %run_scoped3A_1, %dma_wait3A] : memref<32x160x64xi32, #tpu.memory_space<hbm>> -> memref<1x1x64xi32, #tpu.memory_space<hbm>>
      %dma_wait3A_22 = tpu.memref_squeeze %dma_wait3A_21 : memref<1x1x64xi32, #tpu.memory_space<hbm>> -> memref<64xi32, #tpu.memory_space<hbm>>
      %dma_wait3A_23 = arith.constant 0 : i32
      %dma_wait3A_24 = tpu.memref_slice %arg4[%add3A, %run_scoped3A_1, %dma_wait3A_23] : memref<32x160x64xi32, #tpu.memory_space<hbm>> -> memref<1x1x64xi32, #tpu.memory_space<hbm>>
      %dma_wait3A_25 = tpu.memref_squeeze %dma_wait3A_24 : memref<1x1x64xi32, #tpu.memory_space<hbm>> -> memref<64xi32, #tpu.memory_space<hbm>>
      tpu.wait_dma2 semaphore(%run_scoped3A_15 : memref<!tpu.dma_semaphore, #tpu.memory_space<semaphore_mem>>) src(%dma_wait3A_25 : memref<64xi32, #tpu.memory_space<hbm>>) dst(%arg9 : memref<64xi32, #tpu.memory_space<vmem>>)
      tpu.yield
    }) : () -> ()
    %run_scoped3A_2 = arith.constant 2 : i32
    "tpu.region"() ({
      %run_scoped3A_15 = tpu.sem_alloc : memref<!tpu.dma_semaphore, #tpu.memory_space<semaphore_mem>>
      %dma_start3A = arith.constant 0 : i32
      %dma_start3A_16 = tpu.memref_slice %arg4[%add3A, %run_scoped3A_2, %dma_start3A] : memref<32x160x64xi32, #tpu.memory_space<hbm>> -> memref<1x1x64xi32, #tpu.memory_space<hbm>>
      %dma_start3A_17 = tpu.memref_squeeze %dma_start3A_16 : memref<1x1x64xi32, #tpu.memory_space<hbm>> -> memref<64xi32, #tpu.memory_space<hbm>>
      %dma_start3A_18 = arith.constant 0 : i32
      %dma_start3A_19 = tpu.memref_slice %arg4[%add3A, %run_scoped3A_2, %dma_start3A_18] : memref<32x160x64xi32, #tpu.memory_space<hbm>> -> memref<1x1x64xi32, #tpu.memory_space<hbm>>
      %dma_start3A_20 = tpu.memref_squeeze %dma_start3A_19 : memref<1x1x64xi32, #tpu.memory_space<hbm>> -> memref<64xi32, #tpu.memory_space<hbm>>
      tpu.enqueue_dma source(%dma_start3A_20 : memref<64xi32, #tpu.memory_space<hbm>>) target(%arg10 : memref<64xi32, #tpu.memory_space<vmem>>) target_semaphore(%run_scoped3A_15 : memref<!tpu.dma_semaphore, #tpu.memory_space<semaphore_mem>>)
      %dma_wait3A = arith.constant 0 : i32
      %dma_wait3A_21 = tpu.memref_slice %arg4[%add3A, %run_scoped3A_2, %dma_wait3A] : memref<32x160x64xi32, #tpu.memory_space<hbm>> -> memref<1x1x64xi32, #tpu.memory_space<hbm>>
      %dma_wait3A_22 = tpu.memref_squeeze %dma_wait3A_21 : memref<1x1x64xi32, #tpu.memory_space<hbm>> -> memref<64xi32, #tpu.memory_space<hbm>>
      %dma_wait3A_23 = arith.constant 0 : i32
      %dma_wait3A_24 = tpu.memref_slice %arg4[%add3A, %run_scoped3A_2, %dma_wait3A_23] : memref<32x160x64xi32, #tpu.memory_space<hbm>> -> memref<1x1x64xi32, #tpu.memory_space<hbm>>
      %dma_wait3A_25 = tpu.memref_squeeze %dma_wait3A_24 : memref<1x1x64xi32, #tpu.memory_space<hbm>> -> memref<64xi32, #tpu.memory_space<hbm>>
      tpu.wait_dma2 semaphore(%run_scoped3A_15 : memref<!tpu.dma_semaphore, #tpu.memory_space<semaphore_mem>>) src(%dma_wait3A_25 : memref<64xi32, #tpu.memory_space<hbm>>) dst(%arg10 : memref<64xi32, #tpu.memory_space<vmem>>)
      tpu.yield
    }) : () -> ()
    %run_scoped3A_3 = arith.constant 3 : i32
    "tpu.region"() ({
      %run_scoped3A_15 = tpu.sem_alloc : memref<!tpu.dma_semaphore, #tpu.memory_space<semaphore_mem>>
      %dma_start3A = arith.constant 0 : i32
      %dma_start3A_16 = tpu.memref_slice %arg4[%add3A, %run_scoped3A_3, %dma_start3A] : memref<32x160x64xi32, #tpu.memory_space<hbm>> -> memref<1x1x64xi32, #tpu.memory_space<hbm>>
      %dma_start3A_17 = tpu.memref_squeeze %dma_start3A_16 : memref<1x1x64xi32, #tpu.memory_space<hbm>> -> memref<64xi32, #tpu.memory_space<hbm>>
      %dma_start3A_18 = arith.constant 0 : i32
      %dma_start3A_19 = tpu.memref_slice %arg4[%add3A, %run_scoped3A_3, %dma_start3A_18] : memref<32x160x64xi32, #tpu.memory_space<hbm>> -> memref<1x1x64xi32, #tpu.memory_space<hbm>>
      %dma_start3A_20 = tpu.memref_squeeze %dma_start3A_19 : memref<1x1x64xi32, #tpu.memory_space<hbm>> -> memref<64xi32, #tpu.memory_space<hbm>>
      tpu.enqueue_dma source(%dma_start3A_20 : memref<64xi32, #tpu.memory_space<hbm>>) target(%arg11 : memref<64xi32, #tpu.memory_space<vmem>>) target_semaphore(%run_scoped3A_15 : memref<!tpu.dma_semaphore, #tpu.memory_space<semaphore_mem>>)
      %dma_wait3A = arith.constant 0 : i32
      %dma_wait3A_21 = tpu.memref_slice %arg4[%add3A, %run_scoped3A_3, %dma_wait3A] : memref<32x160x64xi32, #tpu.memory_space<hbm>> -> memref<1x1x64xi32, #tpu.memory_space<hbm>>
      %dma_wait3A_22 = tpu.memref_squeeze %dma_wait3A_21 : memref<1x1x64xi32, #tpu.memory_space<hbm>> -> memref<64xi32, #tpu.memory_space<hbm>>
      %dma_wait3A_23 = arith.constant 0 : i32
      %dma_wait3A_24 = tpu.memref_slice %arg4[%add3A, %run_scoped3A_3, %dma_wait3A_23] : memref<32x160x64xi32, #tpu.memory_space<hbm>> -> memref<1x1x64xi32, #tpu.memory_space<hbm>>
      %dma_wait3A_25 = tpu.memref_squeeze %dma_wait3A_24 : memref<1x1x64xi32, #tpu.memory_space<hbm>> -> memref<64xi32, #tpu.memory_space<hbm>>
      tpu.wait_dma2 semaphore(%run_scoped3A_15 : memref<!tpu.dma_semaphore, #tpu.memory_space<semaphore_mem>>) src(%dma_wait3A_25 : memref<64xi32, #tpu.memory_space<hbm>>) dst(%arg11 : memref<64xi32, #tpu.memory_space<vmem>>)
      tpu.yield
    }) : () -> ()
    %mul3A_4 = arith.constant 632 : i32
    %mul3A_5 = arith.muli %arg1, %mul3A_4 : i32
    "tpu.region"() ({
      %run_scoped3A_15 = tpu.sem_alloc : memref<!tpu.dma_semaphore, #tpu.memory_space<semaphore_mem>>
      %dma_start3A = arith.constant 0 : i32
      %dma_start3A_16 = tpu.memref_slice %arg7[%mul3A_5, %dma_start3A] : memref<10112x128xf32, #tpu.memory_space<vmem_shared>> -> memref<632x128xf32, #tpu.memory_space<vmem_shared>>
      tpu.enqueue_dma source(%arg5 : memref<632x128xf32, #tpu.memory_space<hbm>>) target(%dma_start3A_16 : memref<632x128xf32, #tpu.memory_space<vmem_shared>>) target_semaphore(%run_scoped3A_15 : memref<!tpu.dma_semaphore, #tpu.memory_space<semaphore_mem>>)
      %dma_wait3A = arith.constant 0 : i32
      %dma_wait3A_17 = tpu.memref_slice %arg7[%mul3A_5, %dma_wait3A] : memref<10112x128xf32, #tpu.memory_space<vmem_shared>> -> memref<632x128xf32, #tpu.memory_space<vmem_shared>>
      tpu.wait_dma2 semaphore(%run_scoped3A_15 : memref<!tpu.dma_semaphore, #tpu.memory_space<semaphore_mem>>) src(%arg5 : memref<632x128xf32, #tpu.memory_space<hbm>>) dst(%dma_wait3A_17 : memref<632x128xf32, #tpu.memory_space<vmem_shared>>)
      tpu.yield
    }) : () -> ()
    %barrier3A = arith.constant 0 : index
    tpu.barrier barrier_id(%barrier3A)
    %scan3A = arith.constant 0 : i32
    %scan3A_6 = arith.constant 41 : i32
    %scan3A_7 = arith.addi %scan3A, %scan3A_6 : i32
    %scan3A_8 = arith.constant 1 : i32
    scf.for %scan3A_15 = %scan3A to %scan3A_7 step %scan3A_8  : i32 {
      %mul3A_16 = arith.constant 1 : i32
      %mul3A_17 = arith.muli %scan3A_15, %mul3A_16 : i32
      %add3A_18 = arith.constant 0 : i32
      %add3A_19 = arith.addi %add3A_18, %mul3A_17 : i32
      %mul3A_20 = arith.constant 4 : i32
      %mul3A_21 = arith.muli %add3A_19, %mul3A_20 : i32
      %add3A_22 = arith.constant 0 : i32
      %add3A_23 = arith.addi %mul3A_21, %add3A_22 : i32
      %ge3A = arith.constant 4 : i32
      %ge3A_24 = arith.cmpi sge, %add3A_23, %ge3A : i32
      %convert_element_type3A = arith.extui %ge3A_24 : i1 to i32
      %cond3A = arith.constant 0 : i32
      %cond3A_25 = arith.cmpi ne, %convert_element_type3A, %cond3A : i32
      scf.if %cond3A_25 {
        %dma_wait3A = arith.constant 0 : i32
        %dma_wait3A_103 = arith.constant 0 : i32
        %dma_wait3A_104 = tpu.memref_slice %arg7[%dma_wait3A, %dma_wait3A_103] : memref<10112x128xf32, #tpu.memory_space<vmem_shared>> -> memref<10112x128xf32, #tpu.memory_space<vmem_shared>>
        tpu.wait_indirect_dma semaphore(%arg24 : memref<!tpu.dma_semaphore, #tpu.memory_space<semaphore_mem>>) src(%arg16 : memref<64x128xf32, #tpu.memory_space<vmem>>) dst(%dma_wait3A_104 : memref<10112x128xf32, #tpu.memory_space<vmem_shared>>)
      } else {
      }
      %lt3A = arith.constant 160 : i32
      %lt3A_26 = arith.cmpi slt, %add3A_23, %lt3A : i32
      %convert_element_type3A_27 = arith.extui %lt3A_26 : i1 to i32
      %cond3A_28 = arith.constant 0 : i32
      %cond3A_29 = arith.cmpi ne, %convert_element_type3A_27, %cond3A_28 : i32
      scf.if %cond3A_29 {
        %dma_start3A = arith.constant 0 : i32
        %dma_start3A_103 = tpu.memref_slice %arg3[%add3A, %add3A_23, %dma_start3A] : memref<32x160x64xi32, #tpu.memory_space<hbm>> -> memref<1x1x64xi32, #tpu.memory_space<hbm>>
        %dma_start3A_104 = tpu.memref_squeeze %dma_start3A_103 : memref<1x1x64xi32, #tpu.memory_space<hbm>> -> memref<64xi32, #tpu.memory_space<hbm>>
        %dma_start3A_105 = arith.constant 0 : i32
        %dma_start3A_106 = tpu.memref_slice %arg3[%add3A, %add3A_23, %dma_start3A_105] : memref<32x160x64xi32, #tpu.memory_space<hbm>> -> memref<1x1x64xi32, #tpu.memory_space<hbm>>
        %dma_start3A_107 = tpu.memref_squeeze %dma_start3A_106 : memref<1x1x64xi32, #tpu.memory_space<hbm>> -> memref<64xi32, #tpu.memory_space<hbm>>
        tpu.enqueue_dma source(%dma_start3A_107 : memref<64xi32, #tpu.memory_space<hbm>>) target(%arg12 : memref<64xi32, #tpu.memory_space<vmem>>) target_semaphore(%arg32 : memref<!tpu.dma_semaphore, #tpu.memory_space<semaphore_mem>>)
        %ge3A_108 = arith.constant 4 : i32
        %ge3A_109 = arith.cmpi sge, %add3A_23, %ge3A_108 : i32
        %convert_element_type3A_110 = arith.extui %ge3A_109 : i1 to i32
        %cond3A_111 = arith.constant 0 : i32
        %cond3A_112 = arith.cmpi ne, %convert_element_type3A_110, %cond3A_111 : i32
        scf.if %cond3A_112 {
          %dma_wait3A = arith.constant 0 : i32
          %dma_wait3A_116 = arith.constant 0 : i32
          %dma_wait3A_117 = tpu.memref_slice %arg4[%add3A, %dma_wait3A, %dma_wait3A_116] : memref<32x160x64xi32, #tpu.memory_space<hbm>> -> memref<1x1x64xi32, #tpu.memory_space<hbm>>
          %dma_wait3A_118 = tpu.memref_squeeze %dma_wait3A_117 : memref<1x1x64xi32, #tpu.memory_space<hbm>> -> memref<64xi32, #tpu.memory_space<hbm>>
          %dma_wait3A_119 = arith.constant 0 : i32
          %dma_wait3A_120 = tpu.memref_slice %arg4[%add3A, %dma_wait3A, %dma_wait3A_119] : memref<32x160x64xi32, #tpu.memory_space<hbm>> -> memref<1x1x64xi32, #tpu.memory_space<hbm>>
          %dma_wait3A_121 = tpu.memref_squeeze %dma_wait3A_120 : memref<1x1x64xi32, #tpu.memory_space<hbm>> -> memref<64xi32, #tpu.memory_space<hbm>>
          tpu.wait_dma2 semaphore(%arg28 : memref<!tpu.dma_semaphore, #tpu.memory_space<semaphore_mem>>) src(%dma_wait3A_121 : memref<64xi32, #tpu.memory_space<hbm>>) dst(%arg8 : memref<64xi32, #tpu.memory_space<vmem>>)
        } else {
        }
        %dma_start3A_113 = arith.constant 0 : i32
        %dma_start3A_114 = arith.constant 0 : i32
        %dma_start3A_115 = tpu.memref_slice %arg2[%dma_start3A_113, %dma_start3A_114] : memref<10000x128xf32, #tpu.memory_space<hbm>> -> memref<10000x128xf32, #tpu.memory_space<hbm>>
        tpu.enqueue_indirect_dma source(%dma_start3A_115 : memref<10000x128xf32, #tpu.memory_space<hbm>>) target(%arg16 : memref<64x128xf32, #tpu.memory_space<vmem>>) offsets(%arg8 : memref<64xi32, #tpu.memory_space<vmem>>) semaphore(%arg20 : memref<!tpu.dma_semaphore, #tpu.memory_space<semaphore_mem>>)
      } else {
      }
      %ge3A_30 = arith.constant 2 : i32
      %ge3A_31 = arith.cmpi sge, %add3A_23, %ge3A_30 : i32
      %lt3A_32 = arith.constant 162 : i32
      %lt3A_33 = arith.cmpi slt, %add3A_23, %lt3A_32 : i32
      %and3A = arith.andi %ge3A_31, %lt3A_33 : i1
      %convert_element_type3A_34 = arith.extui %and3A : i1 to i32
      %cond3A_35 = arith.constant 0 : i32
      %cond3A_36 = arith.cmpi ne, %convert_element_type3A_34, %cond3A_35 : i32
      scf.if %cond3A_36 {
        %dma_wait3A = arith.constant 0 : i32
        %dma_wait3A_103 = arith.constant 0 : i32
        %dma_wait3A_104 = tpu.memref_slice %arg2[%dma_wait3A, %dma_wait3A_103] : memref<10000x128xf32, #tpu.memory_space<hbm>> -> memref<10000x128xf32, #tpu.memory_space<hbm>>
        tpu.wait_indirect_dma semaphore(%arg22 : memref<!tpu.dma_semaphore, #tpu.memory_space<semaphore_mem>>) src(%dma_wait3A_104 : memref<10000x128xf32, #tpu.memory_space<hbm>>) dst(%arg18 : memref<64x128xf32, #tpu.memory_space<vmem>>)
        %ge3A_105 = arith.constant 2 : i32
        %ge3A_106 = arith.cmpi sge, %add3A_23, %ge3A_105 : i32
        %add3A_107 = arith.constant 2 : i32
        %add3A_108 = arith.addi %add3A_23, %add3A_107 : i32
        %lt3A_109 = arith.constant 160 : i32
        %lt3A_110 = arith.cmpi slt, %add3A_108, %lt3A_109 : i32
        %and3A_111 = arith.andi %ge3A_106, %lt3A_110 : i1
        %convert_element_type3A_112 = arith.extui %and3A_111 : i1 to i32
        %cond3A_113 = arith.constant 0 : i32
        %cond3A_114 = arith.cmpi ne, %convert_element_type3A_112, %cond3A_113 : i32
        scf.if %cond3A_114 {
          %add3A_124 = arith.constant 2 : i32
          %add3A_125 = arith.addi %add3A_23, %add3A_124 : i32
          %dma_start3A_126 = arith.constant 0 : i32
          %dma_start3A_127 = tpu.memref_slice %arg4[%add3A, %add3A_125, %dma_start3A_126] : memref<32x160x64xi32, #tpu.memory_space<hbm>> -> memref<1x1x64xi32, #tpu.memory_space<hbm>>
          %dma_start3A_128 = tpu.memref_squeeze %dma_start3A_127 : memref<1x1x64xi32, #tpu.memory_space<hbm>> -> memref<64xi32, #tpu.memory_space<hbm>>
          %dma_start3A_129 = arith.constant 0 : i32
          %dma_start3A_130 = tpu.memref_slice %arg4[%add3A, %add3A_125, %dma_start3A_129] : memref<32x160x64xi32, #tpu.memory_space<hbm>> -> memref<1x1x64xi32, #tpu.memory_space<hbm>>
          %dma_start3A_131 = tpu.memref_squeeze %dma_start3A_130 : memref<1x1x64xi32, #tpu.memory_space<hbm>> -> memref<64xi32, #tpu.memory_space<hbm>>
          tpu.enqueue_dma source(%dma_start3A_131 : memref<64xi32, #tpu.memory_space<hbm>>) target(%arg10 : memref<64xi32, #tpu.memory_space<vmem>>) target_semaphore(%arg30 : memref<!tpu.dma_semaphore, #tpu.memory_space<semaphore_mem>>)
        } else {
        }
        %dma_wait3A_115 = arith.constant 0 : i32
        %dma_wait3A_116 = arith.constant 0 : i32
        %dma_wait3A_117 = tpu.memref_slice %arg4[%add3A, %dma_wait3A_115, %dma_wait3A_116] : memref<32x160x64xi32, #tpu.memory_space<hbm>> -> memref<1x1x64xi32, #tpu.memory_space<hbm>>
        %dma_wait3A_118 = tpu.memref_squeeze %dma_wait3A_117 : memref<1x1x64xi32, #tpu.memory_space<hbm>> -> memref<64xi32, #tpu.memory_space<hbm>>
        %dma_wait3A_119 = arith.constant 0 : i32
        %dma_wait3A_120 = tpu.memref_slice %arg4[%add3A, %dma_wait3A_115, %dma_wait3A_119] : memref<32x160x64xi32, #tpu.memory_space<hbm>> -> memref<1x1x64xi32, #tpu.memory_space<hbm>>
        %dma_wait3A_121 = tpu.memref_squeeze %dma_wait3A_120 : memref<1x1x64xi32, #tpu.memory_space<hbm>> -> memref<64xi32, #tpu.memory_space<hbm>>
        tpu.wait_dma2 semaphore(%arg34 : memref<!tpu.dma_semaphore, #tpu.memory_space<semaphore_mem>>) src(%dma_wait3A_121 : memref<64xi32, #tpu.memory_space<hbm>>) dst(%arg14 : memref<64xi32, #tpu.memory_space<vmem>>)
        %dma_start3A = arith.constant 0 : i32
        %dma_start3A_122 = arith.constant 0 : i32
        %dma_start3A_123 = tpu.memref_slice %arg7[%dma_start3A, %dma_start3A_122] : memref<10112x128xf32, #tpu.memory_space<vmem_shared>> -> memref<10112x128xf32, #tpu.memory_space<vmem_shared>>
        tpu.enqueue_indirect_dma source(%arg18 : memref<64x128xf32, #tpu.memory_space<vmem>>) target(%dma_start3A_123 : memref<10112x128xf32, #tpu.memory_space<vmem_shared>>) offsets(%arg14 : memref<64xi32, #tpu.memory_space<vmem>>) semaphore(%arg26 : memref<!tpu.dma_semaphore, #tpu.memory_space<semaphore_mem>>) {add = true}
      } else {
      }
      %mul3A_37 = arith.constant 4 : i32
      %mul3A_38 = arith.muli %add3A_19, %mul3A_37 : i32
      %add3A_39 = arith.constant 1 : i32
      %add3A_40 = arith.addi %mul3A_38, %add3A_39 : i32
      %ge3A_41 = arith.constant 4 : i32
      %ge3A_42 = arith.cmpi sge, %add3A_40, %ge3A_41 : i32
      %convert_element_type3A_43 = arith.extui %ge3A_42 : i1 to i32
      %cond3A_44 = arith.constant 0 : i32
      %cond3A_45 = arith.cmpi ne, %convert_element_type3A_43, %cond3A_44 : i32
      scf.if %cond3A_45 {
        %dma_wait3A = arith.constant 0 : i32
        %dma_wait3A_103 = arith.constant 0 : i32
        %dma_wait3A_104 = tpu.memref_slice %arg7[%dma_wait3A, %dma_wait3A_103] : memref<10112x128xf32, #tpu.memory_space<vmem_shared>> -> memref<10112x128xf32, #tpu.memory_space<vmem_shared>>
        tpu.wait_indirect_dma semaphore(%arg25 : memref<!tpu.dma_semaphore, #tpu.memory_space<semaphore_mem>>) src(%arg17 : memref<64x128xf32, #tpu.memory_space<vmem>>) dst(%dma_wait3A_104 : memref<10112x128xf32, #tpu.memory_space<vmem_shared>>)
      } else {
      }
      %lt3A_46 = arith.constant 160 : i32
      %lt3A_47 = arith.cmpi slt, %add3A_40, %lt3A_46 : i32
      %convert_element_type3A_48 = arith.extui %lt3A_47 : i1 to i32
      %cond3A_49 = arith.constant 0 : i32
      %cond3A_50 = arith.cmpi ne, %convert_element_type3A_48, %cond3A_49 : i32
      scf.if %cond3A_50 {
        %dma_start3A = arith.constant 0 : i32
        %dma_start3A_103 = tpu.memref_slice %arg3[%add3A, %add3A_40, %dma_start3A] : memref<32x160x64xi32, #tpu.memory_space<hbm>> -> memref<1x1x64xi32, #tpu.memory_space<hbm>>
        %dma_start3A_104 = tpu.memref_squeeze %dma_start3A_103 : memref<1x1x64xi32, #tpu.memory_space<hbm>> -> memref<64xi32, #tpu.memory_space<hbm>>
        %dma_start3A_105 = arith.constant 0 : i32
        %dma_start3A_106 = tpu.memref_slice %arg3[%add3A, %add3A_40, %dma_start3A_105] : memref<32x160x64xi32, #tpu.memory_space<hbm>> -> memref<1x1x64xi32, #tpu.memory_space<hbm>>
        %dma_start3A_107 = tpu.memref_squeeze %dma_start3A_106 : memref<1x1x64xi32, #tpu.memory_space<hbm>> -> memref<64xi32, #tpu.memory_space<hbm>>
        tpu.enqueue_dma source(%dma_start3A_107 : memref<64xi32, #tpu.memory_space<hbm>>) target(%arg13 : memref<64xi32, #tpu.memory_space<vmem>>) target_semaphore(%arg33 : memref<!tpu.dma_semaphore, #tpu.memory_space<semaphore_mem>>)
        %ge3A_108 = arith.constant 4 : i32
        %ge3A_109 = arith.cmpi sge, %add3A_40, %ge3A_108 : i32
        %convert_element_type3A_110 = arith.extui %ge3A_109 : i1 to i32
        %cond3A_111 = arith.constant 0 : i32
        %cond3A_112 = arith.cmpi ne, %convert_element_type3A_110, %cond3A_111 : i32
        scf.if %cond3A_112 {
          %dma_wait3A = arith.constant 0 : i32
          %dma_wait3A_116 = arith.constant 0 : i32
          %dma_wait3A_117 = tpu.memref_slice %arg4[%add3A, %dma_wait3A, %dma_wait3A_116] : memref<32x160x64xi32, #tpu.memory_space<hbm>> -> memref<1x1x64xi32, #tpu.memory_space<hbm>>
          %dma_wait3A_118 = tpu.memref_squeeze %dma_wait3A_117 : memref<1x1x64xi32, #tpu.memory_space<hbm>> -> memref<64xi32, #tpu.memory_space<hbm>>
          %dma_wait3A_119 = arith.constant 0 : i32
          %dma_wait3A_120 = tpu.memref_slice %arg4[%add3A, %dma_wait3A, %dma_wait3A_119] : memref<32x160x64xi32, #tpu.memory_space<hbm>> -> memref<1x1x64xi32, #tpu.memory_space<hbm>>
          %dma_wait3A_121 = tpu.memref_squeeze %dma_wait3A_120 : memref<1x1x64xi32, #tpu.memory_space<hbm>> -> memref<64xi32, #tpu.memory_space<hbm>>
          tpu.wait_dma2 semaphore(%arg29 : memref<!tpu.dma_semaphore, #tpu.memory_space<semaphore_mem>>) src(%dma_wait3A_121 : memref<64xi32, #tpu.memory_space<hbm>>) dst(%arg9 : memref<64xi32, #tpu.memory_space<vmem>>)
        } else {
        }
        %dma_start3A_113 = arith.constant 0 : i32
        %dma_start3A_114 = arith.constant 0 : i32
        %dma_start3A_115 = tpu.memref_slice %arg2[%dma_start3A_113, %dma_start3A_114] : memref<10000x128xf32, #tpu.memory_space<hbm>> -> memref<10000x128xf32, #tpu.memory_space<hbm>>
        tpu.enqueue_indirect_dma source(%dma_start3A_115 : memref<10000x128xf32, #tpu.memory_space<hbm>>) target(%arg17 : memref<64x128xf32, #tpu.memory_space<vmem>>) offsets(%arg9 : memref<64xi32, #tpu.memory_space<vmem>>) semaphore(%arg21 : memref<!tpu.dma_semaphore, #tpu.memory_space<semaphore_mem>>)
      } else {
      }
      %ge3A_51 = arith.constant 2 : i32
      %ge3A_52 = arith.cmpi sge, %add3A_40, %ge3A_51 : i32
      %lt3A_53 = arith.constant 162 : i32
      %lt3A_54 = arith.cmpi slt, %add3A_40, %lt3A_53 : i32
      %and3A_55 = arith.andi %ge3A_52, %lt3A_54 : i1
      %convert_element_type3A_56 = arith.extui %and3A_55 : i1 to i32
      %cond3A_57 = arith.constant 0 : i32
      %cond3A_58 = arith.cmpi ne, %convert_element_type3A_56, %cond3A_57 : i32
      scf.if %cond3A_58 {
        %dma_wait3A = arith.constant 0 : i32
        %dma_wait3A_103 = arith.constant 0 : i32
        %dma_wait3A_104 = tpu.memref_slice %arg2[%dma_wait3A, %dma_wait3A_103] : memref<10000x128xf32, #tpu.memory_space<hbm>> -> memref<10000x128xf32, #tpu.memory_space<hbm>>
        tpu.wait_indirect_dma semaphore(%arg23 : memref<!tpu.dma_semaphore, #tpu.memory_space<semaphore_mem>>) src(%dma_wait3A_104 : memref<10000x128xf32, #tpu.memory_space<hbm>>) dst(%arg19 : memref<64x128xf32, #tpu.memory_space<vmem>>)
        %ge3A_105 = arith.constant 2 : i32
        %ge3A_106 = arith.cmpi sge, %add3A_40, %ge3A_105 : i32
        %add3A_107 = arith.constant 2 : i32
        %add3A_108 = arith.addi %add3A_40, %add3A_107 : i32
        %lt3A_109 = arith.constant 160 : i32
        %lt3A_110 = arith.cmpi slt, %add3A_108, %lt3A_109 : i32
        %and3A_111 = arith.andi %ge3A_106, %lt3A_110 : i1
        %convert_element_type3A_112 = arith.extui %and3A_111 : i1 to i32
        %cond3A_113 = arith.constant 0 : i32
        %cond3A_114 = arith.cmpi ne, %convert_element_type3A_112, %cond3A_113 : i32
        scf.if %cond3A_114 {
          %add3A_124 = arith.constant 2 : i32
          %add3A_125 = arith.addi %add3A_40, %add3A_124 : i32
          %dma_start3A_126 = arith.constant 0 : i32
          %dma_start3A_127 = tpu.memref_slice %arg4[%add3A, %add3A_125, %dma_start3A_126] : memref<32x160x64xi32, #tpu.memory_space<hbm>> -> memref<1x1x64xi32, #tpu.memory_space<hbm>>
          %dma_start3A_128 = tpu.memref_squeeze %dma_start3A_127 : memref<1x1x64xi32, #tpu.memory_space<hbm>> -> memref<64xi32, #tpu.memory_space<hbm>>
          %dma_start3A_129 = arith.constant 0 : i32
          %dma_start3A_130 = tpu.memref_slice %arg4[%add3A, %add3A_125, %dma_start3A_129] : memref<32x160x64xi32, #tpu.memory_space<hbm>> -> memref<1x1x64xi32, #tpu.memory_space<hbm>>
          %dma_start3A_131 = tpu.memref_squeeze %dma_start3A_130 : memref<1x1x64xi32, #tpu.memory_space<hbm>> -> memref<64xi32, #tpu.memory_space<hbm>>
          tpu.enqueue_dma source(%dma_start3A_131 : memref<64xi32, #tpu.memory_space<hbm>>) target(%arg11 : memref<64xi32, #tpu.memory_space<vmem>>) target_semaphore(%arg31 : memref<!tpu.dma_semaphore, #tpu.memory_space<semaphore_mem>>)
        } else {
        }
        %dma_wait3A_115 = arith.constant 0 : i32
        %dma_wait3A_116 = arith.constant 0 : i32
        %dma_wait3A_117 = tpu.memref_slice %arg4[%add3A, %dma_wait3A_115, %dma_wait3A_116] : memref<32x160x64xi32, #tpu.memory_space<hbm>> -> memref<1x1x64xi32, #tpu.memory_space<hbm>>
        %dma_wait3A_118 = tpu.memref_squeeze %dma_wait3A_117 : memref<1x1x64xi32, #tpu.memory_space<hbm>> -> memref<64xi32, #tpu.memory_space<hbm>>
        %dma_wait3A_119 = arith.constant 0 : i32
        %dma_wait3A_120 = tpu.memref_slice %arg4[%add3A, %dma_wait3A_115, %dma_wait3A_119] : memref<32x160x64xi32, #tpu.memory_space<hbm>> -> memref<1x1x64xi32, #tpu.memory_space<hbm>>
        %dma_wait3A_121 = tpu.memref_squeeze %dma_wait3A_120 : memref<1x1x64xi32, #tpu.memory_space<hbm>> -> memref<64xi32, #tpu.memory_space<hbm>>
        tpu.wait_dma2 semaphore(%arg35 : memref<!tpu.dma_semaphore, #tpu.memory_space<semaphore_mem>>) src(%dma_wait3A_121 : memref<64xi32, #tpu.memory_space<hbm>>) dst(%arg15 : memref<64xi32, #tpu.memory_space<vmem>>)
        %dma_start3A = arith.constant 0 : i32
        %dma_start3A_122 = arith.constant 0 : i32
        %dma_start3A_123 = tpu.memref_slice %arg7[%dma_start3A, %dma_start3A_122] : memref<10112x128xf32, #tpu.memory_space<vmem_shared>> -> memref<10112x128xf32, #tpu.memory_space<vmem_shared>>
        tpu.enqueue_indirect_dma source(%arg19 : memref<64x128xf32, #tpu.memory_space<vmem>>) target(%dma_start3A_123 : memref<10112x128xf32, #tpu.memory_space<vmem_shared>>) offsets(%arg15 : memref<64xi32, #tpu.memory_space<vmem>>) semaphore(%arg27 : memref<!tpu.dma_semaphore, #tpu.memory_space<semaphore_mem>>) {add = true}
      } else {
      }
      %mul3A_59 = arith.constant 4 : i32
      %mul3A_60 = arith.muli %add3A_19, %mul3A_59 : i32
      %add3A_61 = arith.constant 2 : i32
      %add3A_62 = arith.addi %mul3A_60, %add3A_61 : i32
      %ge3A_63 = arith.constant 4 : i32
      %ge3A_64 = arith.cmpi sge, %add3A_62, %ge3A_63 : i32
      %convert_element_type3A_65 = arith.extui %ge3A_64 : i1 to i32
      %cond3A_66 = arith.constant 0 : i32
      %cond3A_67 = arith.cmpi ne, %convert_element_type3A_65, %cond3A_66 : i32
      scf.if %cond3A_67 {
        %dma_wait3A = arith.constant 0 : i32
        %dma_wait3A_103 = arith.constant 0 : i32
        %dma_wait3A_104 = tpu.memref_slice %arg7[%dma_wait3A, %dma_wait3A_103] : memref<10112x128xf32, #tpu.memory_space<vmem_shared>> -> memref<10112x128xf32, #tpu.memory_space<vmem_shared>>
        tpu.wait_indirect_dma semaphore(%arg26 : memref<!tpu.dma_semaphore, #tpu.memory_space<semaphore_mem>>) src(%arg18 : memref<64x128xf32, #tpu.memory_space<vmem>>) dst(%dma_wait3A_104 : memref<10112x128xf32, #tpu.memory_space<vmem_shared>>)
      } else {
      }
      %lt3A_68 = arith.constant 160 : i32
      %lt3A_69 = arith.cmpi slt, %add3A_62, %lt3A_68 : i32
      %convert_element_type3A_70 = arith.extui %lt3A_69 : i1 to i32
      %cond3A_71 = arith.constant 0 : i32
      %cond3A_72 = arith.cmpi ne, %convert_element_type3A_70, %cond3A_71 : i32
      scf.if %cond3A_72 {
        %dma_start3A = arith.constant 0 : i32
        %dma_start3A_103 = tpu.memref_slice %arg3[%add3A, %add3A_62, %dma_start3A] : memref<32x160x64xi32, #tpu.memory_space<hbm>> -> memref<1x1x64xi32, #tpu.memory_space<hbm>>
        %dma_start3A_104 = tpu.memref_squeeze %dma_start3A_103 : memref<1x1x64xi32, #tpu.memory_space<hbm>> -> memref<64xi32, #tpu.memory_space<hbm>>
        %dma_start3A_105 = arith.constant 0 : i32
        %dma_start3A_106 = tpu.memref_slice %arg3[%add3A, %add3A_62, %dma_start3A_105] : memref<32x160x64xi32, #tpu.memory_space<hbm>> -> memref<1x1x64xi32, #tpu.memory_space<hbm>>
        %dma_start3A_107 = tpu.memref_squeeze %dma_start3A_106 : memref<1x1x64xi32, #tpu.memory_space<hbm>> -> memref<64xi32, #tpu.memory_space<hbm>>
        tpu.enqueue_dma source(%dma_start3A_107 : memref<64xi32, #tpu.memory_space<hbm>>) target(%arg14 : memref<64xi32, #tpu.memory_space<vmem>>) target_semaphore(%arg34 : memref<!tpu.dma_semaphore, #tpu.memory_space<semaphore_mem>>)
        %ge3A_108 = arith.constant 4 : i32
        %ge3A_109 = arith.cmpi sge, %add3A_62, %ge3A_108 : i32
        %convert_element_type3A_110 = arith.extui %ge3A_109 : i1 to i32
        %cond3A_111 = arith.constant 0 : i32
        %cond3A_112 = arith.cmpi ne, %convert_element_type3A_110, %cond3A_111 : i32
        scf.if %cond3A_112 {
          %dma_wait3A = arith.constant 0 : i32
          %dma_wait3A_116 = arith.constant 0 : i32
          %dma_wait3A_117 = tpu.memref_slice %arg4[%add3A, %dma_wait3A, %dma_wait3A_116] : memref<32x160x64xi32, #tpu.memory_space<hbm>> -> memref<1x1x64xi32, #tpu.memory_space<hbm>>
          %dma_wait3A_118 = tpu.memref_squeeze %dma_wait3A_117 : memref<1x1x64xi32, #tpu.memory_space<hbm>> -> memref<64xi32, #tpu.memory_space<hbm>>
          %dma_wait3A_119 = arith.constant 0 : i32
          %dma_wait3A_120 = tpu.memref_slice %arg4[%add3A, %dma_wait3A, %dma_wait3A_119] : memref<32x160x64xi32, #tpu.memory_space<hbm>> -> memref<1x1x64xi32, #tpu.memory_space<hbm>>
          %dma_wait3A_121 = tpu.memref_squeeze %dma_wait3A_120 : memref<1x1x64xi32, #tpu.memory_space<hbm>> -> memref<64xi32, #tpu.memory_space<hbm>>
          tpu.wait_dma2 semaphore(%arg30 : memref<!tpu.dma_semaphore, #tpu.memory_space<semaphore_mem>>) src(%dma_wait3A_121 : memref<64xi32, #tpu.memory_space<hbm>>) dst(%arg10 : memref<64xi32, #tpu.memory_space<vmem>>)
        } else {
        }
        %dma_start3A_113 = arith.constant 0 : i32
        %dma_start3A_114 = arith.constant 0 : i32
        %dma_start3A_115 = tpu.memref_slice %arg2[%dma_start3A_113, %dma_start3A_114] : memref<10000x128xf32, #tpu.memory_space<hbm>> -> memref<10000x128xf32, #tpu.memory_space<hbm>>
        tpu.enqueue_indirect_dma source(%dma_start3A_115 : memref<10000x128xf32, #tpu.memory_space<hbm>>) target(%arg18 : memref<64x128xf32, #tpu.memory_space<vmem>>) offsets(%arg10 : memref<64xi32, #tpu.memory_space<vmem>>) semaphore(%arg22 : memref<!tpu.dma_semaphore, #tpu.memory_space<semaphore_mem>>)
      } else {
      }
      %ge3A_73 = arith.constant 2 : i32
      %ge3A_74 = arith.cmpi sge, %add3A_62, %ge3A_73 : i32
      %lt3A_75 = arith.constant 162 : i32
      %lt3A_76 = arith.cmpi slt, %add3A_62, %lt3A_75 : i32
      %and3A_77 = arith.andi %ge3A_74, %lt3A_76 : i1
      %convert_element_type3A_78 = arith.extui %and3A_77 : i1 to i32
      %cond3A_79 = arith.constant 0 : i32
      %cond3A_80 = arith.cmpi ne, %convert_element_type3A_78, %cond3A_79 : i32
      scf.if %cond3A_80 {
        %dma_wait3A = arith.constant 0 : i32
        %dma_wait3A_103 = arith.constant 0 : i32
        %dma_wait3A_104 = tpu.memref_slice %arg2[%dma_wait3A, %dma_wait3A_103] : memref<10000x128xf32, #tpu.memory_space<hbm>> -> memref<10000x128xf32, #tpu.memory_space<hbm>>
        tpu.wait_indirect_dma semaphore(%arg20 : memref<!tpu.dma_semaphore, #tpu.memory_space<semaphore_mem>>) src(%dma_wait3A_104 : memref<10000x128xf32, #tpu.memory_space<hbm>>) dst(%arg16 : memref<64x128xf32, #tpu.memory_space<vmem>>)
        %ge3A_105 = arith.constant 2 : i32
        %ge3A_106 = arith.cmpi sge, %add3A_62, %ge3A_105 : i32
        %add3A_107 = arith.constant 2 : i32
        %add3A_108 = arith.addi %add3A_62, %add3A_107 : i32
        %lt3A_109 = arith.constant 160 : i32
        %lt3A_110 = arith.cmpi slt, %add3A_108, %lt3A_109 : i32
        %and3A_111 = arith.andi %ge3A_106, %lt3A_110 : i1
        %convert_element_type3A_112 = arith.extui %and3A_111 : i1 to i32
        %cond3A_113 = arith.constant 0 : i32
        %cond3A_114 = arith.cmpi ne, %convert_element_type3A_112, %cond3A_113 : i32
        scf.if %cond3A_114 {
          %add3A_124 = arith.constant 2 : i32
          %add3A_125 = arith.addi %add3A_62, %add3A_124 : i32
          %dma_start3A_126 = arith.constant 0 : i32
          %dma_start3A_127 = tpu.memref_slice %arg4[%add3A, %add3A_125, %dma_start3A_126] : memref<32x160x64xi32, #tpu.memory_space<hbm>> -> memref<1x1x64xi32, #tpu.memory_space<hbm>>
          %dma_start3A_128 = tpu.memref_squeeze %dma_start3A_127 : memref<1x1x64xi32, #tpu.memory_space<hbm>> -> memref<64xi32, #tpu.memory_space<hbm>>
          %dma_start3A_129 = arith.constant 0 : i32
          %dma_start3A_130 = tpu.memref_slice %arg4[%add3A, %add3A_125, %dma_start3A_129] : memref<32x160x64xi32, #tpu.memory_space<hbm>> -> memref<1x1x64xi32, #tpu.memory_space<hbm>>
          %dma_start3A_131 = tpu.memref_squeeze %dma_start3A_130 : memref<1x1x64xi32, #tpu.memory_space<hbm>> -> memref<64xi32, #tpu.memory_space<hbm>>
          tpu.enqueue_dma source(%dma_start3A_131 : memref<64xi32, #tpu.memory_space<hbm>>) target(%arg8 : memref<64xi32, #tpu.memory_space<vmem>>) target_semaphore(%arg28 : memref<!tpu.dma_semaphore, #tpu.memory_space<semaphore_mem>>)
        } else {
        }
        %dma_wait3A_115 = arith.constant 0 : i32
        %dma_wait3A_116 = arith.constant 0 : i32
        %dma_wait3A_117 = tpu.memref_slice %arg4[%add3A, %dma_wait3A_115, %dma_wait3A_116] : memref<32x160x64xi32, #tpu.memory_space<hbm>> -> memref<1x1x64xi32, #tpu.memory_space<hbm>>
        %dma_wait3A_118 = tpu.memref_squeeze %dma_wait3A_117 : memref<1x1x64xi32, #tpu.memory_space<hbm>> -> memref<64xi32, #tpu.memory_space<hbm>>
        %dma_wait3A_119 = arith.constant 0 : i32
        %dma_wait3A_120 = tpu.memref_slice %arg4[%add3A, %dma_wait3A_115, %dma_wait3A_119] : memref<32x160x64xi32, #tpu.memory_space<hbm>> -> memref<1x1x64xi32, #tpu.memory_space<hbm>>
        %dma_wait3A_121 = tpu.memref_squeeze %dma_wait3A_120 : memref<1x1x64xi32, #tpu.memory_space<hbm>> -> memref<64xi32, #tpu.memory_space<hbm>>
        tpu.wait_dma2 semaphore(%arg32 : memref<!tpu.dma_semaphore, #tpu.memory_space<semaphore_mem>>) src(%dma_wait3A_121 : memref<64xi32, #tpu.memory_space<hbm>>) dst(%arg12 : memref<64xi32, #tpu.memory_space<vmem>>)
        %dma_start3A = arith.constant 0 : i32
        %dma_start3A_122 = arith.constant 0 : i32
        %dma_start3A_123 = tpu.memref_slice %arg7[%dma_start3A, %dma_start3A_122] : memref<10112x128xf32, #tpu.memory_space<vmem_shared>> -> memref<10112x128xf32, #tpu.memory_space<vmem_shared>>
        tpu.enqueue_indirect_dma source(%arg16 : memref<64x128xf32, #tpu.memory_space<vmem>>) target(%dma_start3A_123 : memref<10112x128xf32, #tpu.memory_space<vmem_shared>>) offsets(%arg12 : memref<64xi32, #tpu.memory_space<vmem>>) semaphore(%arg24 : memref<!tpu.dma_semaphore, #tpu.memory_space<semaphore_mem>>) {add = true}
      } else {
      }
      %mul3A_81 = arith.constant 4 : i32
      %mul3A_82 = arith.muli %add3A_19, %mul3A_81 : i32
      %add3A_83 = arith.constant 3 : i32
      %add3A_84 = arith.addi %mul3A_82, %add3A_83 : i32
      %ge3A_85 = arith.constant 4 : i32
      %ge3A_86 = arith.cmpi sge, %add3A_84, %ge3A_85 : i32
      %convert_element_type3A_87 = arith.extui %ge3A_86 : i1 to i32
      %cond3A_88 = arith.constant 0 : i32
      %cond3A_89 = arith.cmpi ne, %convert_element_type3A_87, %cond3A_88 : i32
      scf.if %cond3A_89 {
        %dma_wait3A = arith.constant 0 : i32
        %dma_wait3A_103 = arith.constant 0 : i32
        %dma_wait3A_104 = tpu.memref_slice %arg7[%dma_wait3A, %dma_wait3A_103] : memref<10112x128xf32, #tpu.memory_space<vmem_shared>> -> memref<10112x128xf32, #tpu.memory_space<vmem_shared>>
        tpu.wait_indirect_dma semaphore(%arg27 : memref<!tpu.dma_semaphore, #tpu.memory_space<semaphore_mem>>) src(%arg19 : memref<64x128xf32, #tpu.memory_space<vmem>>) dst(%dma_wait3A_104 : memref<10112x128xf32, #tpu.memory_space<vmem_shared>>)
      } else {
      }
      %lt3A_90 = arith.constant 160 : i32
      %lt3A_91 = arith.cmpi slt, %add3A_84, %lt3A_90 : i32
      %convert_element_type3A_92 = arith.extui %lt3A_91 : i1 to i32
      %cond3A_93 = arith.constant 0 : i32
      %cond3A_94 = arith.cmpi ne, %convert_element_type3A_92, %cond3A_93 : i32
      scf.if %cond3A_94 {
        %dma_start3A = arith.constant 0 : i32
        %dma_start3A_103 = tpu.memref_slice %arg3[%add3A, %add3A_84, %dma_start3A] : memref<32x160x64xi32, #tpu.memory_space<hbm>> -> memref<1x1x64xi32, #tpu.memory_space<hbm>>
        %dma_start3A_104 = tpu.memref_squeeze %dma_start3A_103 : memref<1x1x64xi32, #tpu.memory_space<hbm>> -> memref<64xi32, #tpu.memory_space<hbm>>
        %dma_start3A_105 = arith.constant 0 : i32
        %dma_start3A_106 = tpu.memref_slice %arg3[%add3A, %add3A_84, %dma_start3A_105] : memref<32x160x64xi32, #tpu.memory_space<hbm>> -> memref<1x1x64xi32, #tpu.memory_space<hbm>>
        %dma_start3A_107 = tpu.memref_squeeze %dma_start3A_106 : memref<1x1x64xi32, #tpu.memory_space<hbm>> -> memref<64xi32, #tpu.memory_space<hbm>>
        tpu.enqueue_dma source(%dma_start3A_107 : memref<64xi32, #tpu.memory_space<hbm>>) target(%arg15 : memref<64xi32, #tpu.memory_space<vmem>>) target_semaphore(%arg35 : memref<!tpu.dma_semaphore, #tpu.memory_space<semaphore_mem>>)
        %ge3A_108 = arith.constant 4 : i32
        %ge3A_109 = arith.cmpi sge, %add3A_84, %ge3A_108 : i32
        %convert_element_type3A_110 = arith.extui %ge3A_109 : i1 to i32
        %cond3A_111 = arith.constant 0 : i32
        %cond3A_112 = arith.cmpi ne, %convert_element_type3A_110, %cond3A_111 : i32
        scf.if %cond3A_112 {
          %dma_wait3A = arith.constant 0 : i32
          %dma_wait3A_116 = arith.constant 0 : i32
          %dma_wait3A_117 = tpu.memref_slice %arg4[%add3A, %dma_wait3A, %dma_wait3A_116] : memref<32x160x64xi32, #tpu.memory_space<hbm>> -> memref<1x1x64xi32, #tpu.memory_space<hbm>>
          %dma_wait3A_118 = tpu.memref_squeeze %dma_wait3A_117 : memref<1x1x64xi32, #tpu.memory_space<hbm>> -> memref<64xi32, #tpu.memory_space<hbm>>
          %dma_wait3A_119 = arith.constant 0 : i32
          %dma_wait3A_120 = tpu.memref_slice %arg4[%add3A, %dma_wait3A, %dma_wait3A_119] : memref<32x160x64xi32, #tpu.memory_space<hbm>> -> memref<1x1x64xi32, #tpu.memory_space<hbm>>
          %dma_wait3A_121 = tpu.memref_squeeze %dma_wait3A_120 : memref<1x1x64xi32, #tpu.memory_space<hbm>> -> memref<64xi32, #tpu.memory_space<hbm>>
          tpu.wait_dma2 semaphore(%arg31 : memref<!tpu.dma_semaphore, #tpu.memory_space<semaphore_mem>>) src(%dma_wait3A_121 : memref<64xi32, #tpu.memory_space<hbm>>) dst(%arg11 : memref<64xi32, #tpu.memory_space<vmem>>)
        } else {
        }
        %dma_start3A_113 = arith.constant 0 : i32
        %dma_start3A_114 = arith.constant 0 : i32
        %dma_start3A_115 = tpu.memref_slice %arg2[%dma_start3A_113, %dma_start3A_114] : memref<10000x128xf32, #tpu.memory_space<hbm>> -> memref<10000x128xf32, #tpu.memory_space<hbm>>
        tpu.enqueue_indirect_dma source(%dma_start3A_115 : memref<10000x128xf32, #tpu.memory_space<hbm>>) target(%arg19 : memref<64x128xf32, #tpu.memory_space<vmem>>) offsets(%arg11 : memref<64xi32, #tpu.memory_space<vmem>>) semaphore(%arg23 : memref<!tpu.dma_semaphore, #tpu.memory_space<semaphore_mem>>)
      } else {
      }
      %ge3A_95 = arith.constant 2 : i32
      %ge3A_96 = arith.cmpi sge, %add3A_84, %ge3A_95 : i32
      %lt3A_97 = arith.constant 162 : i32
      %lt3A_98 = arith.cmpi slt, %add3A_84, %lt3A_97 : i32
      %and3A_99 = arith.andi %ge3A_96, %lt3A_98 : i1
      %convert_element_type3A_100 = arith.extui %and3A_99 : i1 to i32
      %cond3A_101 = arith.constant 0 : i32
      %cond3A_102 = arith.cmpi ne, %convert_element_type3A_100, %cond3A_101 : i32
      scf.if %cond3A_102 {
        %dma_wait3A = arith.constant 0 : i32
        %dma_wait3A_103 = arith.constant 0 : i32
        %dma_wait3A_104 = tpu.memref_slice %arg2[%dma_wait3A, %dma_wait3A_103] : memref<10000x128xf32, #tpu.memory_space<hbm>> -> memref<10000x128xf32, #tpu.memory_space<hbm>>
        tpu.wait_indirect_dma semaphore(%arg21 : memref<!tpu.dma_semaphore, #tpu.memory_space<semaphore_mem>>) src(%dma_wait3A_104 : memref<10000x128xf32, #tpu.memory_space<hbm>>) dst(%arg17 : memref<64x128xf32, #tpu.memory_space<vmem>>)
        %ge3A_105 = arith.constant 2 : i32
        %ge3A_106 = arith.cmpi sge, %add3A_84, %ge3A_105 : i32
        %add3A_107 = arith.constant 2 : i32
        %add3A_108 = arith.addi %add3A_84, %add3A_107 : i32
        %lt3A_109 = arith.constant 160 : i32
        %lt3A_110 = arith.cmpi slt, %add3A_108, %lt3A_109 : i32
        %and3A_111 = arith.andi %ge3A_106, %lt3A_110 : i1
        %convert_element_type3A_112 = arith.extui %and3A_111 : i1 to i32
        %cond3A_113 = arith.constant 0 : i32
        %cond3A_114 = arith.cmpi ne, %convert_element_type3A_112, %cond3A_113 : i32
        scf.if %cond3A_114 {
          %add3A_124 = arith.constant 2 : i32
          %add3A_125 = arith.addi %add3A_84, %add3A_124 : i32
          %dma_start3A_126 = arith.constant 0 : i32
          %dma_start3A_127 = tpu.memref_slice %arg4[%add3A, %add3A_125, %dma_start3A_126] : memref<32x160x64xi32, #tpu.memory_space<hbm>> -> memref<1x1x64xi32, #tpu.memory_space<hbm>>
          %dma_start3A_128 = tpu.memref_squeeze %dma_start3A_127 : memref<1x1x64xi32, #tpu.memory_space<hbm>> -> memref<64xi32, #tpu.memory_space<hbm>>
          %dma_start3A_129 = arith.constant 0 : i32
          %dma_start3A_130 = tpu.memref_slice %arg4[%add3A, %add3A_125, %dma_start3A_129] : memref<32x160x64xi32, #tpu.memory_space<hbm>> -> memref<1x1x64xi32, #tpu.memory_space<hbm>>
          %dma_start3A_131 = tpu.memref_squeeze %dma_start3A_130 : memref<1x1x64xi32, #tpu.memory_space<hbm>> -> memref<64xi32, #tpu.memory_space<hbm>>
          tpu.enqueue_dma source(%dma_start3A_131 : memref<64xi32, #tpu.memory_space<hbm>>) target(%arg9 : memref<64xi32, #tpu.memory_space<vmem>>) target_semaphore(%arg29 : memref<!tpu.dma_semaphore, #tpu.memory_space<semaphore_mem>>)
        } else {
        }
        %dma_wait3A_115 = arith.constant 0 : i32
        %dma_wait3A_116 = arith.constant 0 : i32
        %dma_wait3A_117 = tpu.memref_slice %arg4[%add3A, %dma_wait3A_115, %dma_wait3A_116] : memref<32x160x64xi32, #tpu.memory_space<hbm>> -> memref<1x1x64xi32, #tpu.memory_space<hbm>>
        %dma_wait3A_118 = tpu.memref_squeeze %dma_wait3A_117 : memref<1x1x64xi32, #tpu.memory_space<hbm>> -> memref<64xi32, #tpu.memory_space<hbm>>
        %dma_wait3A_119 = arith.constant 0 : i32
        %dma_wait3A_120 = tpu.memref_slice %arg4[%add3A, %dma_wait3A_115, %dma_wait3A_119] : memref<32x160x64xi32, #tpu.memory_space<hbm>> -> memref<1x1x64xi32, #tpu.memory_space<hbm>>
        %dma_wait3A_121 = tpu.memref_squeeze %dma_wait3A_120 : memref<1x1x64xi32, #tpu.memory_space<hbm>> -> memref<64xi32, #tpu.memory_space<hbm>>
        tpu.wait_dma2 semaphore(%arg33 : memref<!tpu.dma_semaphore, #tpu.memory_space<semaphore_mem>>) src(%dma_wait3A_121 : memref<64xi32, #tpu.memory_space<hbm>>) dst(%arg13 : memref<64xi32, #tpu.memory_space<vmem>>)
        %dma_start3A = arith.constant 0 : i32
        %dma_start3A_122 = arith.constant 0 : i32
        %dma_start3A_123 = tpu.memref_slice %arg7[%dma_start3A, %dma_start3A_122] : memref<10112x128xf32, #tpu.memory_space<vmem_shared>> -> memref<10112x128xf32, #tpu.memory_space<vmem_shared>>
        tpu.enqueue_indirect_dma source(%arg17 : memref<64x128xf32, #tpu.memory_space<vmem>>) target(%dma_start3A_123 : memref<10112x128xf32, #tpu.memory_space<vmem_shared>>) offsets(%arg13 : memref<64xi32, #tpu.memory_space<vmem>>) semaphore(%arg25 : memref<!tpu.dma_semaphore, #tpu.memory_space<semaphore_mem>>) {add = true}
      } else {
      }
    }
    %scan3A_9 = arith.constant 41 : i32
    %barrier3A_10 = arith.constant 0 : index
    tpu.barrier barrier_id(%barrier3A_10)
    %mul3A_11 = arith.constant 632 : i32
    %mul3A_12 = arith.muli %arg1, %mul3A_11 : i32
    %mul3A_13 = arith.constant 632 : i32
    %mul3A_14 = arith.muli %arg1, %mul3A_13 : i32
    "tpu.region"() ({
      %run_scoped3A_15 = tpu.sem_alloc : memref<!tpu.dma_semaphore, #tpu.memory_space<semaphore_mem>>
      %dma_start3A = arith.constant 0 : i32
      %dma_start3A_16 = tpu.memref_slice %arg6[%arg0, %mul3A_14, %dma_start3A] : memref<2x10112x128xf32, #tpu.memory_space<hbm>> -> memref<1x632x128xf32, #tpu.memory_space<hbm>>
      %dma_start3A_17 = tpu.memref_squeeze %dma_start3A_16 : memref<1x632x128xf32, #tpu.memory_space<hbm>> -> memref<632x128xf32, #tpu.memory_space<hbm>>
      %dma_start3A_18 = arith.constant 0 : i32
      %dma_start3A_19 = tpu.memref_slice %arg7[%mul3A_12, %dma_start3A_18] : memref<10112x128xf32, #tpu.memory_space<vmem_shared>> -> memref<632x128xf32, #tpu.memory_space<vmem_shared>>
      tpu.enqueue_dma source(%dma_start3A_19 : memref<632x128xf32, #tpu.memory_space<vmem_shared>>) target(%dma_start3A_17 : memref<632x128xf32, #tpu.memory_space<hbm>>) target_semaphore(%run_scoped3A_15 : memref<!tpu.dma_semaphore, #tpu.memory_space<semaphore_mem>>)
      %dma_wait3A = arith.constant 0 : i32
      %dma_wait3A_20 = tpu.memref_slice %arg6[%arg0, %mul3A_14, %dma_wait3A] : memref<2x10112x128xf32, #tpu.memory_space<hbm>> -> memref<1x632x128xf32, #tpu.memory_space<hbm>>
      %dma_wait3A_21 = tpu.memref_squeeze %dma_wait3A_20 : memref<1x632x128xf32, #tpu.memory_space<hbm>> -> memref<632x128xf32, #tpu.memory_space<hbm>>
      %dma_wait3A_22 = arith.constant 0 : i32
      %dma_wait3A_23 = tpu.memref_slice %arg7[%mul3A_12, %dma_wait3A_22] : memref<10112x128xf32, #tpu.memory_space<vmem_shared>> -> memref<632x128xf32, #tpu.memory_space<vmem_shared>>
      tpu.wait_dma2 semaphore(%run_scoped3A_15 : memref<!tpu.dma_semaphore, #tpu.memory_space<semaphore_mem>>) src(%dma_wait3A_23 : memref<632x128xf32, #tpu.memory_space<vmem_shared>>) dst(%dma_wait3A_21 : memref<632x128xf32, #tpu.memory_space<hbm>>)
      tpu.yield
    }) : () -> ()
    return
  }
}

#map = affine_map<(d0, d1) -> (0)>
#map1 = affine_map<(d0, d1) -> (0, 0)>
module attributes {stable_mosaic.version = 14 : i64} {
  func.func @k(%arg0: i32, %arg1: i32, %arg2: memref<327680xi32, #tpu.memory_space<hbm>>, %arg3: memref<2x10240xf32, #tpu.memory_space<hbm>>, %arg4: memref<16x10240xf32, #tpu.memory_space<vmem_shared>>, %arg5: memref<10240xi32, #tpu.memory_space<vmem>>, %arg6: memref<10240xf32, #tpu.memory_space<vmem>>, %arg7: memref<16x640xf32, #tpu.memory_space<vmem>>) attributes {dimension_semantics = [#tpu.dimension_semantics<core_parallel>, #tpu.dimension_semantics<subcore_parallel>], iteration_bounds = array<i64: 2, 16>, scalar_prefetch = 0 : i64, scratch_operands = 4 : i64, tpu.core_type = #tpu.core_type<sc_vector_subcore>, window_params = [{transform_indices = #map}, {transform_indices = #map1}]} {
    %mul3A = arith.constant 2 : i32
    %mul3A_0 = arith.muli %arg1, %mul3A : i32
    %add3A = arith.addi %mul3A_0, %arg0 : i32
    %mul3A_1 = arith.constant 10240 : i32
    %mul3A_2 = arith.muli %add3A, %mul3A_1 : i32
    "tpu.region"() ({
      %run_scoped3A = tpu.sem_alloc : memref<!tpu.dma_semaphore, #tpu.memory_space<semaphore_mem>>
      %dma_start3A = tpu.memref_slice %arg2[%mul3A_2] : memref<327680xi32, #tpu.memory_space<hbm>> -> memref<10240xi32, #tpu.memory_space<hbm>>
      %dma_start3A_22 = tpu.memref_slice %arg2[%mul3A_2] : memref<327680xi32, #tpu.memory_space<hbm>> -> memref<10240xi32, #tpu.memory_space<hbm>>
      tpu.enqueue_dma source(%dma_start3A_22 : memref<10240xi32, #tpu.memory_space<hbm>>) target(%arg5 : memref<10240xi32, #tpu.memory_space<vmem>>) target_semaphore(%run_scoped3A : memref<!tpu.dma_semaphore, #tpu.memory_space<semaphore_mem>>)
      %dma_wait3A = tpu.memref_slice %arg2[%mul3A_2] : memref<327680xi32, #tpu.memory_space<hbm>> -> memref<10240xi32, #tpu.memory_space<hbm>>
      %dma_wait3A_23 = tpu.memref_slice %arg2[%mul3A_2] : memref<327680xi32, #tpu.memory_space<hbm>> -> memref<10240xi32, #tpu.memory_space<hbm>>
      tpu.wait_dma2 semaphore(%run_scoped3A : memref<!tpu.dma_semaphore, #tpu.memory_space<semaphore_mem>>) src(%dma_wait3A_23 : memref<10240xi32, #tpu.memory_space<hbm>>) dst(%arg5 : memref<10240xi32, #tpu.memory_space<vmem>>)
      tpu.yield
    }) : () -> ()
    %scan3A = arith.constant 0 : i32
    %scan3A_3 = arith.constant 640 : i32
    %scan3A_4 = arith.addi %scan3A, %scan3A_3 : i32
    %scan3A_5 = arith.constant 1 : i32
    scf.for %scan3A_22 = %scan3A to %scan3A_4 step %scan3A_5  : i32 {
      %mul3A_23 = arith.constant 16 : i32
      %mul3A_24 = arith.muli %scan3A_22, %mul3A_23 : i32
      %add3A_25 = arith.constant 0 : i32
      %add3A_26 = arith.addi %add3A_25, %mul3A_24 : i32
      %broadcast_in_dim3A_27 = arith.constant 0.000000e+00 : f32
      %broadcast_in_dim3A_28 = vector.broadcast %broadcast_in_dim3A_27 : f32 to vector<16xf32>
      %swap3A = arith.index_cast %add3A_26 : i32 to index
      %swap3A_29 = tpu.vector_load %arg6[%swap3A] {strides = array<i32>} : memref<10240xf32, #tpu.memory_space<vmem>>, vector<16xf32>,
      tpu.vector_store %arg6[%swap3A], %broadcast_in_dim3A_28 {strides = array<i32>} : memref<10240xf32, #tpu.memory_space<vmem>>, vector<16xf32>,
    }
    %scan3A_6 = arith.constant 640 : i32
    %broadcast_in_dim3A = arith.constant 1.000000e+00 : f32
    %broadcast_in_dim3A_7 = vector.broadcast %broadcast_in_dim3A : f32 to vector<16xf32>
    %scan3A_8 = arith.constant 0 : i32
    %scan3A_9 = arith.constant 640 : i32
    %scan3A_10 = arith.addi %scan3A_8, %scan3A_9 : i32
    %scan3A_11 = arith.constant 1 : i32
    scf.for %scan3A_22 = %scan3A_8 to %scan3A_10 step %scan3A_11  : i32 {
      %mul3A_23 = arith.constant 16 : i32
      %mul3A_24 = arith.muli %scan3A_22, %mul3A_23 : i32
      %add3A_25 = arith.constant 0 : i32
      %add3A_26 = arith.addi %add3A_25, %mul3A_24 : i32
      %get3A = arith.index_cast %add3A_26 : i32 to index
      %get3A_27 = tpu.vector_load %arg5[%get3A] {strides = array<i32>} : memref<10240xi32, #tpu.memory_space<vmem>>, vector<16xi32>,
      tpu.vector_store_idx %arg6[%get3A_27], %broadcast_in_dim3A_7 {add = true} : memref<10240xf32, #tpu.memory_space<vmem>>[vector<16xi32>], vector<16xf32>,
    }
    %scan3A_12 = arith.constant 640 : i32
    "tpu.region"() ({
      %run_scoped3A = tpu.sem_alloc : memref<!tpu.dma_semaphore, #tpu.memory_space<semaphore_mem>>
      %dma_start3A = arith.constant 0 : i32
      %dma_start3A_22 = tpu.memref_slice %arg4[%arg1, %dma_start3A] : memref<16x10240xf32, #tpu.memory_space<vmem_shared>> -> memref<1x10240xf32, #tpu.memory_space<vmem_shared>>
      %dma_start3A_23 = tpu.memref_squeeze %dma_start3A_22 : memref<1x10240xf32, #tpu.memory_space<vmem_shared>> -> memref<10240xf32, #tpu.memory_space<vmem_shared>>
      %dma_start3A_24 = arith.constant 0 : i32
      %dma_start3A_25 = tpu.memref_slice %arg4[%arg1, %dma_start3A_24] : memref<16x10240xf32, #tpu.memory_space<vmem_shared>> -> memref<1x10240xf32, #tpu.memory_space<vmem_shared>>
      %dma_start3A_26 = tpu.memref_squeeze %dma_start3A_25 : memref<1x10240xf32, #tpu.memory_space<vmem_shared>> -> memref<10240xf32, #tpu.memory_space<vmem_shared>>
      tpu.enqueue_dma source(%arg6 : memref<10240xf32, #tpu.memory_space<vmem>>) target(%dma_start3A_26 : memref<10240xf32, #tpu.memory_space<vmem_shared>>) target_semaphore(%run_scoped3A : memref<!tpu.dma_semaphore, #tpu.memory_space<semaphore_mem>>)
      %dma_wait3A = arith.constant 0 : i32
      %dma_wait3A_27 = tpu.memref_slice %arg4[%arg1, %dma_wait3A] : memref<16x10240xf32, #tpu.memory_space<vmem_shared>> -> memref<1x10240xf32, #tpu.memory_space<vmem_shared>>
      %dma_wait3A_28 = tpu.memref_squeeze %dma_wait3A_27 : memref<1x10240xf32, #tpu.memory_space<vmem_shared>> -> memref<10240xf32, #tpu.memory_space<vmem_shared>>
      %dma_wait3A_29 = arith.constant 0 : i32
      %dma_wait3A_30 = tpu.memref_slice %arg4[%arg1, %dma_wait3A_29] : memref<16x10240xf32, #tpu.memory_space<vmem_shared>> -> memref<1x10240xf32, #tpu.memory_space<vmem_shared>>
      %dma_wait3A_31 = tpu.memref_squeeze %dma_wait3A_30 : memref<1x10240xf32, #tpu.memory_space<vmem_shared>> -> memref<10240xf32, #tpu.memory_space<vmem_shared>>
      tpu.wait_dma2 semaphore(%run_scoped3A : memref<!tpu.dma_semaphore, #tpu.memory_space<semaphore_mem>>) src(%arg6 : memref<10240xf32, #tpu.memory_space<vmem>>) dst(%dma_wait3A_31 : memref<10240xf32, #tpu.memory_space<vmem_shared>>)
      tpu.yield
    }) : () -> ()
    %barrier3A = arith.constant 0 : index
    tpu.barrier barrier_id(%barrier3A)
    %mul3A_13 = arith.constant 640 : i32
    %mul3A_14 = arith.muli %arg1, %mul3A_13 : i32
    "tpu.region"() ({
      %run_scoped3A = tpu.sem_alloc : memref<!tpu.dma_semaphore, #tpu.memory_space<semaphore_mem>>
      %dma_start3A = arith.constant 0 : i32
      %dma_start3A_22 = tpu.memref_slice %arg4[%dma_start3A, %mul3A_14] : memref<16x10240xf32, #tpu.memory_space<vmem_shared>> -> memref<16x640xf32, #tpu.memory_space<vmem_shared>>
      %dma_start3A_23 = arith.constant 0 : i32
      %dma_start3A_24 = tpu.memref_slice %arg4[%dma_start3A_23, %mul3A_14] : memref<16x10240xf32, #tpu.memory_space<vmem_shared>> -> memref<16x640xf32, #tpu.memory_space<vmem_shared>>
      tpu.enqueue_dma source(%dma_start3A_24 : memref<16x640xf32, #tpu.memory_space<vmem_shared>>) target(%arg7 : memref<16x640xf32, #tpu.memory_space<vmem>>) target_semaphore(%run_scoped3A : memref<!tpu.dma_semaphore, #tpu.memory_space<semaphore_mem>>)
      %dma_wait3A = arith.constant 0 : i32
      %dma_wait3A_25 = tpu.memref_slice %arg4[%dma_wait3A, %mul3A_14] : memref<16x10240xf32, #tpu.memory_space<vmem_shared>> -> memref<16x640xf32, #tpu.memory_space<vmem_shared>>
      %dma_wait3A_26 = arith.constant 0 : i32
      %dma_wait3A_27 = tpu.memref_slice %arg4[%dma_wait3A_26, %mul3A_14] : memref<16x10240xf32, #tpu.memory_space<vmem_shared>> -> memref<16x640xf32, #tpu.memory_space<vmem_shared>>
      tpu.wait_dma2 semaphore(%run_scoped3A : memref<!tpu.dma_semaphore, #tpu.memory_space<semaphore_mem>>) src(%dma_wait3A_27 : memref<16x640xf32, #tpu.memory_space<vmem_shared>>) dst(%arg7 : memref<16x640xf32, #tpu.memory_space<vmem>>)
      tpu.yield
    }) : () -> ()
    %scan3A_15 = arith.constant 0 : i32
    %scan3A_16 = arith.constant 40 : i32
    %scan3A_17 = arith.addi %scan3A_15, %scan3A_16 : i32
    %scan3A_18 = arith.constant 1 : i32
    scf.for %scan3A_22 = %scan3A_15 to %scan3A_17 step %scan3A_18  : i32 {
      %mul3A_23 = arith.constant 16 : i32
      %mul3A_24 = arith.muli %scan3A_22, %mul3A_23 : i32
      %add3A_25 = arith.constant 0 : i32
      %add3A_26 = arith.addi %add3A_25, %mul3A_24 : i32
      %get3A = arith.constant 0 : i32
      %get3A_27 = arith.index_cast %get3A : i32 to index
      %get3A_28 = arith.index_cast %add3A_26 : i32 to index
      %get3A_29 = tpu.vector_load %arg7[%get3A_27, %get3A_28] {strides = array<i32>} : memref<16x640xf32, #tpu.memory_space<vmem>>, vector<16xf32>,
      %get3A_30 = arith.constant 1 : i32
      %get3A_31 = arith.index_cast %get3A_30 : i32 to index
      %get3A_32 = arith.index_cast %add3A_26 : i32 to index
      %get3A_33 = tpu.vector_load %arg7[%get3A_31, %get3A_32] {strides = array<i32>} : memref<16x640xf32, #tpu.memory_space<vmem>>, vector<16xf32>,
      %add3A_34 = arith.addf %get3A_29, %get3A_33 : vector<16xf32>
      %get3A_35 = arith.constant 2 : i32
      %get3A_36 = arith.index_cast %get3A_35 : i32 to index
      %get3A_37 = arith.index_cast %add3A_26 : i32 to index
      %get3A_38 = tpu.vector_load %arg7[%get3A_36, %get3A_37] {strides = array<i32>} : memref<16x640xf32, #tpu.memory_space<vmem>>, vector<16xf32>,
      %add3A_39 = arith.addf %add3A_34, %get3A_38 : vector<16xf32>
      %get3A_40 = arith.constant 3 : i32
      %get3A_41 = arith.index_cast %get3A_40 : i32 to index
      %get3A_42 = arith.index_cast %add3A_26 : i32 to index
      %get3A_43 = tpu.vector_load %arg7[%get3A_41, %get3A_42] {strides = array<i32>} : memref<16x640xf32, #tpu.memory_space<vmem>>, vector<16xf32>,
      %add3A_44 = arith.addf %add3A_39, %get3A_43 : vector<16xf32>
      %get3A_45 = arith.constant 4 : i32
      %get3A_46 = arith.index_cast %get3A_45 : i32 to index
      %get3A_47 = arith.index_cast %add3A_26 : i32 to index
      %get3A_48 = tpu.vector_load %arg7[%get3A_46, %get3A_47] {strides = array<i32>} : memref<16x640xf32, #tpu.memory_space<vmem>>, vector<16xf32>,
      %add3A_49 = arith.addf %add3A_44, %get3A_48 : vector<16xf32>
      %get3A_50 = arith.constant 5 : i32
      %get3A_51 = arith.index_cast %get3A_50 : i32 to index
      %get3A_52 = arith.index_cast %add3A_26 : i32 to index
      %get3A_53 = tpu.vector_load %arg7[%get3A_51, %get3A_52] {strides = array<i32>} : memref<16x640xf32, #tpu.memory_space<vmem>>, vector<16xf32>,
      %add3A_54 = arith.addf %add3A_49, %get3A_53 : vector<16xf32>
      %get3A_55 = arith.constant 6 : i32
      %get3A_56 = arith.index_cast %get3A_55 : i32 to index
      %get3A_57 = arith.index_cast %add3A_26 : i32 to index
      %get3A_58 = tpu.vector_load %arg7[%get3A_56, %get3A_57] {strides = array<i32>} : memref<16x640xf32, #tpu.memory_space<vmem>>, vector<16xf32>,
      %add3A_59 = arith.addf %add3A_54, %get3A_58 : vector<16xf32>
      %get3A_60 = arith.constant 7 : i32
      %get3A_61 = arith.index_cast %get3A_60 : i32 to index
      %get3A_62 = arith.index_cast %add3A_26 : i32 to index
      %get3A_63 = tpu.vector_load %arg7[%get3A_61, %get3A_62] {strides = array<i32>} : memref<16x640xf32, #tpu.memory_space<vmem>>, vector<16xf32>,
      %add3A_64 = arith.addf %add3A_59, %get3A_63 : vector<16xf32>
      %get3A_65 = arith.constant 8 : i32
      %get3A_66 = arith.index_cast %get3A_65 : i32 to index
      %get3A_67 = arith.index_cast %add3A_26 : i32 to index
      %get3A_68 = tpu.vector_load %arg7[%get3A_66, %get3A_67] {strides = array<i32>} : memref<16x640xf32, #tpu.memory_space<vmem>>, vector<16xf32>,
      %add3A_69 = arith.addf %add3A_64, %get3A_68 : vector<16xf32>
      %get3A_70 = arith.constant 9 : i32
      %get3A_71 = arith.index_cast %get3A_70 : i32 to index
      %get3A_72 = arith.index_cast %add3A_26 : i32 to index
      %get3A_73 = tpu.vector_load %arg7[%get3A_71, %get3A_72] {strides = array<i32>} : memref<16x640xf32, #tpu.memory_space<vmem>>, vector<16xf32>,
      %add3A_74 = arith.addf %add3A_69, %get3A_73 : vector<16xf32>
      %get3A_75 = arith.constant 10 : i32
      %get3A_76 = arith.index_cast %get3A_75 : i32 to index
      %get3A_77 = arith.index_cast %add3A_26 : i32 to index
      %get3A_78 = tpu.vector_load %arg7[%get3A_76, %get3A_77] {strides = array<i32>} : memref<16x640xf32, #tpu.memory_space<vmem>>, vector<16xf32>,
      %add3A_79 = arith.addf %add3A_74, %get3A_78 : vector<16xf32>
      %get3A_80 = arith.constant 11 : i32
      %get3A_81 = arith.index_cast %get3A_80 : i32 to index
      %get3A_82 = arith.index_cast %add3A_26 : i32 to index
      %get3A_83 = tpu.vector_load %arg7[%get3A_81, %get3A_82] {strides = array<i32>} : memref<16x640xf32, #tpu.memory_space<vmem>>, vector<16xf32>,
      %add3A_84 = arith.addf %add3A_79, %get3A_83 : vector<16xf32>
      %get3A_85 = arith.constant 12 : i32
      %get3A_86 = arith.index_cast %get3A_85 : i32 to index
      %get3A_87 = arith.index_cast %add3A_26 : i32 to index
      %get3A_88 = tpu.vector_load %arg7[%get3A_86, %get3A_87] {strides = array<i32>} : memref<16x640xf32, #tpu.memory_space<vmem>>, vector<16xf32>,
      %add3A_89 = arith.addf %add3A_84, %get3A_88 : vector<16xf32>
      %get3A_90 = arith.constant 13 : i32
      %get3A_91 = arith.index_cast %get3A_90 : i32 to index
      %get3A_92 = arith.index_cast %add3A_26 : i32 to index
      %get3A_93 = tpu.vector_load %arg7[%get3A_91, %get3A_92] {strides = array<i32>} : memref<16x640xf32, #tpu.memory_space<vmem>>, vector<16xf32>,
      %add3A_94 = arith.addf %add3A_89, %get3A_93 : vector<16xf32>
      %get3A_95 = arith.constant 14 : i32
      %get3A_96 = arith.index_cast %get3A_95 : i32 to index
      %get3A_97 = arith.index_cast %add3A_26 : i32 to index
      %get3A_98 = tpu.vector_load %arg7[%get3A_96, %get3A_97] {strides = array<i32>} : memref<16x640xf32, #tpu.memory_space<vmem>>, vector<16xf32>,
      %add3A_99 = arith.addf %add3A_94, %get3A_98 : vector<16xf32>
      %get3A_100 = arith.constant 15 : i32
      %get3A_101 = arith.index_cast %get3A_100 : i32 to index
      %get3A_102 = arith.index_cast %add3A_26 : i32 to index
      %get3A_103 = tpu.vector_load %arg7[%get3A_101, %get3A_102] {strides = array<i32>} : memref<16x640xf32, #tpu.memory_space<vmem>>, vector<16xf32>,
      %add3A_104 = arith.addf %add3A_99, %get3A_103 : vector<16xf32>
      %swap3A = arith.index_cast %add3A_26 : i32 to index
      %swap3A_105 = tpu.vector_load %arg6[%swap3A] {strides = array<i32>} : memref<10240xf32, #tpu.memory_space<vmem>>, vector<16xf32>,
      tpu.vector_store %arg6[%swap3A], %add3A_104 {strides = array<i32>} : memref<10240xf32, #tpu.memory_space<vmem>>, vector<16xf32>,
    }
    %scan3A_19 = arith.constant 40 : i32
    %mul3A_20 = arith.constant 640 : i32
    %mul3A_21 = arith.muli %arg1, %mul3A_20 : i32
    "tpu.region"() ({
      %run_scoped3A = tpu.sem_alloc : memref<!tpu.dma_semaphore, #tpu.memory_space<semaphore_mem>>
      %dma_start3A = arith.constant 0 : i32
      %dma_start3A_22 = tpu.memref_slice %arg6[%dma_start3A] : memref<10240xf32, #tpu.memory_space<vmem>> -> memref<640xf32, #tpu.memory_space<vmem>>
      %dma_start3A_23 = tpu.memref_slice %arg3[%arg0, %mul3A_21] : memref<2x10240xf32, #tpu.memory_space<hbm>> -> memref<1x640xf32, #tpu.memory_space<hbm>>
      %dma_start3A_24 = tpu.memref_squeeze %dma_start3A_23 : memref<1x640xf32, #tpu.memory_space<hbm>> -> memref<640xf32, #tpu.memory_space<hbm>>
      %dma_start3A_25 = tpu.memref_slice %arg3[%arg0, %mul3A_21] : memref<2x10240xf32, #tpu.memory_space<hbm>> -> memref<1x640xf32, #tpu.memory_space<hbm>>
      %dma_start3A_26 = tpu.memref_squeeze %dma_start3A_25 : memref<1x640xf32, #tpu.memory_space<hbm>> -> memref<640xf32, #tpu.memory_space<hbm>>
      %dma_start3A_27 = arith.constant 0 : i32
      %dma_start3A_28 = tpu.memref_slice %arg6[%dma_start3A_27] : memref<10240xf32, #tpu.memory_space<vmem>> -> memref<640xf32, #tpu.memory_space<vmem>>
      tpu.enqueue_dma source(%dma_start3A_28 : memref<640xf32, #tpu.memory_space<vmem>>) target(%dma_start3A_26 : memref<640xf32, #tpu.memory_space<hbm>>) target_semaphore(%run_scoped3A : memref<!tpu.dma_semaphore, #tpu.memory_space<semaphore_mem>>)
      %dma_wait3A = arith.constant 0 : i32
      %dma_wait3A_29 = tpu.memref_slice %arg6[%dma_wait3A] : memref<10240xf32, #tpu.memory_space<vmem>> -> memref<640xf32, #tpu.memory_space<vmem>>
      %dma_wait3A_30 = tpu.memref_slice %arg3[%arg0, %mul3A_21] : memref<2x10240xf32, #tpu.memory_space<hbm>> -> memref<1x640xf32, #tpu.memory_space<hbm>>
      %dma_wait3A_31 = tpu.memref_squeeze %dma_wait3A_30 : memref<1x640xf32, #tpu.memory_space<hbm>> -> memref<640xf32, #tpu.memory_space<hbm>>
      %dma_wait3A_32 = tpu.memref_slice %arg3[%arg0, %mul3A_21] : memref<2x10240xf32, #tpu.memory_space<hbm>> -> memref<1x640xf32, #tpu.memory_space<hbm>>
      %dma_wait3A_33 = tpu.memref_squeeze %dma_wait3A_32 : memref<1x640xf32, #tpu.memory_space<hbm>> -> memref<640xf32, #tpu.memory_space<hbm>>
      %dma_wait3A_34 = arith.constant 0 : i32
      %dma_wait3A_35 = tpu.memref_slice %arg6[%dma_wait3A_34] : memref<10240xf32, #tpu.memory_space<vmem>> -> memref<640xf32, #tpu.memory_space<vmem>>
      tpu.wait_dma2 semaphore(%run_scoped3A : memref<!tpu.dma_semaphore, #tpu.memory_space<semaphore_mem>>) src(%dma_wait3A_35 : memref<640xf32, #tpu.memory_space<vmem>>) dst(%dma_wait3A_33 : memref<640xf32, #tpu.memory_space<hbm>>)
      tpu.yield
    }) : () -> ()
    return
  }
}

#map = affine_map<(d0, d1) -> (0, 0)>
#map1 = affine_map<(d0, d1) -> (0, 0, 0)>
module attributes {stable_mosaic.version = 14 : i64} {
  func.func @k(%arg0: i32, %arg1: i32, %arg2: memref<10000x128xf32, #tpu.memory_space<hbm>>, %arg3: memref<32x160x64xi32, #tpu.memory_space<hbm>>, %arg4: memref<32x160x64xi32, #tpu.memory_space<hbm>>, %arg5: memref<632x128xf32, #tpu.memory_space<hbm>>, %arg6: memref<2x10112x128xf32, #tpu.memory_space<hbm>>, %arg7: memref<10112x128xf32, #tpu.memory_space<vmem_shared>>, %arg8: memref<64xi32, #tpu.memory_space<vmem>>, %arg9: memref<64xi32, #tpu.memory_space<vmem>>, %arg10: memref<64xi32, #tpu.memory_space<vmem>>, %arg11: memref<64xi32, #tpu.memory_space<vmem>>, %arg12: memref<64xi32, #tpu.memory_space<vmem>>, %arg13: memref<64xi32, #tpu.memory_space<vmem>>, %arg14: memref<64xi32, #tpu.memory_space<vmem>>, %arg15: memref<64xi32, #tpu.memory_space<vmem>>, %arg16: memref<64x128xf32, #tpu.memory_space<vmem>>, %arg17: memref<64x128xf32, #tpu.memory_space<vmem>>, %arg18: memref<64x128xf32, #tpu.memory_space<vmem>>, %arg19: memref<64x128xf32, #tpu.memory_space<vmem>>, %arg20: memref<!tpu.dma_semaphore, #tpu.memory_space<semaphore_mem>>, %arg21: memref<!tpu.dma_semaphore, #tpu.memory_space<semaphore_mem>>, %arg22: memref<!tpu.dma_semaphore, #tpu.memory_space<semaphore_mem>>, %arg23: memref<!tpu.dma_semaphore, #tpu.memory_space<semaphore_mem>>, %arg24: memref<!tpu.dma_semaphore, #tpu.memory_space<semaphore_mem>>, %arg25: memref<!tpu.dma_semaphore, #tpu.memory_space<semaphore_mem>>, %arg26: memref<!tpu.dma_semaphore, #tpu.memory_space<semaphore_mem>>, %arg27: memref<!tpu.dma_semaphore, #tpu.memory_space<semaphore_mem>>, %arg28: memref<!tpu.dma_semaphore, #tpu.memory_space<semaphore_mem>>, %arg29: memref<!tpu.dma_semaphore, #tpu.memory_space<semaphore_mem>>, %arg30: memref<!tpu.dma_semaphore, #tpu.memory_space<semaphore_mem>>, %arg31: memref<!tpu.dma_semaphore, #tpu.memory_space<semaphore_mem>>, %arg32: memref<!tpu.dma_semaphore, #tpu.memory_space<semaphore_mem>>, %arg33: memref<!tpu.dma_semaphore, #tpu.memory_space<semaphore_mem>>, %arg34: memref<!tpu.dma_semaphore, #tpu.memory_space<semaphore_mem>>, %arg35: memref<!tpu.dma_semaphore, #tpu.memory_space<semaphore_mem>>) attributes {dimension_semantics = [#tpu.dimension_semantics<core_parallel>, #tpu.dimension_semantics<subcore_parallel>], iteration_bounds = array<i64: 2, 16>, scalar_prefetch = 0 : i64, scratch_operands = 29 : i64, tpu.core_type = #tpu.core_type<sc_vector_subcore>, window_params = [{transform_indices = #map}, {transform_indices = #map1}, {transform_indices = #map1}, {transform_indices = #map}, {transform_indices = #map1}]} {
    %mul3A = arith.constant 2 : i32
    %mul3A_0 = arith.muli %arg1, %mul3A : i32
    %add3A = arith.addi %mul3A_0, %arg0 : i32
    %run_scoped3A = arith.constant 0 : i32
    "tpu.region"() ({
      %run_scoped3A_15 = tpu.sem_alloc : memref<!tpu.dma_semaphore, #tpu.memory_space<semaphore_mem>>
      %dma_start3A = arith.constant 0 : i32
      %dma_start3A_16 = tpu.memref_slice %arg4[%add3A, %run_scoped3A, %dma_start3A] : memref<32x160x64xi32, #tpu.memory_space<hbm>> -> memref<1x1x64xi32, #tpu.memory_space<hbm>>
      %dma_start3A_17 = tpu.memref_squeeze %dma_start3A_16 : memref<1x1x64xi32, #tpu.memory_space<hbm>> -> memref<64xi32, #tpu.memory_space<hbm>>
      %dma_start3A_18 = arith.constant 0 : i32
      %dma_start3A_19 = tpu.memref_slice %arg4[%add3A, %run_scoped3A, %dma_start3A_18] : memref<32x160x64xi32, #tpu.memory_space<hbm>> -> memref<1x1x64xi32, #tpu.memory_space<hbm>>
      %dma_start3A_20 = tpu.memref_squeeze %dma_start3A_19 : memref<1x1x64xi32, #tpu.memory_space<hbm>> -> memref<64xi32, #tpu.memory_space<hbm>>
      tpu.enqueue_dma source(%dma_start3A_20 : memref<64xi32, #tpu.memory_space<hbm>>) target(%arg8 : memref<64xi32, #tpu.memory_space<vmem>>) target_semaphore(%run_scoped3A_15 : memref<!tpu.dma_semaphore, #tpu.memory_space<semaphore_mem>>)
      %dma_wait3A = arith.constant 0 : i32
      %dma_wait3A_21 = tpu.memref_slice %arg4[%add3A, %run_scoped3A, %dma_wait3A] : memref<32x160x64xi32, #tpu.memory_space<hbm>> -> memref<1x1x64xi32, #tpu.memory_space<hbm>>
      %dma_wait3A_22 = tpu.memref_squeeze %dma_wait3A_21 : memref<1x1x64xi32, #tpu.memory_space<hbm>> -> memref<64xi32, #tpu.memory_space<hbm>>
      %dma_wait3A_23 = arith.constant 0 : i32
      %dma_wait3A_24 = tpu.memref_slice %arg4[%add3A, %run_scoped3A, %dma_wait3A_23] : memref<32x160x64xi32, #tpu.memory_space<hbm>> -> memref<1x1x64xi32, #tpu.memory_space<hbm>>
      %dma_wait3A_25 = tpu.memref_squeeze %dma_wait3A_24 : memref<1x1x64xi32, #tpu.memory_space<hbm>> -> memref<64xi32, #tpu.memory_space<hbm>>
      tpu.wait_dma2 semaphore(%run_scoped3A_15 : memref<!tpu.dma_semaphore, #tpu.memory_space<semaphore_mem>>) src(%dma_wait3A_25 : memref<64xi32, #tpu.memory_space<hbm>>) dst(%arg8 : memref<64xi32, #tpu.memory_space<vmem>>)
      tpu.yield
    }) : () -> ()
    %run_scoped3A_1 = arith.constant 1 : i32
    "tpu.region"() ({
      %run_scoped3A_15 = tpu.sem_alloc : memref<!tpu.dma_semaphore, #tpu.memory_space<semaphore_mem>>
      %dma_start3A = arith.constant 0 : i32
      %dma_start3A_16 = tpu.memref_slice %arg4[%add3A, %run_scoped3A_1, %dma_start3A] : memref<32x160x64xi32, #tpu.memory_space<hbm>> -> memref<1x1x64xi32, #tpu.memory_space<hbm>>
      %dma_start3A_17 = tpu.memref_squeeze %dma_start3A_16 : memref<1x1x64xi32, #tpu.memory_space<hbm>> -> memref<64xi32, #tpu.memory_space<hbm>>
      %dma_start3A_18 = arith.constant 0 : i32
      %dma_start3A_19 = tpu.memref_slice %arg4[%add3A, %run_scoped3A_1, %dma_start3A_18] : memref<32x160x64xi32, #tpu.memory_space<hbm>> -> memref<1x1x64xi32, #tpu.memory_space<hbm>>
      %dma_start3A_20 = tpu.memref_squeeze %dma_start3A_19 : memref<1x1x64xi32, #tpu.memory_space<hbm>> -> memref<64xi32, #tpu.memory_space<hbm>>
      tpu.enqueue_dma source(%dma_start3A_20 : memref<64xi32, #tpu.memory_space<hbm>>) target(%arg9 : memref<64xi32, #tpu.memory_space<vmem>>) target_semaphore(%run_scoped3A_15 : memref<!tpu.dma_semaphore, #tpu.memory_space<semaphore_mem>>)
      %dma_wait3A = arith.constant 0 : i32
      %dma_wait3A_21 = tpu.memref_slice %arg4[%add3A, %run_scoped3A_1, %dma_wait3A] : memref<32x160x64xi32, #tpu.memory_space<hbm>> -> memref<1x1x64xi32, #tpu.memory_space<hbm>>
      %dma_wait3A_22 = tpu.memref_squeeze %dma_wait3A_21 : memref<1x1x64xi32, #tpu.memory_space<hbm>> -> memref<64xi32, #tpu.memory_space<hbm>>
      %dma_wait3A_23 = arith.constant 0 : i32
      %dma_wait3A_24 = tpu.memref_slice %arg4[%add3A, %run_scoped3A_1, %dma_wait3A_23] : memref<32x160x64xi32, #tpu.memory_space<hbm>> -> memref<1x1x64xi32, #tpu.memory_space<hbm>>
      %dma_wait3A_25 = tpu.memref_squeeze %dma_wait3A_24 : memref<1x1x64xi32, #tpu.memory_space<hbm>> -> memref<64xi32, #tpu.memory_space<hbm>>
      tpu.wait_dma2 semaphore(%run_scoped3A_15 : memref<!tpu.dma_semaphore, #tpu.memory_space<semaphore_mem>>) src(%dma_wait3A_25 : memref<64xi32, #tpu.memory_space<hbm>>) dst(%arg9 : memref<64xi32, #tpu.memory_space<vmem>>)
      tpu.yield
    }) : () -> ()
    %run_scoped3A_2 = arith.constant 2 : i32
    "tpu.region"() ({
      %run_scoped3A_15 = tpu.sem_alloc : memref<!tpu.dma_semaphore, #tpu.memory_space<semaphore_mem>>
      %dma_start3A = arith.constant 0 : i32
      %dma_start3A_16 = tpu.memref_slice %arg4[%add3A, %run_scoped3A_2, %dma_start3A] : memref<32x160x64xi32, #tpu.memory_space<hbm>> -> memref<1x1x64xi32, #tpu.memory_space<hbm>>
      %dma_start3A_17 = tpu.memref_squeeze %dma_start3A_16 : memref<1x1x64xi32, #tpu.memory_space<hbm>> -> memref<64xi32, #tpu.memory_space<hbm>>
      %dma_start3A_18 = arith.constant 0 : i32
      %dma_start3A_19 = tpu.memref_slice %arg4[%add3A, %run_scoped3A_2, %dma_start3A_18] : memref<32x160x64xi32, #tpu.memory_space<hbm>> -> memref<1x1x64xi32, #tpu.memory_space<hbm>>
      %dma_start3A_20 = tpu.memref_squeeze %dma_start3A_19 : memref<1x1x64xi32, #tpu.memory_space<hbm>> -> memref<64xi32, #tpu.memory_space<hbm>>
      tpu.enqueue_dma source(%dma_start3A_20 : memref<64xi32, #tpu.memory_space<hbm>>) target(%arg10 : memref<64xi32, #tpu.memory_space<vmem>>) target_semaphore(%run_scoped3A_15 : memref<!tpu.dma_semaphore, #tpu.memory_space<semaphore_mem>>)
      %dma_wait3A = arith.constant 0 : i32
      %dma_wait3A_21 = tpu.memref_slice %arg4[%add3A, %run_scoped3A_2, %dma_wait3A] : memref<32x160x64xi32, #tpu.memory_space<hbm>> -> memref<1x1x64xi32, #tpu.memory_space<hbm>>
      %dma_wait3A_22 = tpu.memref_squeeze %dma_wait3A_21 : memref<1x1x64xi32, #tpu.memory_space<hbm>> -> memref<64xi32, #tpu.memory_space<hbm>>
      %dma_wait3A_23 = arith.constant 0 : i32
      %dma_wait3A_24 = tpu.memref_slice %arg4[%add3A, %run_scoped3A_2, %dma_wait3A_23] : memref<32x160x64xi32, #tpu.memory_space<hbm>> -> memref<1x1x64xi32, #tpu.memory_space<hbm>>
      %dma_wait3A_25 = tpu.memref_squeeze %dma_wait3A_24 : memref<1x1x64xi32, #tpu.memory_space<hbm>> -> memref<64xi32, #tpu.memory_space<hbm>>
      tpu.wait_dma2 semaphore(%run_scoped3A_15 : memref<!tpu.dma_semaphore, #tpu.memory_space<semaphore_mem>>) src(%dma_wait3A_25 : memref<64xi32, #tpu.memory_space<hbm>>) dst(%arg10 : memref<64xi32, #tpu.memory_space<vmem>>)
      tpu.yield
    }) : () -> ()
    %run_scoped3A_3 = arith.constant 3 : i32
    "tpu.region"() ({
      %run_scoped3A_15 = tpu.sem_alloc : memref<!tpu.dma_semaphore, #tpu.memory_space<semaphore_mem>>
      %dma_start3A = arith.constant 0 : i32
      %dma_start3A_16 = tpu.memref_slice %arg4[%add3A, %run_scoped3A_3, %dma_start3A] : memref<32x160x64xi32, #tpu.memory_space<hbm>> -> memref<1x1x64xi32, #tpu.memory_space<hbm>>
      %dma_start3A_17 = tpu.memref_squeeze %dma_start3A_16 : memref<1x1x64xi32, #tpu.memory_space<hbm>> -> memref<64xi32, #tpu.memory_space<hbm>>
      %dma_start3A_18 = arith.constant 0 : i32
      %dma_start3A_19 = tpu.memref_slice %arg4[%add3A, %run_scoped3A_3, %dma_start3A_18] : memref<32x160x64xi32, #tpu.memory_space<hbm>> -> memref<1x1x64xi32, #tpu.memory_space<hbm>>
      %dma_start3A_20 = tpu.memref_squeeze %dma_start3A_19 : memref<1x1x64xi32, #tpu.memory_space<hbm>> -> memref<64xi32, #tpu.memory_space<hbm>>
      tpu.enqueue_dma source(%dma_start3A_20 : memref<64xi32, #tpu.memory_space<hbm>>) target(%arg11 : memref<64xi32, #tpu.memory_space<vmem>>) target_semaphore(%run_scoped3A_15 : memref<!tpu.dma_semaphore, #tpu.memory_space<semaphore_mem>>)
      %dma_wait3A = arith.constant 0 : i32
      %dma_wait3A_21 = tpu.memref_slice %arg4[%add3A, %run_scoped3A_3, %dma_wait3A] : memref<32x160x64xi32, #tpu.memory_space<hbm>> -> memref<1x1x64xi32, #tpu.memory_space<hbm>>
      %dma_wait3A_22 = tpu.memref_squeeze %dma_wait3A_21 : memref<1x1x64xi32, #tpu.memory_space<hbm>> -> memref<64xi32, #tpu.memory_space<hbm>>
      %dma_wait3A_23 = arith.constant 0 : i32
      %dma_wait3A_24 = tpu.memref_slice %arg4[%add3A, %run_scoped3A_3, %dma_wait3A_23] : memref<32x160x64xi32, #tpu.memory_space<hbm>> -> memref<1x1x64xi32, #tpu.memory_space<hbm>>
      %dma_wait3A_25 = tpu.memref_squeeze %dma_wait3A_24 : memref<1x1x64xi32, #tpu.memory_space<hbm>> -> memref<64xi32, #tpu.memory_space<hbm>>
      tpu.wait_dma2 semaphore(%run_scoped3A_15 : memref<!tpu.dma_semaphore, #tpu.memory_space<semaphore_mem>>) src(%dma_wait3A_25 : memref<64xi32, #tpu.memory_space<hbm>>) dst(%arg11 : memref<64xi32, #tpu.memory_space<vmem>>)
      tpu.yield
    }) : () -> ()
    %mul3A_4 = arith.constant 632 : i32
    %mul3A_5 = arith.muli %arg1, %mul3A_4 : i32
    "tpu.region"() ({
      %run_scoped3A_15 = tpu.sem_alloc : memref<!tpu.dma_semaphore, #tpu.memory_space<semaphore_mem>>
      %dma_start3A = arith.constant 0 : i32
      %dma_start3A_16 = tpu.memref_slice %arg7[%mul3A_5, %dma_start3A] : memref<10112x128xf32, #tpu.memory_space<vmem_shared>> -> memref<632x128xf32, #tpu.memory_space<vmem_shared>>
      tpu.enqueue_dma source(%arg5 : memref<632x128xf32, #tpu.memory_space<hbm>>) target(%dma_start3A_16 : memref<632x128xf32, #tpu.memory_space<vmem_shared>>) target_semaphore(%run_scoped3A_15 : memref<!tpu.dma_semaphore, #tpu.memory_space<semaphore_mem>>)
      %dma_wait3A = arith.constant 0 : i32
      %dma_wait3A_17 = tpu.memref_slice %arg7[%mul3A_5, %dma_wait3A] : memref<10112x128xf32, #tpu.memory_space<vmem_shared>> -> memref<632x128xf32, #tpu.memory_space<vmem_shared>>
      tpu.wait_dma2 semaphore(%run_scoped3A_15 : memref<!tpu.dma_semaphore, #tpu.memory_space<semaphore_mem>>) src(%arg5 : memref<632x128xf32, #tpu.memory_space<hbm>>) dst(%dma_wait3A_17 : memref<632x128xf32, #tpu.memory_space<vmem_shared>>)
      tpu.yield
    }) : () -> ()
    %barrier3A = arith.constant 0 : index
    tpu.barrier barrier_id(%barrier3A)
    %scan3A = arith.constant 0 : i32
    %scan3A_6 = arith.constant 41 : i32
    %scan3A_7 = arith.addi %scan3A, %scan3A_6 : i32
    %scan3A_8 = arith.constant 1 : i32
    scf.for %scan3A_15 = %scan3A to %scan3A_7 step %scan3A_8  : i32 {
      %mul3A_16 = arith.constant 1 : i32
      %mul3A_17 = arith.muli %scan3A_15, %mul3A_16 : i32
      %add3A_18 = arith.constant 0 : i32
      %add3A_19 = arith.addi %add3A_18, %mul3A_17 : i32
      %mul3A_20 = arith.constant 4 : i32
      %mul3A_21 = arith.muli %add3A_19, %mul3A_20 : i32
      %add3A_22 = arith.constant 0 : i32
      %add3A_23 = arith.addi %mul3A_21, %add3A_22 : i32
      %ge3A = arith.constant 4 : i32
      %ge3A_24 = arith.cmpi sge, %add3A_23, %ge3A : i32
      %convert_element_type3A = arith.extui %ge3A_24 : i1 to i32
      %cond3A = arith.constant 0 : i32
      %cond3A_25 = arith.cmpi ne, %convert_element_type3A, %cond3A : i32
      scf.if %cond3A_25 {
        %dma_wait3A = arith.constant 0 : i32
        %dma_wait3A_103 = arith.constant 0 : i32
        %dma_wait3A_104 = tpu.memref_slice %arg7[%dma_wait3A, %dma_wait3A_103] : memref<10112x128xf32, #tpu.memory_space<vmem_shared>> -> memref<10112x128xf32, #tpu.memory_space<vmem_shared>>
        tpu.wait_indirect_dma semaphore(%arg24 : memref<!tpu.dma_semaphore, #tpu.memory_space<semaphore_mem>>) src(%arg16 : memref<64x128xf32, #tpu.memory_space<vmem>>) dst(%dma_wait3A_104 : memref<10112x128xf32, #tpu.memory_space<vmem_shared>>)
      } else {
      }
      %lt3A = arith.constant 160 : i32
      %lt3A_26 = arith.cmpi slt, %add3A_23, %lt3A : i32
      %convert_element_type3A_27 = arith.extui %lt3A_26 : i1 to i32
      %cond3A_28 = arith.constant 0 : i32
      %cond3A_29 = arith.cmpi ne, %convert_element_type3A_27, %cond3A_28 : i32
      scf.if %cond3A_29 {
        %dma_start3A = arith.constant 0 : i32
        %dma_start3A_103 = tpu.memref_slice %arg3[%add3A, %add3A_23, %dma_start3A] : memref<32x160x64xi32, #tpu.memory_space<hbm>> -> memref<1x1x64xi32, #tpu.memory_space<hbm>>
        %dma_start3A_104 = tpu.memref_squeeze %dma_start3A_103 : memref<1x1x64xi32, #tpu.memory_space<hbm>> -> memref<64xi32, #tpu.memory_space<hbm>>
        %dma_start3A_105 = arith.constant 0 : i32
        %dma_start3A_106 = tpu.memref_slice %arg3[%add3A, %add3A_23, %dma_start3A_105] : memref<32x160x64xi32, #tpu.memory_space<hbm>> -> memref<1x1x64xi32, #tpu.memory_space<hbm>>
        %dma_start3A_107 = tpu.memref_squeeze %dma_start3A_106 : memref<1x1x64xi32, #tpu.memory_space<hbm>> -> memref<64xi32, #tpu.memory_space<hbm>>
        tpu.enqueue_dma source(%dma_start3A_107 : memref<64xi32, #tpu.memory_space<hbm>>) target(%arg12 : memref<64xi32, #tpu.memory_space<vmem>>) target_semaphore(%arg32 : memref<!tpu.dma_semaphore, #tpu.memory_space<semaphore_mem>>)
        %ge3A_108 = arith.constant 4 : i32
        %ge3A_109 = arith.cmpi sge, %add3A_23, %ge3A_108 : i32
        %convert_element_type3A_110 = arith.extui %ge3A_109 : i1 to i32
        %cond3A_111 = arith.constant 0 : i32
        %cond3A_112 = arith.cmpi ne, %convert_element_type3A_110, %cond3A_111 : i32
        scf.if %cond3A_112 {
          %dma_wait3A = arith.constant 0 : i32
          %dma_wait3A_116 = arith.constant 0 : i32
          %dma_wait3A_117 = tpu.memref_slice %arg4[%add3A, %dma_wait3A, %dma_wait3A_116] : memref<32x160x64xi32, #tpu.memory_space<hbm>> -> memref<1x1x64xi32, #tpu.memory_space<hbm>>
          %dma_wait3A_118 = tpu.memref_squeeze %dma_wait3A_117 : memref<1x1x64xi32, #tpu.memory_space<hbm>> -> memref<64xi32, #tpu.memory_space<hbm>>
          %dma_wait3A_119 = arith.constant 0 : i32
          %dma_wait3A_120 = tpu.memref_slice %arg4[%add3A, %dma_wait3A, %dma_wait3A_119] : memref<32x160x64xi32, #tpu.memory_space<hbm>> -> memref<1x1x64xi32, #tpu.memory_space<hbm>>
          %dma_wait3A_121 = tpu.memref_squeeze %dma_wait3A_120 : memref<1x1x64xi32, #tpu.memory_space<hbm>> -> memref<64xi32, #tpu.memory_space<hbm>>
          tpu.wait_dma2 semaphore(%arg28 : memref<!tpu.dma_semaphore, #tpu.memory_space<semaphore_mem>>) src(%dma_wait3A_121 : memref<64xi32, #tpu.memory_space<hbm>>) dst(%arg8 : memref<64xi32, #tpu.memory_space<vmem>>)
        } else {
        }
        %dma_start3A_113 = arith.constant 0 : i32
        %dma_start3A_114 = arith.constant 0 : i32
        %dma_start3A_115 = tpu.memref_slice %arg2[%dma_start3A_113, %dma_start3A_114] : memref<10000x128xf32, #tpu.memory_space<hbm>> -> memref<10000x128xf32, #tpu.memory_space<hbm>>
        tpu.enqueue_indirect_dma source(%dma_start3A_115 : memref<10000x128xf32, #tpu.memory_space<hbm>>) target(%arg16 : memref<64x128xf32, #tpu.memory_space<vmem>>) offsets(%arg8 : memref<64xi32, #tpu.memory_space<vmem>>) semaphore(%arg20 : memref<!tpu.dma_semaphore, #tpu.memory_space<semaphore_mem>>)
      } else {
      }
      %ge3A_30 = arith.constant 2 : i32
      %ge3A_31 = arith.cmpi sge, %add3A_23, %ge3A_30 : i32
      %lt3A_32 = arith.constant 162 : i32
      %lt3A_33 = arith.cmpi slt, %add3A_23, %lt3A_32 : i32
      %and3A = arith.andi %ge3A_31, %lt3A_33 : i1
      %convert_element_type3A_34 = arith.extui %and3A : i1 to i32
      %cond3A_35 = arith.constant 0 : i32
      %cond3A_36 = arith.cmpi ne, %convert_element_type3A_34, %cond3A_35 : i32
      scf.if %cond3A_36 {
        %dma_wait3A = arith.constant 0 : i32
        %dma_wait3A_103 = arith.constant 0 : i32
        %dma_wait3A_104 = tpu.memref_slice %arg2[%dma_wait3A, %dma_wait3A_103] : memref<10000x128xf32, #tpu.memory_space<hbm>> -> memref<10000x128xf32, #tpu.memory_space<hbm>>
        tpu.wait_indirect_dma semaphore(%arg22 : memref<!tpu.dma_semaphore, #tpu.memory_space<semaphore_mem>>) src(%dma_wait3A_104 : memref<10000x128xf32, #tpu.memory_space<hbm>>) dst(%arg18 : memref<64x128xf32, #tpu.memory_space<vmem>>)
        %ge3A_105 = arith.constant 2 : i32
        %ge3A_106 = arith.cmpi sge, %add3A_23, %ge3A_105 : i32
        %add3A_107 = arith.constant 2 : i32
        %add3A_108 = arith.addi %add3A_23, %add3A_107 : i32
        %lt3A_109 = arith.constant 160 : i32
        %lt3A_110 = arith.cmpi slt, %add3A_108, %lt3A_109 : i32
        %and3A_111 = arith.andi %ge3A_106, %lt3A_110 : i1
        %convert_element_type3A_112 = arith.extui %and3A_111 : i1 to i32
        %cond3A_113 = arith.constant 0 : i32
        %cond3A_114 = arith.cmpi ne, %convert_element_type3A_112, %cond3A_113 : i32
        scf.if %cond3A_114 {
          %add3A_124 = arith.constant 2 : i32
          %add3A_125 = arith.addi %add3A_23, %add3A_124 : i32
          %dma_start3A_126 = arith.constant 0 : i32
          %dma_start3A_127 = tpu.memref_slice %arg4[%add3A, %add3A_125, %dma_start3A_126] : memref<32x160x64xi32, #tpu.memory_space<hbm>> -> memref<1x1x64xi32, #tpu.memory_space<hbm>>
          %dma_start3A_128 = tpu.memref_squeeze %dma_start3A_127 : memref<1x1x64xi32, #tpu.memory_space<hbm>> -> memref<64xi32, #tpu.memory_space<hbm>>
          %dma_start3A_129 = arith.constant 0 : i32
          %dma_start3A_130 = tpu.memref_slice %arg4[%add3A, %add3A_125, %dma_start3A_129] : memref<32x160x64xi32, #tpu.memory_space<hbm>> -> memref<1x1x64xi32, #tpu.memory_space<hbm>>
          %dma_start3A_131 = tpu.memref_squeeze %dma_start3A_130 : memref<1x1x64xi32, #tpu.memory_space<hbm>> -> memref<64xi32, #tpu.memory_space<hbm>>
          tpu.enqueue_dma source(%dma_start3A_131 : memref<64xi32, #tpu.memory_space<hbm>>) target(%arg10 : memref<64xi32, #tpu.memory_space<vmem>>) target_semaphore(%arg30 : memref<!tpu.dma_semaphore, #tpu.memory_space<semaphore_mem>>)
        } else {
        }
        %dma_wait3A_115 = arith.constant 0 : i32
        %dma_wait3A_116 = arith.constant 0 : i32
        %dma_wait3A_117 = tpu.memref_slice %arg4[%add3A, %dma_wait3A_115, %dma_wait3A_116] : memref<32x160x64xi32, #tpu.memory_space<hbm>> -> memref<1x1x64xi32, #tpu.memory_space<hbm>>
        %dma_wait3A_118 = tpu.memref_squeeze %dma_wait3A_117 : memref<1x1x64xi32, #tpu.memory_space<hbm>> -> memref<64xi32, #tpu.memory_space<hbm>>
        %dma_wait3A_119 = arith.constant 0 : i32
        %dma_wait3A_120 = tpu.memref_slice %arg4[%add3A, %dma_wait3A_115, %dma_wait3A_119] : memref<32x160x64xi32, #tpu.memory_space<hbm>> -> memref<1x1x64xi32, #tpu.memory_space<hbm>>
        %dma_wait3A_121 = tpu.memref_squeeze %dma_wait3A_120 : memref<1x1x64xi32, #tpu.memory_space<hbm>> -> memref<64xi32, #tpu.memory_space<hbm>>
        tpu.wait_dma2 semaphore(%arg34 : memref<!tpu.dma_semaphore, #tpu.memory_space<semaphore_mem>>) src(%dma_wait3A_121 : memref<64xi32, #tpu.memory_space<hbm>>) dst(%arg14 : memref<64xi32, #tpu.memory_space<vmem>>)
        %dma_start3A = arith.constant 0 : i32
        %dma_start3A_122 = arith.constant 0 : i32
        %dma_start3A_123 = tpu.memref_slice %arg7[%dma_start3A, %dma_start3A_122] : memref<10112x128xf32, #tpu.memory_space<vmem_shared>> -> memref<10112x128xf32, #tpu.memory_space<vmem_shared>>
        tpu.enqueue_indirect_dma source(%arg18 : memref<64x128xf32, #tpu.memory_space<vmem>>) target(%dma_start3A_123 : memref<10112x128xf32, #tpu.memory_space<vmem_shared>>) offsets(%arg14 : memref<64xi32, #tpu.memory_space<vmem>>) semaphore(%arg26 : memref<!tpu.dma_semaphore, #tpu.memory_space<semaphore_mem>>) {add = true}
      } else {
      }
      %mul3A_37 = arith.constant 4 : i32
      %mul3A_38 = arith.muli %add3A_19, %mul3A_37 : i32
      %add3A_39 = arith.constant 1 : i32
      %add3A_40 = arith.addi %mul3A_38, %add3A_39 : i32
      %ge3A_41 = arith.constant 4 : i32
      %ge3A_42 = arith.cmpi sge, %add3A_40, %ge3A_41 : i32
      %convert_element_type3A_43 = arith.extui %ge3A_42 : i1 to i32
      %cond3A_44 = arith.constant 0 : i32
      %cond3A_45 = arith.cmpi ne, %convert_element_type3A_43, %cond3A_44 : i32
      scf.if %cond3A_45 {
        %dma_wait3A = arith.constant 0 : i32
        %dma_wait3A_103 = arith.constant 0 : i32
        %dma_wait3A_104 = tpu.memref_slice %arg7[%dma_wait3A, %dma_wait3A_103] : memref<10112x128xf32, #tpu.memory_space<vmem_shared>> -> memref<10112x128xf32, #tpu.memory_space<vmem_shared>>
        tpu.wait_indirect_dma semaphore(%arg25 : memref<!tpu.dma_semaphore, #tpu.memory_space<semaphore_mem>>) src(%arg17 : memref<64x128xf32, #tpu.memory_space<vmem>>) dst(%dma_wait3A_104 : memref<10112x128xf32, #tpu.memory_space<vmem_shared>>)
      } else {
      }
      %lt3A_46 = arith.constant 160 : i32
      %lt3A_47 = arith.cmpi slt, %add3A_40, %lt3A_46 : i32
      %convert_element_type3A_48 = arith.extui %lt3A_47 : i1 to i32
      %cond3A_49 = arith.constant 0 : i32
      %cond3A_50 = arith.cmpi ne, %convert_element_type3A_48, %cond3A_49 : i32
      scf.if %cond3A_50 {
        %dma_start3A = arith.constant 0 : i32
        %dma_start3A_103 = tpu.memref_slice %arg3[%add3A, %add3A_40, %dma_start3A] : memref<32x160x64xi32, #tpu.memory_space<hbm>> -> memref<1x1x64xi32, #tpu.memory_space<hbm>>
        %dma_start3A_104 = tpu.memref_squeeze %dma_start3A_103 : memref<1x1x64xi32, #tpu.memory_space<hbm>> -> memref<64xi32, #tpu.memory_space<hbm>>
        %dma_start3A_105 = arith.constant 0 : i32
        %dma_start3A_106 = tpu.memref_slice %arg3[%add3A, %add3A_40, %dma_start3A_105] : memref<32x160x64xi32, #tpu.memory_space<hbm>> -> memref<1x1x64xi32, #tpu.memory_space<hbm>>
        %dma_start3A_107 = tpu.memref_squeeze %dma_start3A_106 : memref<1x1x64xi32, #tpu.memory_space<hbm>> -> memref<64xi32, #tpu.memory_space<hbm>>
        tpu.enqueue_dma source(%dma_start3A_107 : memref<64xi32, #tpu.memory_space<hbm>>) target(%arg13 : memref<64xi32, #tpu.memory_space<vmem>>) target_semaphore(%arg33 : memref<!tpu.dma_semaphore, #tpu.memory_space<semaphore_mem>>)
        %ge3A_108 = arith.constant 4 : i32
        %ge3A_109 = arith.cmpi sge, %add3A_40, %ge3A_108 : i32
        %convert_element_type3A_110 = arith.extui %ge3A_109 : i1 to i32
        %cond3A_111 = arith.constant 0 : i32
        %cond3A_112 = arith.cmpi ne, %convert_element_type3A_110, %cond3A_111 : i32
        scf.if %cond3A_112 {
          %dma_wait3A = arith.constant 0 : i32
          %dma_wait3A_116 = arith.constant 0 : i32
          %dma_wait3A_117 = tpu.memref_slice %arg4[%add3A, %dma_wait3A, %dma_wait3A_116] : memref<32x160x64xi32, #tpu.memory_space<hbm>> -> memref<1x1x64xi32, #tpu.memory_space<hbm>>
          %dma_wait3A_118 = tpu.memref_squeeze %dma_wait3A_117 : memref<1x1x64xi32, #tpu.memory_space<hbm>> -> memref<64xi32, #tpu.memory_space<hbm>>
          %dma_wait3A_119 = arith.constant 0 : i32
          %dma_wait3A_120 = tpu.memref_slice %arg4[%add3A, %dma_wait3A, %dma_wait3A_119] : memref<32x160x64xi32, #tpu.memory_space<hbm>> -> memref<1x1x64xi32, #tpu.memory_space<hbm>>
          %dma_wait3A_121 = tpu.memref_squeeze %dma_wait3A_120 : memref<1x1x64xi32, #tpu.memory_space<hbm>> -> memref<64xi32, #tpu.memory_space<hbm>>
          tpu.wait_dma2 semaphore(%arg29 : memref<!tpu.dma_semaphore, #tpu.memory_space<semaphore_mem>>) src(%dma_wait3A_121 : memref<64xi32, #tpu.memory_space<hbm>>) dst(%arg9 : memref<64xi32, #tpu.memory_space<vmem>>)
        } else {
        }
        %dma_start3A_113 = arith.constant 0 : i32
        %dma_start3A_114 = arith.constant 0 : i32
        %dma_start3A_115 = tpu.memref_slice %arg2[%dma_start3A_113, %dma_start3A_114] : memref<10000x128xf32, #tpu.memory_space<hbm>> -> memref<10000x128xf32, #tpu.memory_space<hbm>>
        tpu.enqueue_indirect_dma source(%dma_start3A_115 : memref<10000x128xf32, #tpu.memory_space<hbm>>) target(%arg17 : memref<64x128xf32, #tpu.memory_space<vmem>>) offsets(%arg9 : memref<64xi32, #tpu.memory_space<vmem>>) semaphore(%arg21 : memref<!tpu.dma_semaphore, #tpu.memory_space<semaphore_mem>>)
      } else {
      }
      %ge3A_51 = arith.constant 2 : i32
      %ge3A_52 = arith.cmpi sge, %add3A_40, %ge3A_51 : i32
      %lt3A_53 = arith.constant 162 : i32
      %lt3A_54 = arith.cmpi slt, %add3A_40, %lt3A_53 : i32
      %and3A_55 = arith.andi %ge3A_52, %lt3A_54 : i1
      %convert_element_type3A_56 = arith.extui %and3A_55 : i1 to i32
      %cond3A_57 = arith.constant 0 : i32
      %cond3A_58 = arith.cmpi ne, %convert_element_type3A_56, %cond3A_57 : i32
      scf.if %cond3A_58 {
        %dma_wait3A = arith.constant 0 : i32
        %dma_wait3A_103 = arith.constant 0 : i32
        %dma_wait3A_104 = tpu.memref_slice %arg2[%dma_wait3A, %dma_wait3A_103] : memref<10000x128xf32, #tpu.memory_space<hbm>> -> memref<10000x128xf32, #tpu.memory_space<hbm>>
        tpu.wait_indirect_dma semaphore(%arg23 : memref<!tpu.dma_semaphore, #tpu.memory_space<semaphore_mem>>) src(%dma_wait3A_104 : memref<10000x128xf32, #tpu.memory_space<hbm>>) dst(%arg19 : memref<64x128xf32, #tpu.memory_space<vmem>>)
        %ge3A_105 = arith.constant 2 : i32
        %ge3A_106 = arith.cmpi sge, %add3A_40, %ge3A_105 : i32
        %add3A_107 = arith.constant 2 : i32
        %add3A_108 = arith.addi %add3A_40, %add3A_107 : i32
        %lt3A_109 = arith.constant 160 : i32
        %lt3A_110 = arith.cmpi slt, %add3A_108, %lt3A_109 : i32
        %and3A_111 = arith.andi %ge3A_106, %lt3A_110 : i1
        %convert_element_type3A_112 = arith.extui %and3A_111 : i1 to i32
        %cond3A_113 = arith.constant 0 : i32
        %cond3A_114 = arith.cmpi ne, %convert_element_type3A_112, %cond3A_113 : i32
        scf.if %cond3A_114 {
          %add3A_124 = arith.constant 2 : i32
          %add3A_125 = arith.addi %add3A_40, %add3A_124 : i32
          %dma_start3A_126 = arith.constant 0 : i32
          %dma_start3A_127 = tpu.memref_slice %arg4[%add3A, %add3A_125, %dma_start3A_126] : memref<32x160x64xi32, #tpu.memory_space<hbm>> -> memref<1x1x64xi32, #tpu.memory_space<hbm>>
          %dma_start3A_128 = tpu.memref_squeeze %dma_start3A_127 : memref<1x1x64xi32, #tpu.memory_space<hbm>> -> memref<64xi32, #tpu.memory_space<hbm>>
          %dma_start3A_129 = arith.constant 0 : i32
          %dma_start3A_130 = tpu.memref_slice %arg4[%add3A, %add3A_125, %dma_start3A_129] : memref<32x160x64xi32, #tpu.memory_space<hbm>> -> memref<1x1x64xi32, #tpu.memory_space<hbm>>
          %dma_start3A_131 = tpu.memref_squeeze %dma_start3A_130 : memref<1x1x64xi32, #tpu.memory_space<hbm>> -> memref<64xi32, #tpu.memory_space<hbm>>
          tpu.enqueue_dma source(%dma_start3A_131 : memref<64xi32, #tpu.memory_space<hbm>>) target(%arg11 : memref<64xi32, #tpu.memory_space<vmem>>) target_semaphore(%arg31 : memref<!tpu.dma_semaphore, #tpu.memory_space<semaphore_mem>>)
        } else {
        }
        %dma_wait3A_115 = arith.constant 0 : i32
        %dma_wait3A_116 = arith.constant 0 : i32
        %dma_wait3A_117 = tpu.memref_slice %arg4[%add3A, %dma_wait3A_115, %dma_wait3A_116] : memref<32x160x64xi32, #tpu.memory_space<hbm>> -> memref<1x1x64xi32, #tpu.memory_space<hbm>>
        %dma_wait3A_118 = tpu.memref_squeeze %dma_wait3A_117 : memref<1x1x64xi32, #tpu.memory_space<hbm>> -> memref<64xi32, #tpu.memory_space<hbm>>
        %dma_wait3A_119 = arith.constant 0 : i32
        %dma_wait3A_120 = tpu.memref_slice %arg4[%add3A, %dma_wait3A_115, %dma_wait3A_119] : memref<32x160x64xi32, #tpu.memory_space<hbm>> -> memref<1x1x64xi32, #tpu.memory_space<hbm>>
        %dma_wait3A_121 = tpu.memref_squeeze %dma_wait3A_120 : memref<1x1x64xi32, #tpu.memory_space<hbm>> -> memref<64xi32, #tpu.memory_space<hbm>>
        tpu.wait_dma2 semaphore(%arg35 : memref<!tpu.dma_semaphore, #tpu.memory_space<semaphore_mem>>) src(%dma_wait3A_121 : memref<64xi32, #tpu.memory_space<hbm>>) dst(%arg15 : memref<64xi32, #tpu.memory_space<vmem>>)
        %dma_start3A = arith.constant 0 : i32
        %dma_start3A_122 = arith.constant 0 : i32
        %dma_start3A_123 = tpu.memref_slice %arg7[%dma_start3A, %dma_start3A_122] : memref<10112x128xf32, #tpu.memory_space<vmem_shared>> -> memref<10112x128xf32, #tpu.memory_space<vmem_shared>>
        tpu.enqueue_indirect_dma source(%arg19 : memref<64x128xf32, #tpu.memory_space<vmem>>) target(%dma_start3A_123 : memref<10112x128xf32, #tpu.memory_space<vmem_shared>>) offsets(%arg15 : memref<64xi32, #tpu.memory_space<vmem>>) semaphore(%arg27 : memref<!tpu.dma_semaphore, #tpu.memory_space<semaphore_mem>>) {add = true}
      } else {
      }
      %mul3A_59 = arith.constant 4 : i32
      %mul3A_60 = arith.muli %add3A_19, %mul3A_59 : i32
      %add3A_61 = arith.constant 2 : i32
      %add3A_62 = arith.addi %mul3A_60, %add3A_61 : i32
      %ge3A_63 = arith.constant 4 : i32
      %ge3A_64 = arith.cmpi sge, %add3A_62, %ge3A_63 : i32
      %convert_element_type3A_65 = arith.extui %ge3A_64 : i1 to i32
      %cond3A_66 = arith.constant 0 : i32
      %cond3A_67 = arith.cmpi ne, %convert_element_type3A_65, %cond3A_66 : i32
      scf.if %cond3A_67 {
        %dma_wait3A = arith.constant 0 : i32
        %dma_wait3A_103 = arith.constant 0 : i32
        %dma_wait3A_104 = tpu.memref_slice %arg7[%dma_wait3A, %dma_wait3A_103] : memref<10112x128xf32, #tpu.memory_space<vmem_shared>> -> memref<10112x128xf32, #tpu.memory_space<vmem_shared>>
        tpu.wait_indirect_dma semaphore(%arg26 : memref<!tpu.dma_semaphore, #tpu.memory_space<semaphore_mem>>) src(%arg18 : memref<64x128xf32, #tpu.memory_space<vmem>>) dst(%dma_wait3A_104 : memref<10112x128xf32, #tpu.memory_space<vmem_shared>>)
      } else {
      }
      %lt3A_68 = arith.constant 160 : i32
      %lt3A_69 = arith.cmpi slt, %add3A_62, %lt3A_68 : i32
      %convert_element_type3A_70 = arith.extui %lt3A_69 : i1 to i32
      %cond3A_71 = arith.constant 0 : i32
      %cond3A_72 = arith.cmpi ne, %convert_element_type3A_70, %cond3A_71 : i32
      scf.if %cond3A_72 {
        %dma_start3A = arith.constant 0 : i32
        %dma_start3A_103 = tpu.memref_slice %arg3[%add3A, %add3A_62, %dma_start3A] : memref<32x160x64xi32, #tpu.memory_space<hbm>> -> memref<1x1x64xi32, #tpu.memory_space<hbm>>
        %dma_start3A_104 = tpu.memref_squeeze %dma_start3A_103 : memref<1x1x64xi32, #tpu.memory_space<hbm>> -> memref<64xi32, #tpu.memory_space<hbm>>
        %dma_start3A_105 = arith.constant 0 : i32
        %dma_start3A_106 = tpu.memref_slice %arg3[%add3A, %add3A_62, %dma_start3A_105] : memref<32x160x64xi32, #tpu.memory_space<hbm>> -> memref<1x1x64xi32, #tpu.memory_space<hbm>>
        %dma_start3A_107 = tpu.memref_squeeze %dma_start3A_106 : memref<1x1x64xi32, #tpu.memory_space<hbm>> -> memref<64xi32, #tpu.memory_space<hbm>>
        tpu.enqueue_dma source(%dma_start3A_107 : memref<64xi32, #tpu.memory_space<hbm>>) target(%arg14 : memref<64xi32, #tpu.memory_space<vmem>>) target_semaphore(%arg34 : memref<!tpu.dma_semaphore, #tpu.memory_space<semaphore_mem>>)
        %ge3A_108 = arith.constant 4 : i32
        %ge3A_109 = arith.cmpi sge, %add3A_62, %ge3A_108 : i32
        %convert_element_type3A_110 = arith.extui %ge3A_109 : i1 to i32
        %cond3A_111 = arith.constant 0 : i32
        %cond3A_112 = arith.cmpi ne, %convert_element_type3A_110, %cond3A_111 : i32
        scf.if %cond3A_112 {
          %dma_wait3A = arith.constant 0 : i32
          %dma_wait3A_116 = arith.constant 0 : i32
          %dma_wait3A_117 = tpu.memref_slice %arg4[%add3A, %dma_wait3A, %dma_wait3A_116] : memref<32x160x64xi32, #tpu.memory_space<hbm>> -> memref<1x1x64xi32, #tpu.memory_space<hbm>>
          %dma_wait3A_118 = tpu.memref_squeeze %dma_wait3A_117 : memref<1x1x64xi32, #tpu.memory_space<hbm>> -> memref<64xi32, #tpu.memory_space<hbm>>
          %dma_wait3A_119 = arith.constant 0 : i32
          %dma_wait3A_120 = tpu.memref_slice %arg4[%add3A, %dma_wait3A, %dma_wait3A_119] : memref<32x160x64xi32, #tpu.memory_space<hbm>> -> memref<1x1x64xi32, #tpu.memory_space<hbm>>
          %dma_wait3A_121 = tpu.memref_squeeze %dma_wait3A_120 : memref<1x1x64xi32, #tpu.memory_space<hbm>> -> memref<64xi32, #tpu.memory_space<hbm>>
          tpu.wait_dma2 semaphore(%arg30 : memref<!tpu.dma_semaphore, #tpu.memory_space<semaphore_mem>>) src(%dma_wait3A_121 : memref<64xi32, #tpu.memory_space<hbm>>) dst(%arg10 : memref<64xi32, #tpu.memory_space<vmem>>)
        } else {
        }
        %dma_start3A_113 = arith.constant 0 : i32
        %dma_start3A_114 = arith.constant 0 : i32
        %dma_start3A_115 = tpu.memref_slice %arg2[%dma_start3A_113, %dma_start3A_114] : memref<10000x128xf32, #tpu.memory_space<hbm>> -> memref<10000x128xf32, #tpu.memory_space<hbm>>
        tpu.enqueue_indirect_dma source(%dma_start3A_115 : memref<10000x128xf32, #tpu.memory_space<hbm>>) target(%arg18 : memref<64x128xf32, #tpu.memory_space<vmem>>) offsets(%arg10 : memref<64xi32, #tpu.memory_space<vmem>>) semaphore(%arg22 : memref<!tpu.dma_semaphore, #tpu.memory_space<semaphore_mem>>)
      } else {
      }
      %ge3A_73 = arith.constant 2 : i32
      %ge3A_74 = arith.cmpi sge, %add3A_62, %ge3A_73 : i32
      %lt3A_75 = arith.constant 162 : i32
      %lt3A_76 = arith.cmpi slt, %add3A_62, %lt3A_75 : i32
      %and3A_77 = arith.andi %ge3A_74, %lt3A_76 : i1
      %convert_element_type3A_78 = arith.extui %and3A_77 : i1 to i32
      %cond3A_79 = arith.constant 0 : i32
      %cond3A_80 = arith.cmpi ne, %convert_element_type3A_78, %cond3A_79 : i32
      scf.if %cond3A_80 {
        %dma_wait3A = arith.constant 0 : i32
        %dma_wait3A_103 = arith.constant 0 : i32
        %dma_wait3A_104 = tpu.memref_slice %arg2[%dma_wait3A, %dma_wait3A_103] : memref<10000x128xf32, #tpu.memory_space<hbm>> -> memref<10000x128xf32, #tpu.memory_space<hbm>>
        tpu.wait_indirect_dma semaphore(%arg20 : memref<!tpu.dma_semaphore, #tpu.memory_space<semaphore_mem>>) src(%dma_wait3A_104 : memref<10000x128xf32, #tpu.memory_space<hbm>>) dst(%arg16 : memref<64x128xf32, #tpu.memory_space<vmem>>)
        %ge3A_105 = arith.constant 2 : i32
        %ge3A_106 = arith.cmpi sge, %add3A_62, %ge3A_105 : i32
        %add3A_107 = arith.constant 2 : i32
        %add3A_108 = arith.addi %add3A_62, %add3A_107 : i32
        %lt3A_109 = arith.constant 160 : i32
        %lt3A_110 = arith.cmpi slt, %add3A_108, %lt3A_109 : i32
        %and3A_111 = arith.andi %ge3A_106, %lt3A_110 : i1
        %convert_element_type3A_112 = arith.extui %and3A_111 : i1 to i32
        %cond3A_113 = arith.constant 0 : i32
        %cond3A_114 = arith.cmpi ne, %convert_element_type3A_112, %cond3A_113 : i32
        scf.if %cond3A_114 {
          %add3A_124 = arith.constant 2 : i32
          %add3A_125 = arith.addi %add3A_62, %add3A_124 : i32
          %dma_start3A_126 = arith.constant 0 : i32
          %dma_start3A_127 = tpu.memref_slice %arg4[%add3A, %add3A_125, %dma_start3A_126] : memref<32x160x64xi32, #tpu.memory_space<hbm>> -> memref<1x1x64xi32, #tpu.memory_space<hbm>>
          %dma_start3A_128 = tpu.memref_squeeze %dma_start3A_127 : memref<1x1x64xi32, #tpu.memory_space<hbm>> -> memref<64xi32, #tpu.memory_space<hbm>>
          %dma_start3A_129 = arith.constant 0 : i32
          %dma_start3A_130 = tpu.memref_slice %arg4[%add3A, %add3A_125, %dma_start3A_129] : memref<32x160x64xi32, #tpu.memory_space<hbm>> -> memref<1x1x64xi32, #tpu.memory_space<hbm>>
          %dma_start3A_131 = tpu.memref_squeeze %dma_start3A_130 : memref<1x1x64xi32, #tpu.memory_space<hbm>> -> memref<64xi32, #tpu.memory_space<hbm>>
          tpu.enqueue_dma source(%dma_start3A_131 : memref<64xi32, #tpu.memory_space<hbm>>) target(%arg8 : memref<64xi32, #tpu.memory_space<vmem>>) target_semaphore(%arg28 : memref<!tpu.dma_semaphore, #tpu.memory_space<semaphore_mem>>)
        } else {
        }
        %dma_wait3A_115 = arith.constant 0 : i32
        %dma_wait3A_116 = arith.constant 0 : i32
        %dma_wait3A_117 = tpu.memref_slice %arg4[%add3A, %dma_wait3A_115, %dma_wait3A_116] : memref<32x160x64xi32, #tpu.memory_space<hbm>> -> memref<1x1x64xi32, #tpu.memory_space<hbm>>
        %dma_wait3A_118 = tpu.memref_squeeze %dma_wait3A_117 : memref<1x1x64xi32, #tpu.memory_space<hbm>> -> memref<64xi32, #tpu.memory_space<hbm>>
        %dma_wait3A_119 = arith.constant 0 : i32
        %dma_wait3A_120 = tpu.memref_slice %arg4[%add3A, %dma_wait3A_115, %dma_wait3A_119] : memref<32x160x64xi32, #tpu.memory_space<hbm>> -> memref<1x1x64xi32, #tpu.memory_space<hbm>>
        %dma_wait3A_121 = tpu.memref_squeeze %dma_wait3A_120 : memref<1x1x64xi32, #tpu.memory_space<hbm>> -> memref<64xi32, #tpu.memory_space<hbm>>
        tpu.wait_dma2 semaphore(%arg32 : memref<!tpu.dma_semaphore, #tpu.memory_space<semaphore_mem>>) src(%dma_wait3A_121 : memref<64xi32, #tpu.memory_space<hbm>>) dst(%arg12 : memref<64xi32, #tpu.memory_space<vmem>>)
        %dma_start3A = arith.constant 0 : i32
        %dma_start3A_122 = arith.constant 0 : i32
        %dma_start3A_123 = tpu.memref_slice %arg7[%dma_start3A, %dma_start3A_122] : memref<10112x128xf32, #tpu.memory_space<vmem_shared>> -> memref<10112x128xf32, #tpu.memory_space<vmem_shared>>
        tpu.enqueue_indirect_dma source(%arg16 : memref<64x128xf32, #tpu.memory_space<vmem>>) target(%dma_start3A_123 : memref<10112x128xf32, #tpu.memory_space<vmem_shared>>) offsets(%arg12 : memref<64xi32, #tpu.memory_space<vmem>>) semaphore(%arg24 : memref<!tpu.dma_semaphore, #tpu.memory_space<semaphore_mem>>) {add = true}
      } else {
      }
      %mul3A_81 = arith.constant 4 : i32
      %mul3A_82 = arith.muli %add3A_19, %mul3A_81 : i32
      %add3A_83 = arith.constant 3 : i32
      %add3A_84 = arith.addi %mul3A_82, %add3A_83 : i32
      %ge3A_85 = arith.constant 4 : i32
      %ge3A_86 = arith.cmpi sge, %add3A_84, %ge3A_85 : i32
      %convert_element_type3A_87 = arith.extui %ge3A_86 : i1 to i32
      %cond3A_88 = arith.constant 0 : i32
      %cond3A_89 = arith.cmpi ne, %convert_element_type3A_87, %cond3A_88 : i32
      scf.if %cond3A_89 {
        %dma_wait3A = arith.constant 0 : i32
        %dma_wait3A_103 = arith.constant 0 : i32
        %dma_wait3A_104 = tpu.memref_slice %arg7[%dma_wait3A, %dma_wait3A_103] : memref<10112x128xf32, #tpu.memory_space<vmem_shared>> -> memref<10112x128xf32, #tpu.memory_space<vmem_shared>>
        tpu.wait_indirect_dma semaphore(%arg27 : memref<!tpu.dma_semaphore, #tpu.memory_space<semaphore_mem>>) src(%arg19 : memref<64x128xf32, #tpu.memory_space<vmem>>) dst(%dma_wait3A_104 : memref<10112x128xf32, #tpu.memory_space<vmem_shared>>)
      } else {
      }
      %lt3A_90 = arith.constant 160 : i32
      %lt3A_91 = arith.cmpi slt, %add3A_84, %lt3A_90 : i32
      %convert_element_type3A_92 = arith.extui %lt3A_91 : i1 to i32
      %cond3A_93 = arith.constant 0 : i32
      %cond3A_94 = arith.cmpi ne, %convert_element_type3A_92, %cond3A_93 : i32
      scf.if %cond3A_94 {
        %dma_start3A = arith.constant 0 : i32
        %dma_start3A_103 = tpu.memref_slice %arg3[%add3A, %add3A_84, %dma_start3A] : memref<32x160x64xi32, #tpu.memory_space<hbm>> -> memref<1x1x64xi32, #tpu.memory_space<hbm>>
        %dma_start3A_104 = tpu.memref_squeeze %dma_start3A_103 : memref<1x1x64xi32, #tpu.memory_space<hbm>> -> memref<64xi32, #tpu.memory_space<hbm>>
        %dma_start3A_105 = arith.constant 0 : i32
        %dma_start3A_106 = tpu.memref_slice %arg3[%add3A, %add3A_84, %dma_start3A_105] : memref<32x160x64xi32, #tpu.memory_space<hbm>> -> memref<1x1x64xi32, #tpu.memory_space<hbm>>
        %dma_start3A_107 = tpu.memref_squeeze %dma_start3A_106 : memref<1x1x64xi32, #tpu.memory_space<hbm>> -> memref<64xi32, #tpu.memory_space<hbm>>
        tpu.enqueue_dma source(%dma_start3A_107 : memref<64xi32, #tpu.memory_space<hbm>>) target(%arg15 : memref<64xi32, #tpu.memory_space<vmem>>) target_semaphore(%arg35 : memref<!tpu.dma_semaphore, #tpu.memory_space<semaphore_mem>>)
        %ge3A_108 = arith.constant 4 : i32
        %ge3A_109 = arith.cmpi sge, %add3A_84, %ge3A_108 : i32
        %convert_element_type3A_110 = arith.extui %ge3A_109 : i1 to i32
        %cond3A_111 = arith.constant 0 : i32
        %cond3A_112 = arith.cmpi ne, %convert_element_type3A_110, %cond3A_111 : i32
        scf.if %cond3A_112 {
          %dma_wait3A = arith.constant 0 : i32
          %dma_wait3A_116 = arith.constant 0 : i32
          %dma_wait3A_117 = tpu.memref_slice %arg4[%add3A, %dma_wait3A, %dma_wait3A_116] : memref<32x160x64xi32, #tpu.memory_space<hbm>> -> memref<1x1x64xi32, #tpu.memory_space<hbm>>
          %dma_wait3A_118 = tpu.memref_squeeze %dma_wait3A_117 : memref<1x1x64xi32, #tpu.memory_space<hbm>> -> memref<64xi32, #tpu.memory_space<hbm>>
          %dma_wait3A_119 = arith.constant 0 : i32
          %dma_wait3A_120 = tpu.memref_slice %arg4[%add3A, %dma_wait3A, %dma_wait3A_119] : memref<32x160x64xi32, #tpu.memory_space<hbm>> -> memref<1x1x64xi32, #tpu.memory_space<hbm>>
          %dma_wait3A_121 = tpu.memref_squeeze %dma_wait3A_120 : memref<1x1x64xi32, #tpu.memory_space<hbm>> -> memref<64xi32, #tpu.memory_space<hbm>>
          tpu.wait_dma2 semaphore(%arg31 : memref<!tpu.dma_semaphore, #tpu.memory_space<semaphore_mem>>) src(%dma_wait3A_121 : memref<64xi32, #tpu.memory_space<hbm>>) dst(%arg11 : memref<64xi32, #tpu.memory_space<vmem>>)
        } else {
        }
        %dma_start3A_113 = arith.constant 0 : i32
        %dma_start3A_114 = arith.constant 0 : i32
        %dma_start3A_115 = tpu.memref_slice %arg2[%dma_start3A_113, %dma_start3A_114] : memref<10000x128xf32, #tpu.memory_space<hbm>> -> memref<10000x128xf32, #tpu.memory_space<hbm>>
        tpu.enqueue_indirect_dma source(%dma_start3A_115 : memref<10000x128xf32, #tpu.memory_space<hbm>>) target(%arg19 : memref<64x128xf32, #tpu.memory_space<vmem>>) offsets(%arg11 : memref<64xi32, #tpu.memory_space<vmem>>) semaphore(%arg23 : memref<!tpu.dma_semaphore, #tpu.memory_space<semaphore_mem>>)
      } else {
      }
      %ge3A_95 = arith.constant 2 : i32
      %ge3A_96 = arith.cmpi sge, %add3A_84, %ge3A_95 : i32
      %lt3A_97 = arith.constant 162 : i32
      %lt3A_98 = arith.cmpi slt, %add3A_84, %lt3A_97 : i32
      %and3A_99 = arith.andi %ge3A_96, %lt3A_98 : i1
      %convert_element_type3A_100 = arith.extui %and3A_99 : i1 to i32
      %cond3A_101 = arith.constant 0 : i32
      %cond3A_102 = arith.cmpi ne, %convert_element_type3A_100, %cond3A_101 : i32
      scf.if %cond3A_102 {
        %dma_wait3A = arith.constant 0 : i32
        %dma_wait3A_103 = arith.constant 0 : i32
        %dma_wait3A_104 = tpu.memref_slice %arg2[%dma_wait3A, %dma_wait3A_103] : memref<10000x128xf32, #tpu.memory_space<hbm>> -> memref<10000x128xf32, #tpu.memory_space<hbm>>
        tpu.wait_indirect_dma semaphore(%arg21 : memref<!tpu.dma_semaphore, #tpu.memory_space<semaphore_mem>>) src(%dma_wait3A_104 : memref<10000x128xf32, #tpu.memory_space<hbm>>) dst(%arg17 : memref<64x128xf32, #tpu.memory_space<vmem>>)
        %ge3A_105 = arith.constant 2 : i32
        %ge3A_106 = arith.cmpi sge, %add3A_84, %ge3A_105 : i32
        %add3A_107 = arith.constant 2 : i32
        %add3A_108 = arith.addi %add3A_84, %add3A_107 : i32
        %lt3A_109 = arith.constant 160 : i32
        %lt3A_110 = arith.cmpi slt, %add3A_108, %lt3A_109 : i32
        %and3A_111 = arith.andi %ge3A_106, %lt3A_110 : i1
        %convert_element_type3A_112 = arith.extui %and3A_111 : i1 to i32
        %cond3A_113 = arith.constant 0 : i32
        %cond3A_114 = arith.cmpi ne, %convert_element_type3A_112, %cond3A_113 : i32
        scf.if %cond3A_114 {
          %add3A_124 = arith.constant 2 : i32
          %add3A_125 = arith.addi %add3A_84, %add3A_124 : i32
          %dma_start3A_126 = arith.constant 0 : i32
          %dma_start3A_127 = tpu.memref_slice %arg4[%add3A, %add3A_125, %dma_start3A_126] : memref<32x160x64xi32, #tpu.memory_space<hbm>> -> memref<1x1x64xi32, #tpu.memory_space<hbm>>
          %dma_start3A_128 = tpu.memref_squeeze %dma_start3A_127 : memref<1x1x64xi32, #tpu.memory_space<hbm>> -> memref<64xi32, #tpu.memory_space<hbm>>
          %dma_start3A_129 = arith.constant 0 : i32
          %dma_start3A_130 = tpu.memref_slice %arg4[%add3A, %add3A_125, %dma_start3A_129] : memref<32x160x64xi32, #tpu.memory_space<hbm>> -> memref<1x1x64xi32, #tpu.memory_space<hbm>>
          %dma_start3A_131 = tpu.memref_squeeze %dma_start3A_130 : memref<1x1x64xi32, #tpu.memory_space<hbm>> -> memref<64xi32, #tpu.memory_space<hbm>>
          tpu.enqueue_dma source(%dma_start3A_131 : memref<64xi32, #tpu.memory_space<hbm>>) target(%arg9 : memref<64xi32, #tpu.memory_space<vmem>>) target_semaphore(%arg29 : memref<!tpu.dma_semaphore, #tpu.memory_space<semaphore_mem>>)
        } else {
        }
        %dma_wait3A_115 = arith.constant 0 : i32
        %dma_wait3A_116 = arith.constant 0 : i32
        %dma_wait3A_117 = tpu.memref_slice %arg4[%add3A, %dma_wait3A_115, %dma_wait3A_116] : memref<32x160x64xi32, #tpu.memory_space<hbm>> -> memref<1x1x64xi32, #tpu.memory_space<hbm>>
        %dma_wait3A_118 = tpu.memref_squeeze %dma_wait3A_117 : memref<1x1x64xi32, #tpu.memory_space<hbm>> -> memref<64xi32, #tpu.memory_space<hbm>>
        %dma_wait3A_119 = arith.constant 0 : i32
        %dma_wait3A_120 = tpu.memref_slice %arg4[%add3A, %dma_wait3A_115, %dma_wait3A_119] : memref<32x160x64xi32, #tpu.memory_space<hbm>> -> memref<1x1x64xi32, #tpu.memory_space<hbm>>
        %dma_wait3A_121 = tpu.memref_squeeze %dma_wait3A_120 : memref<1x1x64xi32, #tpu.memory_space<hbm>> -> memref<64xi32, #tpu.memory_space<hbm>>
        tpu.wait_dma2 semaphore(%arg33 : memref<!tpu.dma_semaphore, #tpu.memory_space<semaphore_mem>>) src(%dma_wait3A_121 : memref<64xi32, #tpu.memory_space<hbm>>) dst(%arg13 : memref<64xi32, #tpu.memory_space<vmem>>)
        %dma_start3A = arith.constant 0 : i32
        %dma_start3A_122 = arith.constant 0 : i32
        %dma_start3A_123 = tpu.memref_slice %arg7[%dma_start3A, %dma_start3A_122] : memref<10112x128xf32, #tpu.memory_space<vmem_shared>> -> memref<10112x128xf32, #tpu.memory_space<vmem_shared>>
        tpu.enqueue_indirect_dma source(%arg17 : memref<64x128xf32, #tpu.memory_space<vmem>>) target(%dma_start3A_123 : memref<10112x128xf32, #tpu.memory_space<vmem_shared>>) offsets(%arg13 : memref<64xi32, #tpu.memory_space<vmem>>) semaphore(%arg25 : memref<!tpu.dma_semaphore, #tpu.memory_space<semaphore_mem>>) {add = true}
      } else {
      }
    }
    %scan3A_9 = arith.constant 41 : i32
    %barrier3A_10 = arith.constant 0 : index
    tpu.barrier barrier_id(%barrier3A_10)
    %mul3A_11 = arith.constant 632 : i32
    %mul3A_12 = arith.muli %arg1, %mul3A_11 : i32
    %mul3A_13 = arith.constant 632 : i32
    %mul3A_14 = arith.muli %arg1, %mul3A_13 : i32
    "tpu.region"() ({
      %run_scoped3A_15 = tpu.sem_alloc : memref<!tpu.dma_semaphore, #tpu.memory_space<semaphore_mem>>
      %dma_start3A = arith.constant 0 : i32
      %dma_start3A_16 = tpu.memref_slice %arg6[%arg0, %mul3A_14, %dma_start3A] : memref<2x10112x128xf32, #tpu.memory_space<hbm>> -> memref<1x632x128xf32, #tpu.memory_space<hbm>>
      %dma_start3A_17 = tpu.memref_squeeze %dma_start3A_16 : memref<1x632x128xf32, #tpu.memory_space<hbm>> -> memref<632x128xf32, #tpu.memory_space<hbm>>
      %dma_start3A_18 = arith.constant 0 : i32
      %dma_start3A_19 = tpu.memref_slice %arg7[%mul3A_12, %dma_start3A_18] : memref<10112x128xf32, #tpu.memory_space<vmem_shared>> -> memref<632x128xf32, #tpu.memory_space<vmem_shared>>
      tpu.enqueue_dma source(%dma_start3A_19 : memref<632x128xf32, #tpu.memory_space<vmem_shared>>) target(%dma_start3A_17 : memref<632x128xf32, #tpu.memory_space<hbm>>) target_semaphore(%run_scoped3A_15 : memref<!tpu.dma_semaphore, #tpu.memory_space<semaphore_mem>>)
      %dma_wait3A = arith.constant 0 : i32
      %dma_wait3A_20 = tpu.memref_slice %arg6[%arg0, %mul3A_14, %dma_wait3A] : memref<2x10112x128xf32, #tpu.memory_space<hbm>> -> memref<1x632x128xf32, #tpu.memory_space<hbm>>
      %dma_wait3A_21 = tpu.memref_squeeze %dma_wait3A_20 : memref<1x632x128xf32, #tpu.memory_space<hbm>> -> memref<632x128xf32, #tpu.memory_space<hbm>>
      %dma_wait3A_22 = arith.constant 0 : i32
      %dma_wait3A_23 = tpu.memref_slice %arg7[%mul3A_12, %dma_wait3A_22] : memref<10112x128xf32, #tpu.memory_space<vmem_shared>> -> memref<632x128xf32, #tpu.memory_space<vmem_shared>>
      tpu.wait_dma2 semaphore(%run_scoped3A_15 : memref<!tpu.dma_semaphore, #tpu.memory_space<semaphore_mem>>) src(%dma_wait3A_23 : memref<632x128xf32, #tpu.memory_space<vmem_shared>>) dst(%dma_wait3A_21 : memref<632x128xf32, #tpu.memory_space<hbm>>)
      tpu.yield
    }) : () -> ()
    return
  }
}

module attributes {stable_mosaic.version = 14 : i64} {
  func.func @body(%arg0: i32, %arg1: memref<1x1000x128xf32, #tpu.memory_space<vmem>>, %arg2: memref<1x1000x128xf32, #tpu.memory_space<vmem>>, %arg3: memref<1000x128xf32, #tpu.memory_space<vmem>>, %arg4: memref<1x1x1x1000xf32, #tpu.memory_space<vmem>>, %arg5: memref<1x1x1x1000xf32, #tpu.memory_space<vmem>>, %arg6: memref<1000x128xf32, #tpu.memory_space<vmem>>) attributes {dimension_semantics = [#tpu.dimension_semantics<arbitrary>], iteration_bounds = array<i64: 10>, scalar_prefetch = 0 : i64, scratch_operands = 0 : i64, tpu.core_type = #tpu.core_type<tc>, window_params = [{transform_indices = @transform_0, window_bounds = array<i64: 1, 1000, 128>}, {transform_indices = @transform_1, window_bounds = array<i64: 1, 1000, 128>}, {transform_indices = @transform_2, window_bounds = array<i64: 1000, 128>}, {transform_indices = @transform_3, window_bounds = array<i64: 1, 1, 1, 1000>}, {transform_indices = @transform_4, window_bounds = array<i64: 1, 1, 1, 1000>}, {transform_indices = @transform_5, window_bounds = array<i64: 1000, 128>}]} {
    %get3A = arith.constant 0 : index
    %get3A_0 = arith.constant 0 : index
    %get3A_1 = arith.constant 0 : index
    %get3A_2 = arith.constant 0 : index
    %get3A_3 = vector.load %arg4[%get3A, %get3A_0, %get3A_1, %get3A_2] : memref<1x1x1x1000xf32, #tpu.memory_space<vmem>>, vector<1x1x1x1000xf32>
    %get3A_4 = vector.shape_cast %get3A_3 : vector<1x1x1x1000xf32> to vector<1000xf32>
    %get3A_5 = arith.constant 0 : index
    %get3A_6 = arith.constant 0 : index
    %get3A_7 = arith.constant 0 : index
    %get3A_8 = arith.constant 0 : index
    %get3A_9 = vector.load %arg5[%get3A_5, %get3A_6, %get3A_7, %get3A_8] : memref<1x1x1x1000xf32, #tpu.memory_space<vmem>>, vector<1x1x1x1000xf32>
    %get3A_10 = vector.shape_cast %get3A_9 : vector<1x1x1x1000xf32> to vector<1000xf32>
    %add3A = arith.addf %get3A_4, %get3A_10 : vector<1000xf32>
    %add3A_11 = arith.constant 1.000000e+00 : f32
    %add3A_12 = vector.broadcast %add3A_11 : f32 to vector<1000xf32>
    %add3A_13 = arith.addf %add3A, %add3A_12 : vector<1000xf32>
    %reshape3A = vector.shape_cast %add3A_13 : vector<1000xf32> to vector<1000x1xf32>
    %get3A_14 = arith.constant 0 : index
    %get3A_15 = arith.constant 0 : index
    %get3A_16 = arith.constant 0 : index
    %get3A_17 = vector.load %arg1[%get3A_14, %get3A_15, %get3A_16] : memref<1x1000x128xf32, #tpu.memory_space<vmem>>, vector<1x1000x128xf32>
    %get3A_18 = vector.shape_cast %get3A_17 : vector<1x1000x128xf32> to vector<1000x128xf32>
    %get3A_19 = arith.constant 0 : index
    %get3A_20 = arith.constant 0 : index
    %get3A_21 = arith.constant 0 : index
    %get3A_22 = vector.load %arg2[%get3A_19, %get3A_20, %get3A_21] : memref<1x1000x128xf32, #tpu.memory_space<vmem>>, vector<1x1000x128xf32>
    %get3A_23 = vector.shape_cast %get3A_22 : vector<1x1000x128xf32> to vector<1000x128xf32>
    %add3A_24 = arith.addf %get3A_18, %get3A_23 : vector<1000x128xf32>
    %get3A_25 = arith.constant 0 : index
    %get3A_26 = arith.constant 0 : index
    %get3A_27 = vector.load %arg3[%get3A_25, %get3A_26] : memref<1000x128xf32, #tpu.memory_space<vmem>>, vector<1000x128xf32>
    %add3A_28 = arith.addf %add3A_24, %get3A_27 : vector<1000x128xf32>
    %div3A = vector.broadcast %reshape3A : vector<1000x1xf32> to vector<1000x128xf32>
    %div3A_29 = arith.divf %add3A_28, %div3A : vector<1000x128xf32>
    %swap3A = arith.constant 0 : index
    %swap3A_30 = arith.constant 0 : index
    %swap3A_31 = vector.load %arg6[%swap3A, %swap3A_30] : memref<1000x128xf32, #tpu.memory_space<vmem>>, vector<1000x128xf32>
    tpu.vector_store %arg6[%swap3A, %swap3A_30], %div3A_29 {strides = array<i32>} : memref<1000x128xf32, #tpu.memory_space<vmem>>, vector<1000x128xf32>,
    return
  }
  func.func @transform_0(%arg0: i32) -> (i32, i32, i32) {
    %c0_i32 = arith.constant 0 : i32
    %c0_i32_0 = arith.constant 0 : i32
    %c0_i32_1 = arith.constant 0 : i32
    return %c0_i32, %arg0, %c0_i32_0 : i32, i32, i32
  }
  func.func @transform_1(%arg0: i32) -> (i32, i32, i32) {
    %c1_i32 = arith.constant 1 : i32
    %c0_i32 = arith.constant 0 : i32
    %c0_i32_0 = arith.constant 0 : i32
    return %c1_i32, %arg0, %c0_i32 : i32, i32, i32
  }
  func.func @transform_2(%arg0: i32) -> (i32, i32) {
    %c0_i32 = arith.constant 0 : i32
    %c0_i32_0 = arith.constant 0 : i32
    return %arg0, %c0_i32 : i32, i32
  }
  func.func @transform_3(%arg0: i32) -> (i32, i32, i32, i32) {
    %c0_i32 = arith.constant 0 : i32
    %c0_i32_0 = arith.constant 0 : i32
    %c0_i32_1 = arith.constant 0 : i32
    %c0_i32_2 = arith.constant 0 : i32
    return %c0_i32, %arg0, %c0_i32_0, %c0_i32_1 : i32, i32, i32, i32
  }
  func.func @transform_4(%arg0: i32) -> (i32, i32, i32, i32) {
    %c1_i32 = arith.constant 1 : i32
    %c0_i32 = arith.constant 0 : i32
    %c0_i32_0 = arith.constant 0 : i32
    %c0_i32_1 = arith.constant 0 : i32
    return %c1_i32, %arg0, %c0_i32, %c0_i32_0 : i32, i32, i32, i32
  }
  func.func @transform_5(%arg0: i32) -> (i32, i32) {
    %c0_i32 = arith.constant 0 : i32
    %c0_i32_0 = arith.constant 0 : i32
    return %arg0, %c0_i32 : i32, i32
  }
}

module attributes {stable_mosaic.version = 14 : i64} {
  func.func @body(%arg0: i32, %arg1: memref<1x1000x128xf32, #tpu.memory_space<vmem>>, %arg2: memref<1x1000x128xf32, #tpu.memory_space<vmem>>, %arg3: memref<1000x128xf32, #tpu.memory_space<vmem>>, %arg4: memref<1x1x1x1000xf32, #tpu.memory_space<vmem>>, %arg5: memref<1x1x1x1000xf32, #tpu.memory_space<vmem>>, %arg6: memref<1x1x1000xi32, #tpu.memory_space<vmem>>, %arg7: memref<128x128xf32, #tpu.memory_space<vmem>>, %arg8: memref<1x128xf32, #tpu.memory_space<vmem>>, %arg9: memref<128x128xf32, #tpu.memory_space<vmem>>, %arg10: memref<1x128xf32, #tpu.memory_space<vmem>>, %arg11: memref<128x16xf32, #tpu.memory_space<vmem>>, %arg12: memref<1x16xf32, #tpu.memory_space<vmem>>, %arg13: memref<128x16xf32, #tpu.memory_space<vmem>>, %arg14: memref<128x128xf32, #tpu.memory_space<vmem>>, %arg15: memref<128x1xf32, #tpu.memory_space<vmem>>) attributes {dimension_semantics = [#tpu.dimension_semantics<arbitrary>], iteration_bounds = array<i64: 10>, scalar_prefetch = 0 : i64, scratch_operands = 2 : i64, tpu.core_type = #tpu.core_type<tc>, window_params = [{transform_indices = @transform_0, window_bounds = array<i64: 1, 1000, 128>}, {transform_indices = @transform_1, window_bounds = array<i64: 1, 1000, 128>}, {transform_indices = @transform_2, window_bounds = array<i64: 1000, 128>}, {transform_indices = @transform_3, window_bounds = array<i64: 1, 1, 1, 1000>}, {transform_indices = @transform_4, window_bounds = array<i64: 1, 1, 1, 1000>}, {transform_indices = @transform_5, window_bounds = array<i64: 1, 1, 1000>}, {pipeline_mode = #tpu.pipeline_mode<synchronous>, transform_indices = @transform_6, window_bounds = array<i64: 128, 128>}, {pipeline_mode = #tpu.pipeline_mode<synchronous>, transform_indices = @transform_7, window_bounds = array<i64: 1, 128>}, {pipeline_mode = #tpu.pipeline_mode<synchronous>, transform_indices = @transform_8, window_bounds = array<i64: 128, 128>}, {pipeline_mode = #tpu.pipeline_mode<synchronous>, transform_indices = @transform_9, window_bounds = array<i64: 1, 128>}, {pipeline_mode = #tpu.pipeline_mode<synchronous>, transform_indices = @transform_10, window_bounds = array<i64: 128, 16>}, {pipeline_mode = #tpu.pipeline_mode<synchronous>, transform_indices = @transform_11, window_bounds = array<i64: 1, 16>}, {pipeline_mode = #tpu.pipeline_mode<synchronous>, transform_indices = @transform_12, window_bounds = array<i64: 128, 16>}]} {
    %eq3A = arith.constant 0 : i32
    %eq3A_0 = arith.cmpi eq, %arg0, %eq3A : i32
    %convert_element_type3A = arith.extui %eq3A_0 : i1 to i32
    %cond3A = arith.constant 0 : i32
    %cond3A_1 = arith.cmpi ne, %convert_element_type3A, %cond3A : i32
    scf.if %cond3A_1 {
      %broadcast_in_dim3A_73 = arith.constant 0.000000e+00 : f32
      %broadcast_in_dim3A_74 = vector.broadcast %broadcast_in_dim3A_73 : f32 to vector<128x128xf32>
      %swap3A_75 = arith.constant 0 : index
      %swap3A_76 = arith.constant 0 : index
      %swap3A_77 = vector.load %arg14[%swap3A_75, %swap3A_76] : memref<128x128xf32, #tpu.memory_space<vmem>>, vector<128x128xf32>
      tpu.vector_store %arg14[%swap3A_75, %swap3A_76], %broadcast_in_dim3A_74 {strides = array<i32>} : memref<128x128xf32, #tpu.memory_space<vmem>>, vector<128x128xf32>,
      %broadcast_in_dim3A_78 = arith.constant 0.000000e+00 : f32
      %broadcast_in_dim3A_79 = vector.broadcast %broadcast_in_dim3A_78 : f32 to vector<128x1xf32>
      %swap3A_80 = arith.constant 0 : index
      %swap3A_81 = arith.constant 0 : index
      %swap3A_82 = vector.load %arg15[%swap3A_80, %swap3A_81] : memref<128x1xf32, #tpu.memory_space<vmem>>, vector<128x1xf32>
      tpu.vector_store %arg15[%swap3A_80, %swap3A_81], %broadcast_in_dim3A_79 {strides = array<i32>} : memref<128x1xf32, #tpu.memory_space<vmem>>, vector<128x1xf32>,
    } else {
    }
    %get3A = arith.constant 0 : index
    %get3A_2 = arith.constant 0 : index
    %get3A_3 = arith.constant 0 : index
    %get3A_4 = arith.constant 0 : index
    %get3A_5 = vector.load %arg4[%get3A, %get3A_2, %get3A_3, %get3A_4] : memref<1x1x1x1000xf32, #tpu.memory_space<vmem>>, vector<1x1x1x1000xf32>
    %get3A_6 = vector.shape_cast %get3A_5 : vector<1x1x1x1000xf32> to vector<1000xf32>
    %get3A_7 = arith.constant 0 : index
    %get3A_8 = arith.constant 0 : index
    %get3A_9 = arith.constant 0 : index
    %get3A_10 = arith.constant 0 : index
    %get3A_11 = vector.load %arg5[%get3A_7, %get3A_8, %get3A_9, %get3A_10] : memref<1x1x1x1000xf32, #tpu.memory_space<vmem>>, vector<1x1x1x1000xf32>
    %get3A_12 = vector.shape_cast %get3A_11 : vector<1x1x1x1000xf32> to vector<1000xf32>
    %add3A = arith.addf %get3A_6, %get3A_12 : vector<1000xf32>
    %add3A_13 = arith.constant 1.000000e+00 : f32
    %add3A_14 = vector.broadcast %add3A_13 : f32 to vector<1000xf32>
    %add3A_15 = arith.addf %add3A, %add3A_14 : vector<1000xf32>
    %reshape3A = vector.shape_cast %add3A_15 : vector<1000xf32> to vector<1000x1xf32>
    %get3A_16 = arith.constant 0 : index
    %get3A_17 = arith.constant 0 : index
    %get3A_18 = arith.constant 0 : index
    %get3A_19 = vector.load %arg1[%get3A_16, %get3A_17, %get3A_18] : memref<1x1000x128xf32, #tpu.memory_space<vmem>>, vector<1x1000x128xf32>
    %get3A_20 = vector.shape_cast %get3A_19 : vector<1x1000x128xf32> to vector<1000x128xf32>
    %get3A_21 = arith.constant 0 : index
    %get3A_22 = arith.constant 0 : index
    %get3A_23 = arith.constant 0 : index
    %get3A_24 = vector.load %arg2[%get3A_21, %get3A_22, %get3A_23] : memref<1x1000x128xf32, #tpu.memory_space<vmem>>, vector<1x1000x128xf32>
    %get3A_25 = vector.shape_cast %get3A_24 : vector<1x1000x128xf32> to vector<1000x128xf32>
    %add3A_26 = arith.addf %get3A_20, %get3A_25 : vector<1000x128xf32>
    %get3A_27 = arith.constant 0 : index
    %get3A_28 = arith.constant 0 : index
    %get3A_29 = vector.load %arg3[%get3A_27, %get3A_28] : memref<1000x128xf32, #tpu.memory_space<vmem>>, vector<1000x128xf32>
    %add3A_30 = arith.addf %add3A_26, %get3A_29 : vector<1000x128xf32>
    %div3A = vector.broadcast %reshape3A : vector<1000x1xf32> to vector<1000x128xf32>
    %div3A_31 = arith.divf %add3A_30, %div3A : vector<1000x128xf32>
    %get3A_32 = arith.constant 0 : index
    %get3A_33 = arith.constant 0 : index
    %get3A_34 = vector.load %arg7[%get3A_32, %get3A_33] : memref<128x128xf32, #tpu.memory_space<vmem>>, vector<128x128xf32>
    %dot_general3A = arith.constant dense<0.000000e+00> : vector<1000x128xf32>
    %dot_general3A_35 = tpu.matmul %div3A_31, %get3A_34, %dot_general3A {dimension_numbers = #tpu.dot_dimension_numbers<[1], [0], [0], [1], [0, 0, 1, 1], [], []>, transpose_lhs_hint = false} : vector<1000x128xf32>, vector<128x128xf32>, vector<1000x128xf32> -> vector<1000x128xf32>
    %get3A_36 = arith.constant 0 : index
    %get3A_37 = arith.constant 0 : index
    %get3A_38 = vector.load %arg8[%get3A_36, %get3A_37] : memref<1x128xf32, #tpu.memory_space<vmem>>, vector<1x128xf32>
    %add3A_39 = vector.broadcast %get3A_38 : vector<1x128xf32> to vector<1000x128xf32>
    %add3A_40 = arith.addf %dot_general3A_35, %add3A_39 : vector<1000x128xf32>
    %max3A = arith.constant 0.000000e+00 : f32
    %max3A_41 = vector.broadcast %max3A : f32 to vector<1000x128xf32>
    %max3A_42 = arith.maximumf %add3A_40, %max3A_41 : vector<1000x128xf32>
    %get3A_43 = arith.constant 0 : index
    %get3A_44 = arith.constant 0 : index
    %get3A_45 = arith.constant 0 : index
    %get3A_46 = vector.load %arg6[%get3A_43, %get3A_44, %get3A_45] : memref<1x1x1000xi32, #tpu.memory_space<vmem>>, vector<1x1x1000xi32>
    %reshape3A_47 = vector.shape_cast %get3A_46 : vector<1x1x1000xi32> to vector<1x1000xi32>
    %iota3A = tpu.iota {dimensions = array<i32: 0>} : vector<128x1000xi32>
    %eq3A_48 = vector.broadcast %reshape3A_47 : vector<1x1000xi32> to vector<128x1000xi32>
    %eq3A_49 = arith.cmpi eq, %iota3A, %eq3A_48 : vector<128x1000xi32>
    %convert_element_type3A_50 = arith.extui %eq3A_49 : vector<128x1000xi1> to vector<128x1000xi32>
    %convert_element_type3A_51 = arith.sitofp %convert_element_type3A_50 : vector<128x1000xi32> to vector<128x1000xf32>
    %get3A_52 = arith.constant 0 : index
    %get3A_53 = arith.constant 0 : index
    %get3A_54 = vector.load %arg14[%get3A_52, %get3A_53] : memref<128x128xf32, #tpu.memory_space<vmem>>, vector<128x128xf32>
    %dot_general3A_55 = arith.constant dense<0.000000e+00> : vector<128x128xf32>
    %dot_general3A_56 = tpu.matmul %convert_element_type3A_51, %max3A_42, %dot_general3A_55 {dimension_numbers = #tpu.dot_dimension_numbers<[1], [0], [0], [1], [0, 0, 1, 1], [], []>, transpose_lhs_hint = false} : vector<128x1000xf32>, vector<1000x128xf32>, vector<128x128xf32> -> vector<128x128xf32>
    %add3A_57 = arith.addf %get3A_54, %dot_general3A_56 : vector<128x128xf32>
    %swap3A = arith.constant 0 : index
    %swap3A_58 = arith.constant 0 : index
    %swap3A_59 = vector.load %arg14[%swap3A, %swap3A_58] : memref<128x128xf32, #tpu.memory_space<vmem>>, vector<128x128xf32>
    tpu.vector_store %arg14[%swap3A, %swap3A_58], %add3A_57 {strides = array<i32>} : memref<128x128xf32, #tpu.memory_space<vmem>>, vector<128x128xf32>,
    %get3A_60 = arith.constant 0 : index
    %get3A_61 = arith.constant 0 : index
    %get3A_62 = vector.load %arg15[%get3A_60, %get3A_61] : memref<128x1xf32, #tpu.memory_space<vmem>>, vector<128x1xf32>
    %reduce_sum3A = arith.constant dense<0.000000e+00> : vector<128xf32>
    %reduce_sum3A_63 = vector.multi_reduction <add>, %convert_element_type3A_51, %reduce_sum3A [1] : vector<128x1000xf32> to vector<128xf32>
    %broadcast_in_dim3A = vector.shape_cast %reduce_sum3A_63 : vector<128xf32> to vector<128x1xf32>
    %add3A_64 = arith.addf %get3A_62, %broadcast_in_dim3A : vector<128x1xf32>
    %swap3A_65 = arith.constant 0 : index
    %swap3A_66 = arith.constant 0 : index
    %swap3A_67 = vector.load %arg15[%swap3A_65, %swap3A_66] : memref<128x1xf32, #tpu.memory_space<vmem>>, vector<128x1xf32>
    tpu.vector_store %arg15[%swap3A_65, %swap3A_66], %add3A_64 {strides = array<i32>} : memref<128x1xf32, #tpu.memory_space<vmem>>, vector<128x1xf32>,
    %eq3A_68 = arith.constant 9 : i32
    %eq3A_69 = arith.cmpi eq, %arg0, %eq3A_68 : i32
    %convert_element_type3A_70 = arith.extui %eq3A_69 : i1 to i32
    %cond3A_71 = arith.constant 0 : i32
    %cond3A_72 = arith.cmpi ne, %convert_element_type3A_70, %cond3A_71 : i32
    scf.if %cond3A_72 {
      %get3A_73 = arith.constant 0 : index
      %get3A_74 = arith.constant 0 : index
      %get3A_75 = vector.load %arg14[%get3A_73, %get3A_74] : memref<128x128xf32, #tpu.memory_space<vmem>>, vector<128x128xf32>
      %get3A_76 = arith.constant 0 : index
      %get3A_77 = arith.constant 0 : index
      %get3A_78 = vector.load %arg15[%get3A_76, %get3A_77] : memref<128x1xf32, #tpu.memory_space<vmem>>, vector<128x1xf32>
      %max3A_79 = arith.constant 1.000000e+00 : f32
      %max3A_80 = vector.broadcast %max3A_79 : f32 to vector<128x1xf32>
      %max3A_81 = arith.maximumf %get3A_78, %max3A_80 : vector<128x1xf32>
      %div3A_82 = vector.broadcast %max3A_81 : vector<128x1xf32> to vector<128x128xf32>
      %div3A_83 = arith.divf %get3A_75, %div3A_82 : vector<128x128xf32>
      %get3A_84 = arith.constant 0 : index
      %get3A_85 = arith.constant 0 : index
      %get3A_86 = vector.load %arg9[%get3A_84, %get3A_85] : memref<128x128xf32, #tpu.memory_space<vmem>>, vector<128x128xf32>
      %dot_general3A_87 = arith.constant dense<0.000000e+00> : vector<128x128xf32>
      %dot_general3A_88 = tpu.matmul %div3A_83, %get3A_86, %dot_general3A_87 {dimension_numbers = #tpu.dot_dimension_numbers<[1], [0], [0], [1], [0, 0, 1, 1], [], []>, transpose_lhs_hint = false} : vector<128x128xf32>, vector<128x128xf32>, vector<128x128xf32> -> vector<128x128xf32>
      %get3A_89 = arith.constant 0 : index
      %get3A_90 = arith.constant 0 : index
      %get3A_91 = vector.load %arg10[%get3A_89, %get3A_90] : memref<1x128xf32, #tpu.memory_space<vmem>>, vector<1x128xf32>
      %add3A_92 = vector.broadcast %get3A_91 : vector<1x128xf32> to vector<128x128xf32>
      %add3A_93 = arith.addf %dot_general3A_88, %add3A_92 : vector<128x128xf32>
      %get3A_94 = arith.constant 0 : index
      %get3A_95 = arith.constant 0 : index
      %get3A_96 = vector.load %arg11[%get3A_94, %get3A_95] : memref<128x16xf32, #tpu.memory_space<vmem>>, vector<128x16xf32>
      %dot_general3A_97 = arith.constant dense<0.000000e+00> : vector<128x16xf32>
      %dot_general3A_98 = tpu.matmul %add3A_93, %get3A_96, %dot_general3A_97 {dimension_numbers = #tpu.dot_dimension_numbers<[1], [0], [0], [1], [0, 0, 1, 1], [], []>, transpose_lhs_hint = false} : vector<128x128xf32>, vector<128x16xf32>, vector<128x16xf32> -> vector<128x16xf32>
      %get3A_99 = arith.constant 0 : index
      %get3A_100 = arith.constant 0 : index
      %get3A_101 = vector.load %arg12[%get3A_99, %get3A_100] : memref<1x16xf32, #tpu.memory_space<vmem>>, vector<1x16xf32>
      %add3A_102 = vector.broadcast %get3A_101 : vector<1x16xf32> to vector<128x16xf32>
      %add3A_103 = arith.addf %dot_general3A_98, %add3A_102 : vector<128x16xf32>
      %swap3A_104 = arith.constant 0 : index
      %swap3A_105 = arith.constant 0 : index
      %swap3A_106 = vector.load %arg13[%swap3A_104, %swap3A_105] : memref<128x16xf32, #tpu.memory_space<vmem>>, vector<128x16xf32>
      tpu.vector_store %arg13[%swap3A_104, %swap3A_105], %add3A_103 {strides = array<i32>} : memref<128x16xf32, #tpu.memory_space<vmem>>, vector<128x16xf32>,
    } else {
    }
    return
  }
  func.func @transform_0(%arg0: i32) -> (i32, i32, i32) {
    %c0_i32 = arith.constant 0 : i32
    %c0_i32_0 = arith.constant 0 : i32
    %c0_i32_1 = arith.constant 0 : i32
    return %c0_i32, %arg0, %c0_i32_0 : i32, i32, i32
  }
  func.func @transform_1(%arg0: i32) -> (i32, i32, i32) {
    %c1_i32 = arith.constant 1 : i32
    %c0_i32 = arith.constant 0 : i32
    %c0_i32_0 = arith.constant 0 : i32
    return %c1_i32, %arg0, %c0_i32 : i32, i32, i32
  }
  func.func @transform_2(%arg0: i32) -> (i32, i32) {
    %c0_i32 = arith.constant 0 : i32
    %c0_i32_0 = arith.constant 0 : i32
    return %arg0, %c0_i32 : i32, i32
  }
  func.func @transform_3(%arg0: i32) -> (i32, i32, i32, i32) {
    %c0_i32 = arith.constant 0 : i32
    %c0_i32_0 = arith.constant 0 : i32
    %c0_i32_1 = arith.constant 0 : i32
    %c0_i32_2 = arith.constant 0 : i32
    return %c0_i32, %arg0, %c0_i32_0, %c0_i32_1 : i32, i32, i32, i32
  }
  func.func @transform_4(%arg0: i32) -> (i32, i32, i32, i32) {
    %c1_i32 = arith.constant 1 : i32
    %c0_i32 = arith.constant 0 : i32
    %c0_i32_0 = arith.constant 0 : i32
    %c0_i32_1 = arith.constant 0 : i32
    return %c1_i32, %arg0, %c0_i32, %c0_i32_0 : i32, i32, i32, i32
  }
  func.func @transform_5(%arg0: i32) -> (i32, i32, i32) {
    %c0_i32 = arith.constant 0 : i32
    %c0_i32_0 = arith.constant 0 : i32
    %c0_i32_1 = arith.constant 0 : i32
    return %arg0, %c0_i32, %c0_i32_0 : i32, i32, i32
  }
  func.func @transform_6(%arg0: i32) -> (i32, i32) {
    %c0_i32 = arith.constant 0 : i32
    %c0_i32_0 = arith.constant 0 : i32
    %c0_i32_1 = arith.constant 0 : i32
    return %c0_i32, %c0_i32_0 : i32, i32
  }
  func.func @transform_7(%arg0: i32) -> (i32, i32) {
    %c0_i32 = arith.constant 0 : i32
    %c0_i32_0 = arith.constant 0 : i32
    %c0_i32_1 = arith.constant 0 : i32
    return %c0_i32, %c0_i32_0 : i32, i32
  }
  func.func @transform_8(%arg0: i32) -> (i32, i32) {
    %c0_i32 = arith.constant 0 : i32
    %c0_i32_0 = arith.constant 0 : i32
    %c0_i32_1 = arith.constant 0 : i32
    return %c0_i32, %c0_i32_0 : i32, i32
  }
  func.func @transform_9(%arg0: i32) -> (i32, i32) {
    %c0_i32 = arith.constant 0 : i32
    %c0_i32_0 = arith.constant 0 : i32
    %c0_i32_1 = arith.constant 0 : i32
    return %c0_i32, %c0_i32_0 : i32, i32
  }
  func.func @transform_10(%arg0: i32) -> (i32, i32) {
    %c0_i32 = arith.constant 0 : i32
    %c0_i32_0 = arith.constant 0 : i32
    %c0_i32_1 = arith.constant 0 : i32
    return %c0_i32, %c0_i32_0 : i32, i32
  }
  func.func @transform_11(%arg0: i32) -> (i32, i32) {
    %c0_i32 = arith.constant 0 : i32
    %c0_i32_0 = arith.constant 0 : i32
    %c0_i32_1 = arith.constant 0 : i32
    return %c0_i32, %c0_i32_0 : i32, i32
  }
  func.func @transform_12(%arg0: i32) -> (i32, i32) {
    %c0_i32 = arith.constant 0 : i32
    %c0_i32_0 = arith.constant 0 : i32
    %c0_i32_1 = arith.constant 0 : i32
    return %c0_i32, %c0_i32_0 : i32, i32
  }
}

</mosaic_0001>

<sc_bundles>
// kernel: kernel.12.cloned.1.call-start
scs
__scs_entry_jumppad:
0x0: {  	(pc) =	sbr.rel $0x88, $3  }
0x1: {  	(tag) =	ssettag $0x0;
	lr =	simm.s32 $0x1  }
0x2: {  	[smem:$0x3F98] =	sst lr;
	_ =	strace $0xD0000000  }
0x3: {  	_ = 	snop  }
0x4: {  	_ = 	snop  }
0x5: {  	_ = 	snop  }
0x6: {  	_ = 	snop  }
0x7: {  	_ = 	snop  }
__scs_overlays_trampoline_lowered:
0x8: {  	[smem:$0x3FA7] =	sst s0  }
0x9: {  	[smem:$0x3FA8] =	sst s1  }
0xa: {  	[smem:$0x3FA9] =	sst s2  }
0xb: {  	[smem:$0x3FAA] =	sst s3  }
0xc: {  	[smem:$0x3FAB] =	sst s4  }
0xd: {  	[smem:$0x3FAC] =	sst s5  }
0xe: {  	[smem:$0x3FAD] =	sst s6  }
0xf: {  	[smem:$0x3FAE] =	sst s7  }
0x10: {  	[smem:$0x3FAF] =	sst s8  }
0x11: {  	[smem:$0x3FB0] =	sst s9;
	s0 =	simm.s32 @!p0 $0x0  }
0x12: {  	s1 =	sld [smem:$0x3F96];
	s0 =	simm.s32 @p0 $0x1  }
0x13: {  	[smem:$0x3FB1] =	sst s0;
	s0 =	simm.s32 @!p1 $0x0  }
0x14: {  	s2 =	sld [smem:$0x3F95];
	s0 =	simm.s32 @p1 $0x1  }
0x15: {  	[smem:$0x3FB2] =	sst s0;
	s0 =	simm.s32 @!p2 $0x0  }
0x16: {  	s3 =	sld [smem:$0x3FDB];
	s0 =	simm.s32 @p2 $0x1  }
0x17: {  	s4 =	simm.s32 $0x1BF5;
	[smem:$0x3FB4] =	sst s0  }
0x18: {  	s0 =	sld [smem:$0x3F97];
	_ =	swait.ge [sflag:s4], $0x0  }
0x19: {  	s7 =	sld [smem:$0x3F98]  }
0x1a: {  	s8 =	sadd.s32 $0xFFFFE003, lr  }
0x1b: {  	s9 =	sadd.s32 $0xFFFFFEF7, lr;
	s5 =	simm.s32 $0xFFFFFFFF;
	p2 =	slt.u32 s8, $0xFFFFF086  }
0x1c: {  	p1 =	slt.u32 s9, $0xF7A;
	s5 =	simm.s32 @!p2 $0x0  }
0x1d: {  	s5 =	simm.s32 @p1 $0x1;
	p0 =	seq.s32 s7, s2  }
0x1e: {  	s7 =	smul.u32 @!p0 $0xF7A, s2;
	p2 =	seq.s32 @!p0 s5, $0x0  }
0x1f: {  	s9 =	smul.u32 $0xF7A, s1;
	s8 =	simm.s32 @!p0 $0x1BF5;
	p2 =	por !p2, p0  }
0x20: {  	[sflag:s8] =	ssyncset.s32 @!p0 $0xFFFFF086;
	s6 =	sadd.s32 @!p0 s3, s7;
	s7 =	simm.s32 @!p0 $0x108  }
0x21: {  	s3 =	sadd.s32 s3, s9;
	s6 =	sadd.s32 @!p0 $0x88, s6;
	s7 =	simm.s32 @p2 $0x1082  }
0x22: {  	[simem:s7], [sflag:s8] =	dma.local @!p0 [hbm:s6], $0xF7A  }
0x23: {  	s9 =	sor.u32 $0xD0000000, s2;
	s6 =	simm.s32 $0x108;
	_ =	swait.ge @!p0 [sflag:s8], $0x0  }
0x24: {  	s3 =	sadd.s32 $0x88, s3;
	s6 =	simm.s32 @!p1 $0x1082;
	[sflag:s4] =	ssyncset.s32 $0xFFFFF086  }
0x25: {  	[simem:s6], [sflag:s4] =	dma.local [hbm:s3], $0xF7A  }
0x26: {  	[smem:$0x3F98] =	sst s1;
	(tag) =	ssettag s2;
	_ =	strace s9  }
0x27: {  	s1 =	sld [smem:$0x3FA8]  }
0x28: {  	s2 =	sld [smem:$0x3FA9]  }
0x29: {  	s4 =	sld [smem:$0x3FAB]  }
0x2a: {  	p0 =	seq.s32 s5, $0x0;
	s5 =	sld [smem:$0x3FAC]  }
0x2b: {  	s6 =	sld [smem:$0x3FAD]  }
0x2c: {  	s7 =	sld [smem:$0x3FAE]  }
0x2d: {  	s3 =	simm.s32 $0x108;
	s8 =	sld [smem:$0x3FAF]  }
0x2e: {  	s3 =	simm.s32 @!p0 $0x1082;
	s9 =	sld [smem:$0x3FB0]  }
0x2f: {  	lr =	sadd.s32 s0, s3;
	s0 =	sld [smem:$0x3FA7]  }
0x30: {  	s3 =	sld [smem:$0x3FAA]  }
0x31: {  	[smem:$0x3FB3] =	sst s10  }
0x32: {  	s10 =	sld [smem:$0x3FB1];
	_ =	sdelay $0x3  }
0x33: {  	p0 =	seq.s32 s10, $0x1;
	s10 =	sld [smem:$0x3FB3];
	_ =	sdelay $0x3  }
0x34: {  	[smem:$0x3FB3] =	sst s10  }
0x35: {  	s10 =	sld [smem:$0x3FB2];
	_ =	sdelay $0x3  }
0x36: {  	p1 =	seq.s32 s10, $0x1;
	s10 =	sld [smem:$0x3FB3];
	_ =	sdelay $0x3  }
0x37: {  	[smem:$0x3FB3] =	sst s10  }
0x38: {  	s10 =	sld [smem:$0x3FB4]  }
0x39: {  	_ = 	snop;
	(pc) =	sbr.ind lr, $3  }
0x3a: {  	_ = 	snop  }
0x3b: {  	_ = 	snop  }
0x3c: {  	p2 =	seq.s32 s10, $0x1;
	s10 =	sld [smem:$0x3FB3]  }
0x3d: {  	_ =	shalt  }
0x3e: {  	_ =	shalt  }
0x3f: {  	_ =	shalt  }
0x40: {  	_ =	shalt  }
0x41: {  	_ =	shalt  }
0x42: {  	_ =	shalt  }
0x43: {  	_ =	shalt  }
0x44: {  	_ =	shalt  }
0x45: {  	_ =	shalt  }
0x46: {  	_ =	shalt  }
0x47: {  	_ =	shalt  }
0x48: {  	_ =	shalt  }
0x49: {  	_ =	shalt  }
0x4a: {  	_ =	shalt  }
0x4b: {  	_ =	shalt  }
0x4c: {  	_ =	shalt  }
0x4d: {  	_ =	shalt  }
0x4e: {  	_ =	shalt  }
0x4f: {  	_ =	shalt  }
0x50: {  	_ =	shalt  }
0x51: {  	_ =	shalt  }
0x52: {  	_ =	shalt  }
0x53: {  	_ =	shalt  }
0x54: {  	_ =	shalt  }
0x55: {  	_ =	shalt  }
0x56: {  	_ =	shalt  }
0x57: {  	_ =	shalt  }
0x58: {  	_ =	shalt  }
0x59: {  	_ =	shalt  }
0x5a: {  	_ =	shalt  }
0x5b: {  	_ =	shalt  }
0x5c: {  	_ =	shalt  }
0x5d: {  	_ =	shalt  }
0x5e: {  	_ =	shalt  }
0x5f: {  	_ =	shalt  }
0x60: {  	_ =	shalt  }
0x61: {  	_ =	shalt  }
0x62: {  	_ =	shalt  }
0x63: {  	_ =	shalt  }
0x64: {  	_ =	shalt  }
0x65: {  	_ =	shalt  }
0x66: {  	_ =	shalt  }
0x67: {  	_ =	shalt  }
0x68: {  	_ =	shalt  }
0x69: {  	_ =	shalt  }
0x6a: {  	_ =	shalt  }
0x6b: {  	_ =	shalt  }
0x6c: {  	_ =	shalt  }
0x6d: {  	_ =	shalt  }
0x6e: {  	_ =	shalt  }
0x6f: {  	_ =	shalt  }
0x70: {  	_ =	shalt  }
0x71: {  	_ =	shalt  }
0x72: {  	_ =	shalt  }
0x73: {  	_ =	shalt  }
0x74: {  	_ =	shalt  }
0x75: {  	_ =	shalt  }
0x76: {  	_ =	shalt  }
0x77: {  	_ =	shalt  }
0x78: {  	_ =	shalt  }
0x79: {  	_ =	shalt  }
0x7a: {  	_ =	shalt  }
0x7b: {  	_ =	shalt  }
0x7c: {  	_ =	shalt  }
0x7d: {  	_ =	shalt  }
0x7e: {  	_ =	shalt  }
0x7f: {  	_ =	shalt  }
0x80: {  	_ =	shalt  }
0x81: {  	_ =	shalt  }
0x82: {  	_ =	shalt  }
0x83: {  	_ =	shalt  }
0x84: {  	_ =	shalt  }
0x85: {  	_ =	shalt  }
0x86: {  	_ =	shalt  }
0x87: {  	_ =	shalt  }
.Lfunc_end0:
.L_simem_size_0:
called_computation.1_lowered:
.L_overlay_start_0:
0x88: {  	s2 =	sld [smem:$0x3FD9]  }
0x89: {  	s3 =	sld [smem:$0x3FFE];
	_ =	sdelay $0x1  }
0x8a: {  	s1 =	srdreg.scid  }
0x8b: {  	s0 =	sand.u32 $0x1, s1  }
0x8c: {  	s17 =	sshll.u32 s0, $0xA;
	s2 =	sadd.s32 s3, s2  }
0x8d: {  	s2 =	sadd.s32 s2, s17  }
0x8e: {  	[smem:$0x3FBF] =	sst s2  }
0x8f: {  	_ = 	snop  }
0x90: {  	s18 =	sld [smem:$0x3FC9];
	(tm) =	ssettm $0x1  }
0x91: {  	s19 =	sld [smem:$0x3FFB];
	_ =	sdelay $0x3  }
0x92: {  	_ =	strace s19  }
0x93: {  	s2 =	sld [smem:$0x3FFC];
	_ =	sdelay $0x3  }
0x94: {  	_ =	strace s2  }
0x95: {  	s2 =	sld [smem:$0x3FFD];
	_ =	sdelay $0x3  }
0x96: {  	_ =	strace s2  }
0x97: {  	_ =	strace $0x8FFFFFFF  }
0x98: {  	s20 =	sld [smem:$0x3FDB];
	_ =	sdelay $0x1  }
0x99: {  	s4 =	simm.s32 $_scs_section_size  }
0x9a: {  	s5 =	simm.s32 $_size__tile_overlayer_lowered;
	s6 =	simm.s32 $_tile_overlayer_lowered  }
0x9b: {  	s7 =	simm.s32 $0x1BFF;
	s21 =	sshll.u32 s6, $0x1;
	s4 =	sadd.s32 s4, s20  }
0x9c: {  	s22 =	simm.s32 $0x0;
	s5 =	sshll.u32 s5, $0x1;
	s6 =	sadd.s32 s21, s4  }
0x9d: {  	[timem:s22], [sflag:s7] =	dma.local [hbm:s6], s5  }
0x9e: {  	_ =	swait.ge [sflag:s7], s5  }
0x9f: {  	s5 =	ssub.s32 $0x0, s5;
	[sflag:s7] =	ssyncset.done $0x0  }
0xa0: {  	[sflag:s7] =	ssyncadd.s32 s5;
	_ =	sdelay $0x1  }
0xa1: {  	s23 =	simm.s32 $0x1B8B  }
0xa2: {  	_ =	swait.ge [sflag:s23], $0x1  }
0xa3: {  	[sflag:s23] =	ssyncset.done $0x0  }
0xa4: {  	[sflag:s23] =	ssyncadd.s32 $0xFFFFFFFF  }
0xa5: {  	s5 =	sld [smem:$0x0]  }
0xa6: {  	s6 =	sand.u32 $0xFFFFFFFE, s1  }
0xa7: {  	p0 =	sne.s32 s1, s6  }
0xa8: {  	s6 =	sshll.u32 @p0 s6, $0xE  }
0xa9: {  	s6 =	sadd.s32 @p0 $0x11B8D, s6;
	s7 =	sshll.u32 @p0 s5, $0x11  }
0xaa: {  	s6 =	sor.u32 @p0 s7, s6  }
0xab: {  	[sflag:s6] =	ssyncadd.remote.s32 @p0 $0x1;
	_ =	sdelay $0x1  }
0xac: {  	s6 =	simm.s32 @p0 $0x1B8D  }
0xad: {  	_ =	swait.eq @p0 [sflag:s6], $0x1  }
0xae: {  	[sflag:s6] =	ssyncadd.s32 @p0 $0xFFFFFFFF  }
0xaf: {  	s7 =	sshll.u32 @!p0 s1, $0xE  }
0xb0: {  	s7 =	sor.u32 @!p0 $0x4000, s7;
	s6 =	simm.s32 @!p0 $0x1B8D  }
0xb1: {  	s5 =	sshll.u32 @!p0 s5, $0x11;
	s7 =	sadd.s32 @!p0 $0x11B8D, s7;
	_ =	swait.eq @!p0 [sflag:s6], $0x1  }
0xb2: {  	s5 =	sor.u32 @!p0 s5, s7;
	[sflag:s6] =	ssyncadd.s32 @!p0 $0xFFFFFFFF  }
0xb3: {  	s25 =	simm.s32 $0x1B8E;
	s24 =	sld [smem:$0x3FFE];
	[sflag:s5] =	ssyncadd.remote.s32 @!p0 $0x1  }
0xb4: {  	s26 =	simm.s32 $execute0_lowered;
	[smem:$0x3FD2] =	sst s25  }
0xb5: {  	s6 =	sshll.u32 s26, $0x1;
	_ =	strace $0x80000049;
	[dreg:$0x1] =	wrdreg $0xFFFFFFFF  }
0xb6: {  	s28 =	simm.s32 $_size_execute0_lowered;
	s4 =	sadd.s32 s4, s6;
	[dreg:$0x0] =	wrdreg $0x0  }
0xb7: {  	s6 =	sshll.u32 s28, $0x1;
	[dreg:$0x2] =	wrdreg s4  }
0xb8: {  	[dreg:$0x3] =	wrdreg s6  }
0xb9: {  	[dreg:$0x4] =	wrdreg $0xC0  }
0xba: {  	_ =	task [dreg:s22], $0x5FFFF  }
0xbb: {  	[dreg:$0x1] =	wrdreg $0xFFFFFFFF  }
0xbc: {  	[dreg:$0x0] =	wrdreg $0x60  }
0xbd: {  	[dreg:$0x2] =	wrdreg s18  }
0xbe: {  	[dreg:$0x3] =	wrdreg s24  }
0xbf: {  	[dreg:$0x4] =	wrdreg $0x0  }
0xc0: {  	[dreg:$0x5] =	wrdreg $0xA  }
0xc1: {  	_ =	task.clear_ibuf [dreg:s22], $0x6FFFF;
	_ =	strace $0x90000049  }
0xc2: {  	s29 =	simm.s32 $0xA;
	_ =	strace $0x8000004B  }
0xc3: {  	_ =	swait.ge [sflag:s29], $0x1  }
0xc4: {  	[sflag:s29] =	ssyncadd.s32 $0xFFFFFFFF  }
0xc5: {  	_ =	strace $0x9000004B  }
0xc6: {  	_ =	sfence  }
0xc7: {  	s30 =	sld [smem:$0x0];
	_ =	sdelay $0x2  }
0xc8: {  	s31 =	sshll.u32 s1, $0xD;
	s1 =	sshrl.u32 s1, $0x2  }
0xc9: {  	s4 =	sand.u32 $0x4000, s31;
	s1 =	sadd.s32 s1, s30  }
0xca: {  	s0 =	sor.u32 s4, s0;
	s1 =	sshll.u32 s1, $0x11  }
0xcb: {  	s0 =	sor.u32 s1, s0  }
0xcc: {  	s0 =	sadd.s32 $0x8F2B, s0  }
0xcd: {  	[sflag:s0] =	ssyncadd.remote.s32 $0x1  }
0xce: {  	_ =	sfence.sel $0xFFFF  }
0xcf: {  	[dreg:$0x0] =	wrdreg $0xFFFFFFFF;
	(pc) =	sbr.abs _section_cstart, $3  }
0xd0: {  	[dreg:$0x1] =	wrdreg $0xFFFFFFFF  }
0xd1: {  	_ =	task.clear_ibuf [dreg:s22], $0x2FFFF;
	_ =	strace $0x9FFFFFFF  }
0xd2: {  	(tm) =	ssettm $0x7FFFFFFF  }
0xd3: {  	_ =	shalt  }
tec
execute0_lowered:
.L_overlay_start_1:
0x0: {  	(tag) =	ssettag $0x1  }
0x1: {  	s1 =	rddreg [dreg:$0x0]  }
0x2: {  	s0 =	rddreg [dreg:$0x1]  }
0x3: {  	s3 =	rddreg [dreg:$0x2]  }
0x4: {  	s2 =	srdreg.scid;
	s11 =	stileid.u32;
	s4 =	simm.s32 $0x0  }
0x5: {  	s16 =	simm.s32 $0x11;
	s28 =	simm.s32 $0x6;
	s29 =	simm.s32 $0x4  }
0x6: {  	s30 =	simm.s32 $0x10;
	s31 =	simm.s32 $0x13F80;
	s2 =	sand.u32 $0x1, s2  }
0x7: {  	s5 =	sshll.u32 s11, $0x1;
	[smem:$0x7FF] =	sst s4;
	s9 =	smul.u32 $0x13C00, s11  }
0x8: {  	s7 =	sadd.s32 $0x21A00, s0;
	s10 =	sadd.s32 $0x35A00, s0;
	s20 =	smul.u32 $0x4F000, s11  }
0x9: {  	s26 =	sshll.u32 s11, $0x6;
	s11 =	simm.s32 $0xA;
	s8 =	smul.u32 $0x13C000, s2  }
0xa: {  	s6 =	sor.u32 s2, s5;
	_ =	strace $0x8000004A;
	s5 =	sadd.s32 $0xDA00, s0  }
0xb: {  	[dreg:$0x4] =	wrdreg s10;
	s2 =	ssub.s32 $0x2, s2;
	s13 =	sor.u32 $0x1C11, s26  }
0xc: {  	s26 =	simm.s32 $0x18000;
	s10 =	simm.s32 $0x16000;
	s6 =	smul.u32 $0x5000, s6  }
0xd: {  	s19 =	sshrl.u32 s2, $0x1;
	s24 =	sshrl.u32 s20, $0x2;
	s8 =	sadd.s32 s9, s8  }
0xe: {  	[dreg:$0xb] =	wrdreg s13;
	s2 =	ssub.s32 s2, s19;
	s8 =	sshrl.u32 s8, $0x3  }
0xf: {  	s18 =	sshrl.u32 s6, $0x3;
	s25 =	smax.u32 s2, $0x1;
	s2 =	simm.s32 $0x7  }
0x10: {  	s12 =	sadd.s32 s7, s18;
	s0 =	sadd.s32 s8, s0;
	s8 =	sadd.s32 s24, s3  }
0x11: {  	[dreg:$0xa] =	wrdreg s25;
	s18 =	simm.s32 $0x13D00;
	s24 =	simm.s32 $0x40  }
0x12: {  	s25 =	simm.s32 $0x13F00;
	s21 =	sadd.s32 $0x10, s12;
	[dreg:$0x5] =	wrdreg s12  }
.Ltmp0:
0x13: {  	s22 =	sadd.s32 $0x20, s12;
	[dreg:$0x6] =	wrdreg s21;
	(pc) =	sbr.rel .LBB2_1-.Ltmp0, $4  }
0x14: {  	s23 =	sadd.s32 $0x30, s12;
	s0 =	sadd.s32 $0x38200, s0;
	[dreg:$0x7] =	wrdreg s22  }
0x15: {  	s14 =	sshrl.u32 s8, $0x3;
	s8 =	simm.s32 $0x13E80;
	[dreg:$0x8] =	wrdreg s23  }
0x16: {  	s12 =	simm.s32 $0x0;
	[dreg:$0x9] =	wrdreg s0;
	s22 =	simm.s32 $0x3  }
0x17: {  	s23 =	simm.s32 $0xF;
	s0 =	simm.s32 $0x1A000;
	[dreg:$0xc] =	wrdreg s14  }
.LBB2_11:
0x18: {  	[bflag:$0x0] =	sbarrier.arrive $0xFFFF  }
0x19: {  	s9 =	rddreg [dreg:$0x9]  }
0x1a: {  	s13 =	rddreg [dreg:$0xb]  }
0x1b: {  	s14 =	rddreg [dreg:$0xc]  }
0x1c: {  	[hbm:s9], [sflag:s13] =	dma.local [spmem:s14], $0x2780  }
0x1d: {  	_ =	swait.ge [sflag:s16], $0x2780  }
0x1e: {  	s12 =	rddreg [dreg:$0xd]  }
0x1f: {  	s21 =	rddreg [dreg:$0xa];
	s12 =	sadd.s32 $0x1, s12  }
0x20: {  	p0 =	sne.s32 s12, s21  }
.Ltmp1:
0x21: {  	_ = 	snop;
	(pc) =	sbr.rel @!p0 .LBB2_12-.Ltmp1, $3  }
0x22: {  	_ =	sdelay $0x1  }
0x23: {  	[sflag:s16] =	ssyncset.done $0x0  }
0x24: {  	[sflag:s16] =	ssyncadd.s32 $0xFFFFD880  }
.LBB2_1:
0x25: {  	[dreg:$0xd] =	wrdreg s12  }
0x26: {  	s9 =	rddreg [dreg:$0x5];
	s21 =	simm.s32 $0x13C00  }
0x27: {  	[tilespmem:s21], [sflag:$0x11] =	stream.linear.gather [hbm4b:s9+s4], $0x80, $0x38;
	[tilespmem:$0x1C000] =	vst v63  }
0x28: {  	_ =	swait.ge [sflag:s16], $0x80  }
0x29: {  	[sflag:s16] =	ssyncset.done $0x0  }
0x2a: {  	s15 =	simm.s32 $0x13C80;
	s12 =	rddreg [dreg:$0x6];
	[sflag:s16] =	ssyncadd.s32 $0xFFFFFF80  }
0x2b: {  	[tilespmem:s15], [sflag:$0x11] =	stream.linear.gather [hbm4b:s12+s4], $0x80, $0x38;
	[tilespmem:$0x1C000] =	vst v63  }
0x2c: {  	_ =	swait.ge [sflag:s16], $0x80  }
0x2d: {  	[sflag:s16] =	ssyncset.done $0x0  }
0x2e: {  	s17 =	rddreg [dreg:$0x7];
	[sflag:s16] =	ssyncadd.s32 $0xFFFFFF80  }
0x2f: {  	[tilespmem:s18], [sflag:$0x11] =	stream.linear.gather [hbm4b:s17+s4], $0x80, $0x38;
	[tilespmem:$0x1C000] =	vst v63  }
0x30: {  	_ =	swait.ge [sflag:s16], $0x80  }
0x31: {  	[sflag:s16] =	ssyncset.done $0x0  }
0x32: {  	s20 =	simm.s32 $0x13D80;
	s19 =	rddreg [dreg:$0x8];
	[sflag:s16] =	ssyncadd.s32 $0xFFFFFF80  }
0x33: {  	[tilespmem:s20], [sflag:$0x11] =	stream.linear.gather [hbm4b:s19+s4], $0x80, $0x38;
	[tilespmem:$0x1C000] =	vst v63  }
0x34: {  	_ =	swait.ge [sflag:s16], $0x80  }
0x35: {  	[sflag:s16] =	ssyncset.done $0x0  }
0x36: {  	s21 =	rddreg [dreg:$0x4];
	[sflag:s16] =	ssyncadd.s32 $0xFFFFFF80  }
0x37: {  	[spmem:s14], [sflag:s13] =	dma.local [hbm:s21], $0x2780  }
.Ltmp2:
0x38: {  	_ =	swait.ge [sflag:s16], $0x2780;
	(pc) =	sbr.rel .LBB2_2-.Ltmp2, $4  }
0x39: {  	[sflag:s16] =	ssyncset.done $0x0  }
0x3a: {  	[sflag:s16] =	ssyncadd.s32 $0xFFFFD880  }
0x3b: {  	[bflag:$0x0] =	sbarrier.arrive $0xFFFF  }
0x3c: {  	s9 =	simm.s32 $0x0;
	s13 =	simm.s32 $0x280;
	s14 =	simm.s32 $0x3  }
.LBB2_5:
0x3d: {  	s12 =	simm.s32 $0x13C80;
	s21 =	simm.s32 $0x2  }
0x3e: {  	[tilespmem:s10], [sflag:$0x2] =	stream.indirect.gather [hbm4b:s1+s24], $0x80, s12, s24, $0xb8;
	[tilespmem:$0x1C000] =	vst v63  }
.LBB2_9:
0x3f: {  	s12 =	sshll.u32 s21, $0x7  }
0x40: {  	s12 =	sand.u32 $0x300, s12  }
0x41: {  	s12 =	sor.u32 s20, s12  }
0x42: {  	s12 =	sshrl.u32 s12, $0x3  }
0x43: {  	s12 =	sadd.s32 s5, s12  }
0x44: {  	[tilespmem:s25], [sflag:$0xF] =	stream.linear.gather [hbm4b:s12+s4], $0x80, $0x38;
	[tilespmem:$0x1C000] =	vst v63  }
0x45: {  	s12 =	simm.s32 @!p0 $0xB  }
0x46: {  	_ =	swait.ge @!p0 [sflag:s12], $0x80  }
0x47: {  	[sflag:s12] =	ssyncset.done @!p0 $0x0  }
0x48: {  	p1 =	por $0x0, $0x0;
	[sflag:s12] =	ssyncadd.s32 @!p0 $0xFFFFFF80  }
0x49: {  	[tilespmem:s26], [sflag:$0x3] =	stream.indirect.gather [hbm4b:s1+s24], $0x80, s18, s24, $0xb8;
	[tilespmem:$0x1C000] =	vst v63  }
.LBB2_10:
0x4a: {  	p2 =	sgt.u32 s21, $0xA1  }
0x4b: {  	p3 =	sgt.u32 @!p2 s9, $0x26  }
0x4c: {  	p3 =	por p3, p2  }
0x4d: {  	s12 =	sadd.s32 @!p3 $0xFFFFFF80, s13  }
0x4e: {  	s15 =	simm.s32 @!p2 $0x1;
	s17 =	sand.u32 @!p3 $0xFC00, s12  }
0x4f: {  	_ =	swait.ge @!p2 [sflag:s15], $0x2000;
	s12 =	sand.u32 @!p3 $0x200, s12;
	s17 =	sadd.s32 @!p3 s6, s17  }
0x50: {  	[sflag:s15] =	ssyncset.done @!p2 $0x0;
	s12 =	sor.u32 @!p3 s12, s17  }
0x51: {  	[sflag:s15] =	ssyncadd.s32 @!p2 $0xFFFFE000;
	s12 =	sshrl.u32 @!p3 s12, $0x3  }
0x52: {  	s15 =	simm.s32 @!p3 $0x0;
	s17 =	simm.s32 @!p3 $0x13C00;
	s12 =	sadd.s32 @!p3 s7, s12  }
0x53: {  	[tilespmem:s17], [sflag:$0x9] =	stream.linear.gather @!p3 [hbm4b:s12+s15], $0x80, $0x38;
	[tilespmem:$0x1C000] =	vst v63  }
0x54: {  	s12 =	simm.s32 @!p2 $0xD  }
0x55: {  	_ =	swait.ge @!p2 [sflag:s12], $0x80  }
0x56: {  	s15 =	simm.s32 @!p2 $0x13E00;
	[sflag:s12] =	ssyncset.done @!p2 $0x0  }
0x57: {  	s17 =	simm.s32 @!p2 $0x14000;
	[sflag:s12] =	ssyncadd.s32 @!p2 $0xFFFFFF80;
	s12 =	simm.s32 @!p2 $0x40  }
0x58: {  	[spmem:s3] =	stream.indirect.scatter.add.f32 @!p2 [tilespmem:s17], [sflag:$0x5], $0x80, s15, s12, $0xb8;
	[tilespmem:$0x1C000] =	vst v63  }
0x59: {  	s12 =	sadd.s32 @!p1 $0xFFFFFD80, s13;
	s15 =	simm.s32 @!p0 $0x8  }
0x5a: {  	s17 =	sadd.s32 @!p1 $0xFFFFFF00, s13;
	s12 =	sand.u32 @!p1 $0x7C00, s12;
	_ =	swait.ge @!p0 [sflag:s15], $0x2000  }
0x5b: {  	s17 =	sand.u32 @!p1 $0x380, s17;
	s12 =	sadd.s32 @!p1 s6, s12;
	[sflag:s15] =	ssyncset.done @!p0 $0x0  }
0x5c: {  	s12 =	sor.u32 @!p1 s12, s17;
	[sflag:s15] =	ssyncadd.s32 @!p0 $0xFFFFE000  }
0x5d: {  	p0 =	seq.s32 @!p1 s13, $0x280;
	s15 =	simm.s32 @!p1 $0x0;
	s12 =	sshrl.u32 @!p1 s12, $0x3  }
0x5e: {  	s17 =	simm.s32 @!p1 $0x13F80;
	p0 =	por p0, p1;
	s12 =	sadd.s32 @!p1 s5, s12  }
0x5f: {  	[tilespmem:s17], [sflag:$0x10] =	stream.linear.gather @!p1 [hbm4b:s12+s15], $0x80, $0x38;
	[tilespmem:$0x1C000] =	vst v63  }
0x60: {  	s12 =	simm.s32 @!p0 $0xC  }
0x61: {  	_ =	swait.ge @!p0 [sflag:s12], $0x80  }
0x62: {  	s15 =	simm.s32 @!p1 $0x13D80;
	s17 =	simm.s32 @!p1 $0x1A000;
	[sflag:s12] =	ssyncset.done @!p0 $0x0  }
0x63: {  	[sflag:s12] =	ssyncadd.s32 @!p0 $0xFFFFFF80;
	s12 =	simm.s32 @!p1 $0x40;
	p0 =	sgt.u32 s14, $0xA1  }
0x64: {  	[tilespmem:s17], [sflag:$0x4] =	stream.indirect.gather @!p1 [hbm4b:s1+s12], $0x80, s15, s12, $0xb8;
	[tilespmem:$0x1C000] =	vst v63  }
0x65: {  	p1 =	sgt.u32 @!p0 s9, $0x26  }
0x66: {  	p1 =	por p1, p0  }
0x67: {  	s12 =	simm.s32 @!p0 $0x2;
	s15 =	sand.u32 @!p1 $0xFC00, s13  }
0x68: {  	_ =	swait.ge @!p0 [sflag:s12], $0x2000;
	s17 =	sand.u32 @!p1 $0x280, s13;
	s15 =	sadd.s32 @!p1 s6, s15  }
0x69: {  	[sflag:s12] =	ssyncset.done @!p0 $0x0;
	s15 =	sor.u32 @!p1 s17, s15  }
0x6a: {  	[sflag:s12] =	ssyncadd.s32 @!p0 $0xFFFFE000;
	s12 =	sshrl.u32 @!p1 s15, $0x3  }
0x6b: {  	s17 =	simm.s32 @!p1 $0x13C80;
	s15 =	simm.s32 @!p1 $0x0;
	s12 =	sadd.s32 @!p1 s7, s12  }
0x6c: {  	[tilespmem:s17], [sflag:$0xA] =	stream.linear.gather @!p1 [hbm4b:s12+s15], $0x80, $0x38;
	[tilespmem:$0x1C000] =	vst v63  }
0x6d: {  	s12 =	simm.s32 @!p0 $0xE  }
0x6e: {  	_ =	swait.ge @!p0 [sflag:s12], $0x80  }
0x6f: {  	s13 =	sadd.s32 $0x200, s13;
	s15 =	simm.s32 @!p0 $0x13E80;
	[sflag:s12] =	ssyncset.done @!p0 $0x0  }
0x70: {  	s17 =	simm.s32 @!p0 $0x16000;
	[sflag:s12] =	ssyncadd.s32 @!p0 $0xFFFFFF80;
	s12 =	simm.s32 @!p0 $0x40  }
0x71: {  	[spmem:s3] =	stream.indirect.scatter.add.f32 @!p0 [tilespmem:s17], [sflag:$0x6], $0x80, s15, s12, $0xb8;
	[tilespmem:$0x1C000] =	vst v63  }
0x72: {  	p0 =	sne.s32 s13, $0x5480  }
.Ltmp3:
0x73: {  	_ = 	snop;
	(pc) =	sbr.rel @!p0 .LBB2_11-.Ltmp3, $2  }
0x74: {  	_ =	sdelay $0x2  }
0x75: {  	s14 =	sadd.s32 $0x4, s14;
	s9 =	sadd.s32 $0x1, s9  }
.LBB2_2:
0x76: {  	p0 =	seq.s32 s13, $0x280  }
0x77: {  	p1 =	sne.s32 @!p0 s13, $0x5280  }
0x78: {  	p1 =	por p0, p1  }
.Ltmp4:
0x79: {  	_ = 	snop;
	(pc) =	sbr.rel @p1 .LBB2_4-.Ltmp4, $4  }
0x7a: {  	s20 =	simm.s32 @!p0 $0x5  }
0x7b: {  	_ =	swait.ge @!p0 [sflag:s20], $0x2000  }
0x7c: {  	[sflag:s20] =	ssyncset.done @!p0 $0x0  }
0x7d: {  	[sflag:s20] =	ssyncadd.s32 @!p0 $0xFFFFE000  }
0x7e: {  	_ =	swait.ge [sflag:s22], $0x2000  }
0x7f: {  	[sflag:s22] =	ssyncset.done $0x0  }
0x80: {  	[sflag:s22] =	ssyncadd.s32 $0xFFFFE000  }
0x81: {  	_ =	swait.ge [sflag:s23], $0x80  }
0x82: {  	[sflag:s23] =	ssyncset.done $0x0  }
0x83: {  	[sflag:s23] =	ssyncadd.s32 $0xFFFFFF80  }
0x84: {  	[spmem:s3] =	stream.indirect.scatter.add.f32 [tilespmem:s26], [sflag:$0x7], $0x80, s25, s24, $0xb8;
	[tilespmem:$0x1C000] =	vst v63  }
0x85: {  	_ =	swait.ge [sflag:s28], $0x2000  }
.Ltmp5:
0x86: {  	[sflag:s28] =	ssyncset.done $0x0;
	(pc) =	sbr.rel .LBB2_7-.Ltmp5, $4  }
0x87: {  	[sflag:s28] =	ssyncadd.s32 $0xFFFFE000  }
0x88: {  	_ =	swait.ge [sflag:s29], $0x2000  }
0x89: {  	[sflag:s29] =	ssyncset.done $0x0  }
0x8a: {  	p2 =	por $0x1, $0x1;
	[sflag:s29] =	ssyncadd.s32 $0xFFFFE000  }
.LBB2_4:
0x8b: {  	s21 =	sadd.s32 $0xFFFFFD80, s13  }
0x8c: {  	s20 =	sand.u32 $0x7C00, s21  }
0x8d: {  	s21 =	sand.u32 $0x200, s21;
	s20 =	sadd.s32 s6, s20  }
0x8e: {  	s19 =	sor.u32 s21, s20  }
0x8f: {  	s19 =	sshrl.u32 s19, $0x3  }
0x90: {  	s12 =	simm.s32 $0x13E00;
	s19 =	sadd.s32 s5, s19  }
0x91: {  	[tilespmem:s12], [sflag:$0xD] =	stream.linear.gather [hbm4b:s19+s4], $0x80, $0x38;
	[tilespmem:$0x1C000] =	vst v63  }
0x92: {  	s17 =	simm.s32 @p0 $0x14000;
	s19 =	simm.s32 @p0 $0x40;
	s12 =	simm.s32 @p0 $0x13C00  }
0x93: {  	[tilespmem:s17], [sflag:$0x1] =	stream.indirect.gather @p0 [hbm4b:s1+s19], $0x80, s12, s19, $0xb8;
	[tilespmem:$0x1C000] =	vst v63  }
0x94: {  	s12 =	simm.s32 @!p0 $0x9  }
0x95: {  	_ =	swait.ge @!p0 [sflag:s12], $0x80  }
0x96: {  	s17 =	simm.s32 @!p0 $0x13C00;
	[sflag:s12] =	ssyncset.done @!p0 $0x0  }
0x97: {  	s19 =	simm.s32 @!p0 $0x14000;
	[sflag:s12] =	ssyncadd.s32 @!p0 $0xFFFFFF80;
	s12 =	simm.s32 @!p0 $0x40  }
0x98: {  	[tilespmem:s19], [sflag:$0x1] =	stream.indirect.gather @!p0 [hbm4b:s1+s12], $0x80, s17, s12, $0xb8;
	[tilespmem:$0x1C000] =	vst v63  }
0x99: {  	s17 =	simm.s32 @!p0 $0x3  }
0x9a: {  	s19 =	sor.u32 @!p0 s20, s21;
	_ =	swait.ge @!p0 [sflag:s17], $0x2000  }
0x9b: {  	s19 =	sor.u32 @!p0 $0x100, s19;
	[sflag:s17] =	ssyncset.done @!p0 $0x0  }
0x9c: {  	[sflag:s17] =	ssyncadd.s32 @!p0 $0xFFFFE000;
	s17 =	sshrl.u32 @!p0 s19, $0x3  }
0x9d: {  	s15 =	simm.s32 @!p0 $0x13D00;
	s19 =	simm.s32 @!p0 $0x0;
	s17 =	sadd.s32 @!p0 s7, s17  }
0x9e: {  	[tilespmem:s15], [sflag:$0xB] =	stream.linear.gather @!p0 [hbm4b:s17+s19], $0x80, $0x38;
	[tilespmem:$0x1C000] =	vst v63  }
0x9f: {  	s15 =	simm.s32 @!p0 $0xF  }
0xa0: {  	_ =	swait.ge @!p0 [sflag:s15], $0x80  }
0xa1: {  	p1 =	sne.s32 s13, $0x280;
	[sflag:s15] =	ssyncset.done @!p0 $0x0  }
0xa2: {  	s17 =	simm.s32 @!p0 $0x18000;
	[sflag:s15] =	ssyncadd.s32 @!p0 $0xFFFFFF80;
	s15 =	simm.s32 @!p0 $0x13F00  }
0xa3: {  	[spmem:s3] =	stream.indirect.scatter.add.f32 @!p0 [tilespmem:s17], [sflag:$0x7], $0x80, s15, s12, $0xb8;
	[tilespmem:$0x1C000] =	vst v63  }
.Ltmp6:
0xa4: {  	s21 =	sor.u32 s20, s21;
	s12 =	simm.s32 @!p0 $0x6;
	(pc) =	sbr.rel @!p1 .LBB2_5-.Ltmp6, $4  }
0xa5: {  	s17 =	sor.u32 $0x80, s21;
	_ =	swait.ge @!p0 [sflag:s12], $0x2000  }
0xa6: {  	s15 =	sshrl.u32 s17, $0x3;
	[sflag:s12] =	ssyncset.done @!p0 $0x0  }
0xa7: {  	s19 =	sadd.s32 s5, s15;
	[sflag:s12] =	ssyncadd.s32 @!p0 $0xFFFFE000  }
0xa8: {  	[tilespmem:s8], [sflag:$0xE] =	stream.linear.gather [hbm4b:s19+s4], $0x80, $0x38;
	[tilespmem:$0x1C000] =	vst v63  }
0xa9: {  	_ =	swait.ge [sflag:s11], $0x80  }
0xaa: {  	[sflag:s11] =	ssyncset.done $0x0  }
0xab: {  	s12 =	simm.s32 $0x13C80;
	[sflag:s11] =	ssyncadd.s32 $0xFFFFFF80  }
0xac: {  	[tilespmem:s10], [sflag:$0x2] =	stream.indirect.gather [hbm4b:s1+s24], $0x80, s12, s24, $0xb8;
	[tilespmem:$0x1C000] =	vst v63  }
0xad: {  	s21 =	sor.u32 $0x180, s21;
	_ =	swait.ge [sflag:s29], $0x2000  }
0xae: {  	s15 =	simm.s32 $0x13D80;
	s12 =	sshrl.u32 s21, $0x3;
	[sflag:s29] =	ssyncset.done $0x0  }
0xaf: {  	p2 =	por $0x0, $0x0;
	s12 =	sadd.s32 s7, s12;
	[sflag:s29] =	ssyncadd.s32 $0xFFFFE000  }
0xb0: {  	[tilespmem:s15], [sflag:$0xC] =	stream.linear.gather [hbm4b:s12+s4], $0x80, $0x38;
	[tilespmem:$0x1C000] =	vst v63  }
.LBB2_7:
0xb1: {  	_ =	swait.ge [sflag:s30], $0x80  }
0xb2: {  	[sflag:s30] =	ssyncset.done $0x0  }
.Ltmp7:
0xb3: {  	[sflag:s30] =	ssyncadd.s32 $0xFFFFFF80;
	(pc) =	sbr.rel @p2 .LBB2_10-.Ltmp7, $4  }
0xb4: {  	[spmem:s3] =	stream.indirect.scatter.add.f32 [tilespmem:s0], [sflag:$0x8], $0x80, s31, s24, $0xb8;
	[tilespmem:$0x1C000] =	vst v63  }
0xb5: {  	_ =	swait.ge [sflag:s2], $0x2000  }
0xb6: {  	[sflag:s2] =	ssyncset.done $0x0  }
0xb7: {  	s21 =	sadd.s32 $0xFFFFFFFF, s14;
	p1 =	por $0x1, $0x1;
	[sflag:s2] =	ssyncadd.s32 $0xFFFFE000  }
.Ltmp8:
0xb8: {  	(pc) =	sbr.rel .LBB2_9-.Ltmp8, $4  }
0xb9: {  	_ = 	snop  }
0xba: {  	s12 =	sadd.s32 $0xFFFFFD80, s13  }
0xbb: {  	s12 =	sand.u32 $0x7C00, s12  }
0xbc: {  	s20 =	sadd.s32 s6, s12  }
.LBB2_12:
0xbd: {  	_ =	sfence.sel $0x180000  }
0xbe: {  	[bflag:$0x0] =	sbarrier.arrive $0xFFFF  }
0xbf: {  	_ =	strace $0x9000004A  }
0xc0: {  	s0 =	stileid.u32;
	[bflag:$0x2] =	sbarrier.arrive $0xFFFF  }
0xc1: {  	p0 =	sne.s32 s0, $0x0;
	s0 =	rddreg [dreg:$0x3]  }
0xc2: {  	s0 =	sadd.s32 @!p0 $0x100000, s0  }
0xc3: {  	[sflag:s0] =	ssyncadd.tile.s32 @!p0 $0x1;
	_ =	shalt  }
.Lfunc_end2:
_tile_overlayer_lowered:
.L_overlay_start_2:
0xc4: {  	(tag) =	ssettag $0x2  }
0xc5: {  	s0 =	rddreg [dreg:$0x0];
	s2 =	stileid.u32  }
0xc6: {  	s1 =	rddreg [dreg:$0x1];
	p0 =	sne.s32 s2, $0x0  }
0xc7: {  	s3 =	rddreg [dreg:$0x2];
	[bflag:$0x3] =	sbarrier.arrive $0xFFFF;
	s2 =	simm.s32 @!p0 $0x1C11  }
0xc8: {  	[timem:s3], [sflag:s2] =	dma.local @!p0 [hbm:s0], s1  }
0xc9: {  	s0 =	simm.s32 @!p0 $0x11  }
0xca: {  	_ =	swait.ge @!p0 [sflag:s0], s1  }
0xcb: {  	s1 =	ssub.s32 @!p0 $0x0, s1;
	[sflag:s0] =	ssyncset.done @!p0 $0x0  }
0xcc: {  	[sflag:s0] =	ssyncadd.s32 @!p0 s1  }
0xcd: {  	[bflag:$0x3] =	sbarrier.arrive $0xFFFF  }
0xce: {  	_ =	shalt  }

// kernel: kernel.15.cloned.1.call-start
scs
__scs_entry_jumppad:
0x0: {  	(pc) =	sbr.rel $0x88, $3  }
0x1: {  	(tag) =	ssettag $0x0;
	lr =	simm.s32 $0x1  }
0x2: {  	[smem:$0x3F98] =	sst lr;
	_ =	strace $0xD0000000  }
0x3: {  	_ = 	snop  }
0x4: {  	_ = 	snop  }
0x5: {  	_ = 	snop  }
0x6: {  	_ = 	snop  }
0x7: {  	_ = 	snop  }
__scs_overlays_trampoline_lowered:
0x8: {  	[smem:$0x3FA7] =	sst s0  }
0x9: {  	[smem:$0x3FA8] =	sst s1  }
0xa: {  	[smem:$0x3FA9] =	sst s2  }
0xb: {  	[smem:$0x3FAA] =	sst s3  }
0xc: {  	[smem:$0x3FAB] =	sst s4  }
0xd: {  	[smem:$0x3FAC] =	sst s5  }
0xe: {  	[smem:$0x3FAD] =	sst s6  }
0xf: {  	[smem:$0x3FAE] =	sst s7  }
0x10: {  	[smem:$0x3FAF] =	sst s8  }
0x11: {  	[smem:$0x3FB0] =	sst s9;
	s0 =	simm.s32 @!p0 $0x0  }
0x12: {  	s1 =	sld [smem:$0x3F96];
	s0 =	simm.s32 @p0 $0x1  }
0x13: {  	[smem:$0x3FB1] =	sst s0;
	s0 =	simm.s32 @!p1 $0x0  }
0x14: {  	s2 =	sld [smem:$0x3F95];
	s0 =	simm.s32 @p1 $0x1  }
0x15: {  	[smem:$0x3FB2] =	sst s0;
	s0 =	simm.s32 @!p2 $0x0  }
0x16: {  	s3 =	sld [smem:$0x3FDB];
	s0 =	simm.s32 @p2 $0x1  }
0x17: {  	s4 =	simm.s32 $0x1BF5;
	[smem:$0x3FB4] =	sst s0  }
0x18: {  	s0 =	sld [smem:$0x3F97];
	_ =	swait.ge [sflag:s4], $0x0  }
0x19: {  	s7 =	sld [smem:$0x3F98]  }
0x1a: {  	s8 =	sadd.s32 $0xFFFFE003, lr  }
0x1b: {  	s9 =	sadd.s32 $0xFFFFFEF7, lr;
	s5 =	simm.s32 $0xFFFFFFFF;
	p2 =	slt.u32 s8, $0xFFFFF086  }
0x1c: {  	p1 =	slt.u32 s9, $0xF7A;
	s5 =	simm.s32 @!p2 $0x0  }
0x1d: {  	s5 =	simm.s32 @p1 $0x1;
	p0 =	seq.s32 s7, s2  }
0x1e: {  	s7 =	smul.u32 @!p0 $0xF7A, s2;
	p2 =	seq.s32 @!p0 s5, $0x0  }
0x1f: {  	s9 =	smul.u32 $0xF7A, s1;
	s8 =	simm.s32 @!p0 $0x1BF5;
	p2 =	por !p2, p0  }
0x20: {  	[sflag:s8] =	ssyncset.s32 @!p0 $0xFFFFF086;
	s6 =	sadd.s32 @!p0 s3, s7;
	s7 =	simm.s32 @!p0 $0x108  }
0x21: {  	s3 =	sadd.s32 s3, s9;
	s6 =	sadd.s32 @!p0 $0x88, s6;
	s7 =	simm.s32 @p2 $0x1082  }
0x22: {  	[simem:s7], [sflag:s8] =	dma.local @!p0 [hbm:s6], $0xF7A  }
0x23: {  	s9 =	sor.u32 $0xD0000000, s2;
	s6 =	simm.s32 $0x108;
	_ =	swait.ge @!p0 [sflag:s8], $0x0  }
0x24: {  	s3 =	sadd.s32 $0x88, s3;
	s6 =	simm.s32 @!p1 $0x1082;
	[sflag:s4] =	ssyncset.s32 $0xFFFFF086  }
0x25: {  	[simem:s6], [sflag:s4] =	dma.local [hbm:s3], $0xF7A  }
0x26: {  	[smem:$0x3F98] =	sst s1;
	(tag) =	ssettag s2;
	_ =	strace s9  }
0x27: {  	s1 =	sld [smem:$0x3FA8]  }
0x28: {  	s2 =	sld [smem:$0x3FA9]  }
0x29: {  	s4 =	sld [smem:$0x3FAB]  }
0x2a: {  	p0 =	seq.s32 s5, $0x0;
	s5 =	sld [smem:$0x3FAC]  }
0x2b: {  	s6 =	sld [smem:$0x3FAD]  }
0x2c: {  	s7 =	sld [smem:$0x3FAE]  }
0x2d: {  	s3 =	simm.s32 $0x108;
	s8 =	sld [smem:$0x3FAF]  }
0x2e: {  	s3 =	simm.s32 @!p0 $0x1082;
	s9 =	sld [smem:$0x3FB0]  }
0x2f: {  	lr =	sadd.s32 s0, s3;
	s0 =	sld [smem:$0x3FA7]  }
0x30: {  	s3 =	sld [smem:$0x3FAA]  }
0x31: {  	[smem:$0x3FB3] =	sst s10  }
0x32: {  	s10 =	sld [smem:$0x3FB1];
	_ =	sdelay $0x3  }
0x33: {  	p0 =	seq.s32 s10, $0x1;
	s10 =	sld [smem:$0x3FB3];
	_ =	sdelay $0x3  }
0x34: {  	[smem:$0x3FB3] =	sst s10  }
0x35: {  	s10 =	sld [smem:$0x3FB2];
	_ =	sdelay $0x3  }
0x36: {  	p1 =	seq.s32 s10, $0x1;
	s10 =	sld [smem:$0x3FB3];
	_ =	sdelay $0x3  }
0x37: {  	[smem:$0x3FB3] =	sst s10  }
0x38: {  	s10 =	sld [smem:$0x3FB4]  }
0x39: {  	_ = 	snop;
	(pc) =	sbr.ind lr, $3  }
0x3a: {  	_ = 	snop  }
0x3b: {  	_ = 	snop  }
0x3c: {  	p2 =	seq.s32 s10, $0x1;
	s10 =	sld [smem:$0x3FB3]  }
0x3d: {  	_ =	shalt  }
0x3e: {  	_ =	shalt  }
0x3f: {  	_ =	shalt  }
0x40: {  	_ =	shalt  }
0x41: {  	_ =	shalt  }
0x42: {  	_ =	shalt  }
0x43: {  	_ =	shalt  }
0x44: {  	_ =	shalt  }
0x45: {  	_ =	shalt  }
0x46: {  	_ =	shalt  }
0x47: {  	_ =	shalt  }
0x48: {  	_ =	shalt  }
0x49: {  	_ =	shalt  }
0x4a: {  	_ =	shalt  }
0x4b: {  	_ =	shalt  }
0x4c: {  	_ =	shalt  }
0x4d: {  	_ =	shalt  }
0x4e: {  	_ =	shalt  }
0x4f: {  	_ =	shalt  }
0x50: {  	_ =	shalt  }
0x51: {  	_ =	shalt  }
0x52: {  	_ =	shalt  }
0x53: {  	_ =	shalt  }
0x54: {  	_ =	shalt  }
0x55: {  	_ =	shalt  }
0x56: {  	_ =	shalt  }
0x57: {  	_ =	shalt  }
0x58: {  	_ =	shalt  }
0x59: {  	_ =	shalt  }
0x5a: {  	_ =	shalt  }
0x5b: {  	_ =	shalt  }
0x5c: {  	_ =	shalt  }
0x5d: {  	_ =	shalt  }
0x5e: {  	_ =	shalt  }
0x5f: {  	_ =	shalt  }
0x60: {  	_ =	shalt  }
0x61: {  	_ =	shalt  }
0x62: {  	_ =	shalt  }
0x63: {  	_ =	shalt  }
0x64: {  	_ =	shalt  }
0x65: {  	_ =	shalt  }
0x66: {  	_ =	shalt  }
0x67: {  	_ =	shalt  }
0x68: {  	_ =	shalt  }
0x69: {  	_ =	shalt  }
0x6a: {  	_ =	shalt  }
0x6b: {  	_ =	shalt  }
0x6c: {  	_ =	shalt  }
0x6d: {  	_ =	shalt  }
0x6e: {  	_ =	shalt  }
0x6f: {  	_ =	shalt  }
0x70: {  	_ =	shalt  }
0x71: {  	_ =	shalt  }
0x72: {  	_ =	shalt  }
0x73: {  	_ =	shalt  }
0x74: {  	_ =	shalt  }
0x75: {  	_ =	shalt  }
0x76: {  	_ =	shalt  }
0x77: {  	_ =	shalt  }
0x78: {  	_ =	shalt  }
0x79: {  	_ =	shalt  }
0x7a: {  	_ =	shalt  }
0x7b: {  	_ =	shalt  }
0x7c: {  	_ =	shalt  }
0x7d: {  	_ =	shalt  }
0x7e: {  	_ =	shalt  }
0x7f: {  	_ =	shalt  }
0x80: {  	_ =	shalt  }
0x81: {  	_ =	shalt  }
0x82: {  	_ =	shalt  }
0x83: {  	_ =	shalt  }
0x84: {  	_ =	shalt  }
0x85: {  	_ =	shalt  }
0x86: {  	_ =	shalt  }
0x87: {  	_ =	shalt  }
.Lfunc_end0:
.L_simem_size_0:
called_computation.2_lowered:
.L_overlay_start_0:
0x88: {  	s2 =	sld [smem:$0x3FD9]  }
0x89: {  	s3 =	sld [smem:$0x3FFE];
	_ =	sdelay $0x1  }
0x8a: {  	s1 =	srdreg.scid  }
0x8b: {  	s0 =	sand.u32 $0x1, s1  }
0x8c: {  	s16 =	sshll.u32 s0, $0xA;
	s2 =	sadd.s32 s3, s2  }
0x8d: {  	s2 =	sadd.s32 s2, s16  }
0x8e: {  	[smem:$0x3FBF] =	sst s2  }
0x8f: {  	_ = 	snop  }
0x90: {  	(tm) =	ssettm $0x1  }
0x91: {  	s17 =	sld [smem:$0x3FFB];
	_ =	sdelay $0x3  }
0x92: {  	_ =	strace s17  }
0x93: {  	s2 =	sld [smem:$0x3FFC];
	_ =	sdelay $0x3  }
0x94: {  	_ =	strace s2  }
0x95: {  	s2 =	sld [smem:$0x3FFD];
	_ =	sdelay $0x3  }
0x96: {  	_ =	strace s2  }
0x97: {  	_ =	strace $0x8FFFFFFF  }
0x98: {  	s18 =	sld [smem:$0x3FDB];
	_ =	sdelay $0x1  }
0x99: {  	s19 =	simm.s32 $_scs_section_size  }
0x9a: {  	s4 =	simm.s32 $_size__tile_overlayer_lowered;
	s5 =	simm.s32 $_tile_overlayer_lowered  }
0x9b: {  	s22 =	simm.s32 $0x1BFF;
	s21 =	sshll.u32 s5, $0x1;
	s2 =	sadd.s32 s19, s18  }
0x9c: {  	s6 =	simm.s32 $0x0;
	s20 =	sshll.u32 s4, $0x1;
	s4 =	sadd.s32 s21, s2  }
0x9d: {  	[timem:s6], [sflag:s22] =	dma.local [hbm:s4], s20  }
0x9e: {  	_ =	swait.ge [sflag:s22], s20  }
0x9f: {  	s3 =	ssub.s32 $0x0, s20;
	[sflag:s22] =	ssyncset.done $0x0  }
0xa0: {  	[sflag:s22] =	ssyncadd.s32 s3;
	_ =	sdelay $0x1  }
0xa1: {  	s23 =	simm.s32 $0x1B8B  }
0xa2: {  	_ =	swait.ge [sflag:s23], $0x1  }
0xa3: {  	[sflag:s23] =	ssyncset.done $0x0  }
0xa4: {  	s25 =	simm.s32 $0x1B8E;
	s24 =	sld [smem:$0x3FFE];
	[sflag:s23] =	ssyncadd.s32 $0xFFFFFFFF  }
0xa5: {  	s26 =	simm.s32 $execute0_lowered;
	[smem:$0x3FD2] =	sst s25  }
0xa6: {  	s4 =	sshll.u32 s26, $0x1;
	_ =	strace $0x8000004C;
	[dreg:$0x1] =	wrdreg $0xFFFFFFFF  }
0xa7: {  	s28 =	simm.s32 $_size_execute0_lowered;
	s2 =	sadd.s32 s2, s4;
	[dreg:$0x0] =	wrdreg $0x0  }
0xa8: {  	s4 =	sshll.u32 s28, $0x1;
	[dreg:$0x2] =	wrdreg s2  }
0xa9: {  	[dreg:$0x3] =	wrdreg s4  }
0xaa: {  	[dreg:$0x4] =	wrdreg $0xC0  }
0xab: {  	_ =	task [dreg:s6], $0x5FFFF  }
0xac: {  	[dreg:$0x1] =	wrdreg $0xFFFFFFFF  }
0xad: {  	[dreg:$0x0] =	wrdreg $0x60  }
0xae: {  	[dreg:$0x2] =	wrdreg s24  }
0xaf: {  	[dreg:$0x3] =	wrdreg $0x0  }
0xb0: {  	[dreg:$0x4] =	wrdreg $0x9  }
0xb1: {  	_ =	task.clear_ibuf [dreg:s6], $0x5FFFF;
	_ =	strace $0x9000004C  }
0xb2: {  	s29 =	simm.s32 $0x9;
	_ =	strace $0x8000004E  }
0xb3: {  	_ =	swait.ge [sflag:s29], $0x1  }
0xb4: {  	[sflag:s29] =	ssyncadd.s32 $0xFFFFFFFF  }
0xb5: {  	_ =	strace $0x9000004E  }
0xb6: {  	_ =	sfence  }
0xb7: {  	s30 =	sld [smem:$0x0];
	_ =	sdelay $0x2  }
0xb8: {  	s31 =	sshll.u32 s1, $0xD;
	s1 =	sshrl.u32 s1, $0x2  }
0xb9: {  	s3 =	sand.u32 $0x4000, s31;
	s1 =	sadd.s32 s1, s30  }
0xba: {  	s0 =	sor.u32 s3, s0;
	s1 =	sshll.u32 s1, $0x11  }
0xbb: {  	s0 =	sor.u32 s1, s0  }
0xbc: {  	s0 =	sadd.s32 $0x8F2B, s0  }
0xbd: {  	[sflag:s0] =	ssyncadd.remote.s32 $0x1  }
0xbe: {  	_ =	sfence.sel $0xFFFF  }
0xbf: {  	[dreg:$0x0] =	wrdreg $0xFFFFFFFF;
	(pc) =	sbr.abs _section_cstart, $3  }
0xc0: {  	[dreg:$0x1] =	wrdreg $0xFFFFFFFF  }
0xc1: {  	_ =	task.clear_ibuf [dreg:s6], $0x2FFFF;
	_ =	strace $0x9FFFFFFF  }
0xc2: {  	(tm) =	ssettm $0x7FFFFFFF  }
0xc3: {  	_ =	shalt  }
tec
execute0_lowered:
.L_overlay_start_1:
0x0: {  	(tag) =	ssettag $0x1  }
0x1: {  	s0 =	rddreg [dreg:$0x0]  }
0x2: {  	s2 =	rddreg [dreg:$0x1];
	s1 =	srdreg.scid  }
0x3: {  	s3 =	simm.s32 $0x0;
	s11 =	stileid.u32;
	s16 =	simm.s32 $0x11  }
0x4: {  	s28 =	simm.s32 $0x6;
	s29 =	simm.s32 $0x4;
	s30 =	simm.s32 $0x10  }
0x5: {  	s31 =	simm.s32 $0x13F80;
	s1 =	sand.u32 $0x1, s1;
	[smem:$0x7FF] =	sst s3  }
0x6: {  	s4 =	sshll.u32 s11, $0x1;
	s9 =	smul.u32 $0x13C00, s11;
	s5 =	sadd.s32 $0xDA00, s0  }
0x7: {  	s7 =	sadd.s32 $0x21A00, s0;
	s10 =	sadd.s32 $0x35A00, s0;
	s20 =	smul.u32 $0x4F000, s11  }
0x8: {  	s26 =	sshll.u32 s11, $0x6;
	s11 =	simm.s32 $0xA;
	s8 =	smul.u32 $0x13C000, s1  }
0x9: {  	_ =	strace $0x8000004D;
	s6 =	sor.u32 s1, s4;
	s4 =	sadd.s32 $0x38200, s0  }
0xa: {  	[dreg:$0x3] =	wrdreg s10;
	s1 =	ssub.s32 $0x2, s1;
	s13 =	sor.u32 $0x1C11, s26  }
0xb: {  	s26 =	simm.s32 $0x18000;
	s10 =	simm.s32 $0x16000;
	s6 =	smul.u32 $0x5000, s6  }
0xc: {  	s19 =	sshrl.u32 s1, $0x1;
	s24 =	sshrl.u32 s20, $0x2;
	s8 =	sadd.s32 s9, s8  }
0xd: {  	[dreg:$0xa] =	wrdreg s13;
	s1 =	ssub.s32 s1, s19;
	s8 =	sshrl.u32 s8, $0x3  }
0xe: {  	s18 =	sshrl.u32 s6, $0x3;
	s25 =	smax.u32 s1, $0x1;
	s1 =	simm.s32 $0x7  }
0xf: {  	s12 =	sadd.s32 s7, s18;
	s0 =	sadd.s32 s8, s0;
	s8 =	sadd.s32 s24, s2  }
0x10: {  	[dreg:$0x9] =	wrdreg s25;
	s18 =	simm.s32 $0x13D00;
	s24 =	simm.s32 $0x40  }
0x11: {  	s25 =	simm.s32 $0x13F00;
	s21 =	sadd.s32 $0x10, s12;
	[dreg:$0x4] =	wrdreg s12  }
.Ltmp0:
0x12: {  	s22 =	sadd.s32 $0x20, s12;
	[dreg:$0x5] =	wrdreg s21;
	(pc) =	sbr.rel .LBB2_1-.Ltmp0, $4  }
0x13: {  	s23 =	sadd.s32 $0x30, s12;
	s0 =	sadd.s32 $0x5F400, s0;
	[dreg:$0x6] =	wrdreg s22  }
0x14: {  	s14 =	sshrl.u32 s8, $0x3;
	s8 =	simm.s32 $0x13E80;
	[dreg:$0x7] =	wrdreg s23  }
0x15: {  	s12 =	simm.s32 $0x0;
	[dreg:$0x8] =	wrdreg s0;
	s22 =	simm.s32 $0x3  }
0x16: {  	s23 =	simm.s32 $0xF;
	s0 =	simm.s32 $0x1A000;
	[dreg:$0xb] =	wrdreg s14  }
.LBB2_11:
0x17: {  	[bflag:$0x0] =	sbarrier.arrive $0xFFFF  }
0x18: {  	s9 =	rddreg [dreg:$0x8]  }
0x19: {  	s13 =	rddreg [dreg:$0xa]  }
0x1a: {  	s14 =	rddreg [dreg:$0xb]  }
0x1b: {  	[hbm:s9], [sflag:s13] =	dma.local [spmem:s14], $0x2780  }
0x1c: {  	_ =	swait.ge [sflag:s16], $0x2780  }
0x1d: {  	s12 =	rddreg [dreg:$0xc]  }
0x1e: {  	s21 =	rddreg [dreg:$0x9];
	s12 =	sadd.s32 $0x1, s12  }
0x1f: {  	p0 =	sne.s32 s12, s21  }
.Ltmp1:
0x20: {  	_ = 	snop;
	(pc) =	sbr.rel @!p0 .LBB2_12-.Ltmp1, $3  }
0x21: {  	_ =	sdelay $0x1  }
0x22: {  	[sflag:s16] =	ssyncset.done $0x0  }
0x23: {  	[sflag:s16] =	ssyncadd.s32 $0xFFFFD880  }
.LBB2_1:
0x24: {  	[dreg:$0xc] =	wrdreg s12  }
0x25: {  	s9 =	rddreg [dreg:$0x4];
	s21 =	simm.s32 $0x13C00  }
0x26: {  	[tilespmem:s21], [sflag:$0x11] =	stream.linear.gather [hbm4b:s9+s3], $0x80, $0x38;
	[tilespmem:$0x1C000] =	vst v63  }
0x27: {  	_ =	swait.ge [sflag:s16], $0x80  }
0x28: {  	[sflag:s16] =	ssyncset.done $0x0  }
0x29: {  	s15 =	simm.s32 $0x13C80;
	s12 =	rddreg [dreg:$0x5];
	[sflag:s16] =	ssyncadd.s32 $0xFFFFFF80  }
0x2a: {  	[tilespmem:s15], [sflag:$0x11] =	stream.linear.gather [hbm4b:s12+s3], $0x80, $0x38;
	[tilespmem:$0x1C000] =	vst v63  }
0x2b: {  	_ =	swait.ge [sflag:s16], $0x80  }
0x2c: {  	[sflag:s16] =	ssyncset.done $0x0  }
0x2d: {  	s17 =	rddreg [dreg:$0x6];
	[sflag:s16] =	ssyncadd.s32 $0xFFFFFF80  }
0x2e: {  	[tilespmem:s18], [sflag:$0x11] =	stream.linear.gather [hbm4b:s17+s3], $0x80, $0x38;
	[tilespmem:$0x1C000] =	vst v63  }
0x2f: {  	_ =	swait.ge [sflag:s16], $0x80  }
0x30: {  	[sflag:s16] =	ssyncset.done $0x0  }
0x31: {  	s20 =	simm.s32 $0x13D80;
	s19 =	rddreg [dreg:$0x7];
	[sflag:s16] =	ssyncadd.s32 $0xFFFFFF80  }
0x32: {  	[tilespmem:s20], [sflag:$0x11] =	stream.linear.gather [hbm4b:s19+s3], $0x80, $0x38;
	[tilespmem:$0x1C000] =	vst v63  }
0x33: {  	_ =	swait.ge [sflag:s16], $0x80  }
0x34: {  	[sflag:s16] =	ssyncset.done $0x0  }
0x35: {  	s21 =	rddreg [dreg:$0x3];
	[sflag:s16] =	ssyncadd.s32 $0xFFFFFF80  }
0x36: {  	[spmem:s14], [sflag:s13] =	dma.local [hbm:s21], $0x2780  }
.Ltmp2:
0x37: {  	_ =	swait.ge [sflag:s16], $0x2780;
	(pc) =	sbr.rel .LBB2_2-.Ltmp2, $4  }
0x38: {  	[sflag:s16] =	ssyncset.done $0x0  }
0x39: {  	[sflag:s16] =	ssyncadd.s32 $0xFFFFD880  }
0x3a: {  	[bflag:$0x0] =	sbarrier.arrive $0xFFFF  }
0x3b: {  	s9 =	simm.s32 $0x0;
	s13 =	simm.s32 $0x280;
	s14 =	simm.s32 $0x3  }
.LBB2_5:
0x3c: {  	s12 =	simm.s32 $0x13C80;
	s21 =	simm.s32 $0x2  }
0x3d: {  	[tilespmem:s10], [sflag:$0x2] =	stream.indirect.gather [hbm4b:s4+s24], $0x80, s12, s24, $0xb8;
	[tilespmem:$0x1C000] =	vst v63  }
.LBB2_9:
0x3e: {  	s12 =	sshll.u32 s21, $0x7  }
0x3f: {  	s12 =	sand.u32 $0x300, s12  }
0x40: {  	s12 =	sor.u32 s20, s12  }
0x41: {  	s12 =	sshrl.u32 s12, $0x3  }
0x42: {  	s12 =	sadd.s32 s5, s12  }
0x43: {  	[tilespmem:s25], [sflag:$0xF] =	stream.linear.gather [hbm4b:s12+s3], $0x80, $0x38;
	[tilespmem:$0x1C000] =	vst v63  }
0x44: {  	s12 =	simm.s32 @!p0 $0xB  }
0x45: {  	_ =	swait.ge @!p0 [sflag:s12], $0x80  }
0x46: {  	[sflag:s12] =	ssyncset.done @!p0 $0x0  }
0x47: {  	p1 =	por $0x0, $0x0;
	[sflag:s12] =	ssyncadd.s32 @!p0 $0xFFFFFF80  }
0x48: {  	[tilespmem:s26], [sflag:$0x3] =	stream.indirect.gather [hbm4b:s4+s24], $0x80, s18, s24, $0xb8;
	[tilespmem:$0x1C000] =	vst v63  }
.LBB2_10:
0x49: {  	p2 =	sgt.u32 s21, $0xA1  }
0x4a: {  	p3 =	sgt.u32 @!p2 s9, $0x26  }
0x4b: {  	p3 =	por p3, p2  }
0x4c: {  	s12 =	sadd.s32 @!p3 $0xFFFFFF80, s13  }
0x4d: {  	s15 =	simm.s32 @!p2 $0x1;
	s17 =	sand.u32 @!p3 $0xFC00, s12  }
0x4e: {  	_ =	swait.ge @!p2 [sflag:s15], $0x2000;
	s12 =	sand.u32 @!p3 $0x200, s12;
	s17 =	sadd.s32 @!p3 s6, s17  }
0x4f: {  	[sflag:s15] =	ssyncset.done @!p2 $0x0;
	s12 =	sor.u32 @!p3 s12, s17  }
0x50: {  	[sflag:s15] =	ssyncadd.s32 @!p2 $0xFFFFE000;
	s12 =	sshrl.u32 @!p3 s12, $0x3  }
0x51: {  	s15 =	simm.s32 @!p3 $0x0;
	s17 =	simm.s32 @!p3 $0x13C00;
	s12 =	sadd.s32 @!p3 s7, s12  }
0x52: {  	[tilespmem:s17], [sflag:$0x9] =	stream.linear.gather @!p3 [hbm4b:s12+s15], $0x80, $0x38;
	[tilespmem:$0x1C000] =	vst v63  }
0x53: {  	s12 =	simm.s32 @!p2 $0xD  }
0x54: {  	_ =	swait.ge @!p2 [sflag:s12], $0x80  }
0x55: {  	s15 =	simm.s32 @!p2 $0x13E00;
	[sflag:s12] =	ssyncset.done @!p2 $0x0  }
0x56: {  	s17 =	simm.s32 @!p2 $0x14000;
	[sflag:s12] =	ssyncadd.s32 @!p2 $0xFFFFFF80;
	s12 =	simm.s32 @!p2 $0x40  }
0x57: {  	[spmem:s2] =	stream.indirect.scatter.add.f32 @!p2 [tilespmem:s17], [sflag:$0x5], $0x80, s15, s12, $0xb8;
	[tilespmem:$0x1C000] =	vst v63  }
0x58: {  	s12 =	sadd.s32 @!p1 $0xFFFFFD80, s13;
	s15 =	simm.s32 @!p0 $0x8  }
0x59: {  	s17 =	sadd.s32 @!p1 $0xFFFFFF00, s13;
	s12 =	sand.u32 @!p1 $0x7C00, s12;
	_ =	swait.ge @!p0 [sflag:s15], $0x2000  }
0x5a: {  	s17 =	sand.u32 @!p1 $0x380, s17;
	s12 =	sadd.s32 @!p1 s6, s12;
	[sflag:s15] =	ssyncset.done @!p0 $0x0  }
0x5b: {  	s12 =	sor.u32 @!p1 s12, s17;
	[sflag:s15] =	ssyncadd.s32 @!p0 $0xFFFFE000  }
0x5c: {  	p0 =	seq.s32 @!p1 s13, $0x280;
	s15 =	simm.s32 @!p1 $0x0;
	s12 =	sshrl.u32 @!p1 s12, $0x3  }
0x5d: {  	s17 =	simm.s32 @!p1 $0x13F80;
	p0 =	por p0, p1;
	s12 =	sadd.s32 @!p1 s5, s12  }
0x5e: {  	[tilespmem:s17], [sflag:$0x10] =	stream.linear.gather @!p1 [hbm4b:s12+s15], $0x80, $0x38;
	[tilespmem:$0x1C000] =	vst v63  }
0x5f: {  	s12 =	simm.s32 @!p0 $0xC  }
0x60: {  	_ =	swait.ge @!p0 [sflag:s12], $0x80  }
0x61: {  	s15 =	simm.s32 @!p1 $0x13D80;
	s17 =	simm.s32 @!p1 $0x1A000;
	[sflag:s12] =	ssyncset.done @!p0 $0x0  }
0x62: {  	[sflag:s12] =	ssyncadd.s32 @!p0 $0xFFFFFF80;
	s12 =	simm.s32 @!p1 $0x40;
	p0 =	sgt.u32 s14, $0xA1  }
0x63: {  	[tilespmem:s17], [sflag:$0x4] =	stream.indirect.gather @!p1 [hbm4b:s4+s12], $0x80, s15, s12, $0xb8;
	[tilespmem:$0x1C000] =	vst v63  }
0x64: {  	p1 =	sgt.u32 @!p0 s9, $0x26  }
0x65: {  	p1 =	por p1, p0  }
0x66: {  	s12 =	simm.s32 @!p0 $0x2;
	s15 =	sand.u32 @!p1 $0xFC00, s13  }
0x67: {  	_ =	swait.ge @!p0 [sflag:s12], $0x2000;
	s17 =	sand.u32 @!p1 $0x280, s13;
	s15 =	sadd.s32 @!p1 s6, s15  }
0x68: {  	[sflag:s12] =	ssyncset.done @!p0 $0x0;
	s15 =	sor.u32 @!p1 s17, s15  }
0x69: {  	[sflag:s12] =	ssyncadd.s32 @!p0 $0xFFFFE000;
	s12 =	sshrl.u32 @!p1 s15, $0x3  }
0x6a: {  	s17 =	simm.s32 @!p1 $0x13C80;
	s15 =	simm.s32 @!p1 $0x0;
	s12 =	sadd.s32 @!p1 s7, s12  }
0x6b: {  	[tilespmem:s17], [sflag:$0xA] =	stream.linear.gather @!p1 [hbm4b:s12+s15], $0x80, $0x38;
	[tilespmem:$0x1C000] =	vst v63  }
0x6c: {  	s12 =	simm.s32 @!p0 $0xE  }
0x6d: {  	_ =	swait.ge @!p0 [sflag:s12], $0x80  }
0x6e: {  	s13 =	sadd.s32 $0x200, s13;
	s15 =	simm.s32 @!p0 $0x13E80;
	[sflag:s12] =	ssyncset.done @!p0 $0x0  }
0x6f: {  	s17 =	simm.s32 @!p0 $0x16000;
	[sflag:s12] =	ssyncadd.s32 @!p0 $0xFFFFFF80;
	s12 =	simm.s32 @!p0 $0x40  }
0x70: {  	[spmem:s2] =	stream.indirect.scatter.add.f32 @!p0 [tilespmem:s17], [sflag:$0x6], $0x80, s15, s12, $0xb8;
	[tilespmem:$0x1C000] =	vst v63  }
0x71: {  	p0 =	sne.s32 s13, $0x5480  }
.Ltmp3:
0x72: {  	_ = 	snop;
	(pc) =	sbr.rel @!p0 .LBB2_11-.Ltmp3, $2  }
0x73: {  	_ =	sdelay $0x2  }
0x74: {  	s14 =	sadd.s32 $0x4, s14;
	s9 =	sadd.s32 $0x1, s9  }
.LBB2_2:
0x75: {  	p0 =	seq.s32 s13, $0x280  }
0x76: {  	p1 =	sne.s32 @!p0 s13, $0x5280  }
0x77: {  	p1 =	por p0, p1  }
.Ltmp4:
0x78: {  	_ = 	snop;
	(pc) =	sbr.rel @p1 .LBB2_4-.Ltmp4, $4  }
0x79: {  	s20 =	simm.s32 @!p0 $0x5  }
0x7a: {  	_ =	swait.ge @!p0 [sflag:s20], $0x2000  }
0x7b: {  	[sflag:s20] =	ssyncset.done @!p0 $0x0  }
0x7c: {  	[sflag:s20] =	ssyncadd.s32 @!p0 $0xFFFFE000  }
0x7d: {  	_ =	swait.ge [sflag:s22], $0x2000  }
0x7e: {  	[sflag:s22] =	ssyncset.done $0x0  }
0x7f: {  	[sflag:s22] =	ssyncadd.s32 $0xFFFFE000  }
0x80: {  	_ =	swait.ge [sflag:s23], $0x80  }
0x81: {  	[sflag:s23] =	ssyncset.done $0x0  }
0x82: {  	[sflag:s23] =	ssyncadd.s32 $0xFFFFFF80  }
0x83: {  	[spmem:s2] =	stream.indirect.scatter.add.f32 [tilespmem:s26], [sflag:$0x7], $0x80, s25, s24, $0xb8;
	[tilespmem:$0x1C000] =	vst v63  }
0x84: {  	_ =	swait.ge [sflag:s28], $0x2000  }
.Ltmp5:
0x85: {  	[sflag:s28] =	ssyncset.done $0x0;
	(pc) =	sbr.rel .LBB2_7-.Ltmp5, $4  }
0x86: {  	[sflag:s28] =	ssyncadd.s32 $0xFFFFE000  }
0x87: {  	_ =	swait.ge [sflag:s29], $0x2000  }
0x88: {  	[sflag:s29] =	ssyncset.done $0x0  }
0x89: {  	p2 =	por $0x1, $0x1;
	[sflag:s29] =	ssyncadd.s32 $0xFFFFE000  }
.LBB2_4:
0x8a: {  	s21 =	sadd.s32 $0xFFFFFD80, s13  }
0x8b: {  	s20 =	sand.u32 $0x7C00, s21  }
0x8c: {  	s21 =	sand.u32 $0x200, s21;
	s20 =	sadd.s32 s6, s20  }
0x8d: {  	s19 =	sor.u32 s21, s20  }
0x8e: {  	s19 =	sshrl.u32 s19, $0x3  }
0x8f: {  	s12 =	simm.s32 $0x13E00;
	s19 =	sadd.s32 s5, s19  }
0x90: {  	[tilespmem:s12], [sflag:$0xD] =	stream.linear.gather [hbm4b:s19+s3], $0x80, $0x38;
	[tilespmem:$0x1C000] =	vst v63  }
0x91: {  	s17 =	simm.s32 @p0 $0x14000;
	s19 =	simm.s32 @p0 $0x40;
	s12 =	simm.s32 @p0 $0x13C00  }
0x92: {  	[tilespmem:s17], [sflag:$0x1] =	stream.indirect.gather @p0 [hbm4b:s4+s19], $0x80, s12, s19, $0xb8;
	[tilespmem:$0x1C000] =	vst v63  }
0x93: {  	s12 =	simm.s32 @!p0 $0x9  }
0x94: {  	_ =	swait.ge @!p0 [sflag:s12], $0x80  }
0x95: {  	s17 =	simm.s32 @!p0 $0x13C00;
	[sflag:s12] =	ssyncset.done @!p0 $0x0  }
0x96: {  	s19 =	simm.s32 @!p0 $0x14000;
	[sflag:s12] =	ssyncadd.s32 @!p0 $0xFFFFFF80;
	s12 =	simm.s32 @!p0 $0x40  }
0x97: {  	[tilespmem:s19], [sflag:$0x1] =	stream.indirect.gather @!p0 [hbm4b:s4+s12], $0x80, s17, s12, $0xb8;
	[tilespmem:$0x1C000] =	vst v63  }
0x98: {  	s17 =	simm.s32 @!p0 $0x3  }
0x99: {  	s19 =	sor.u32 @!p0 s20, s21;
	_ =	swait.ge @!p0 [sflag:s17], $0x2000  }
0x9a: {  	s19 =	sor.u32 @!p0 $0x100, s19;
	[sflag:s17] =	ssyncset.done @!p0 $0x0  }
0x9b: {  	[sflag:s17] =	ssyncadd.s32 @!p0 $0xFFFFE000;
	s17 =	sshrl.u32 @!p0 s19, $0x3  }
0x9c: {  	s15 =	simm.s32 @!p0 $0x13D00;
	s19 =	simm.s32 @!p0 $0x0;
	s17 =	sadd.s32 @!p0 s7, s17  }
0x9d: {  	[tilespmem:s15], [sflag:$0xB] =	stream.linear.gather @!p0 [hbm4b:s17+s19], $0x80, $0x38;
	[tilespmem:$0x1C000] =	vst v63  }
0x9e: {  	s15 =	simm.s32 @!p0 $0xF  }
0x9f: {  	_ =	swait.ge @!p0 [sflag:s15], $0x80  }
0xa0: {  	p1 =	sne.s32 s13, $0x280;
	[sflag:s15] =	ssyncset.done @!p0 $0x0  }
0xa1: {  	s17 =	simm.s32 @!p0 $0x18000;
	[sflag:s15] =	ssyncadd.s32 @!p0 $0xFFFFFF80;
	s15 =	simm.s32 @!p0 $0x13F00  }
0xa2: {  	[spmem:s2] =	stream.indirect.scatter.add.f32 @!p0 [tilespmem:s17], [sflag:$0x7], $0x80, s15, s12, $0xb8;
	[tilespmem:$0x1C000] =	vst v63  }
.Ltmp6:
0xa3: {  	s21 =	sor.u32 s20, s21;
	s12 =	simm.s32 @!p0 $0x6;
	(pc) =	sbr.rel @!p1 .LBB2_5-.Ltmp6, $4  }
0xa4: {  	s17 =	sor.u32 $0x80, s21;
	_ =	swait.ge @!p0 [sflag:s12], $0x2000  }
0xa5: {  	s15 =	sshrl.u32 s17, $0x3;
	[sflag:s12] =	ssyncset.done @!p0 $0x0  }
0xa6: {  	s19 =	sadd.s32 s5, s15;
	[sflag:s12] =	ssyncadd.s32 @!p0 $0xFFFFE000  }
0xa7: {  	[tilespmem:s8], [sflag:$0xE] =	stream.linear.gather [hbm4b:s19+s3], $0x80, $0x38;
	[tilespmem:$0x1C000] =	vst v63  }
0xa8: {  	_ =	swait.ge [sflag:s11], $0x80  }
0xa9: {  	[sflag:s11] =	ssyncset.done $0x0  }
0xaa: {  	s12 =	simm.s32 $0x13C80;
	[sflag:s11] =	ssyncadd.s32 $0xFFFFFF80  }
0xab: {  	[tilespmem:s10], [sflag:$0x2] =	stream.indirect.gather [hbm4b:s4+s24], $0x80, s12, s24, $0xb8;
	[tilespmem:$0x1C000] =	vst v63  }
0xac: {  	s21 =	sor.u32 $0x180, s21;
	_ =	swait.ge [sflag:s29], $0x2000  }
0xad: {  	s15 =	simm.s32 $0x13D80;
	s12 =	sshrl.u32 s21, $0x3;
	[sflag:s29] =	ssyncset.done $0x0  }
0xae: {  	p2 =	por $0x0, $0x0;
	s12 =	sadd.s32 s7, s12;
	[sflag:s29] =	ssyncadd.s32 $0xFFFFE000  }
0xaf: {  	[tilespmem:s15], [sflag:$0xC] =	stream.linear.gather [hbm4b:s12+s3], $0x80, $0x38;
	[tilespmem:$0x1C000] =	vst v63  }
.LBB2_7:
0xb0: {  	_ =	swait.ge [sflag:s30], $0x80  }
0xb1: {  	[sflag:s30] =	ssyncset.done $0x0  }
.Ltmp7:
0xb2: {  	[sflag:s30] =	ssyncadd.s32 $0xFFFFFF80;
	(pc) =	sbr.rel @p2 .LBB2_10-.Ltmp7, $4  }
0xb3: {  	[spmem:s2] =	stream.indirect.scatter.add.f32 [tilespmem:s0], [sflag:$0x8], $0x80, s31, s24, $0xb8;
	[tilespmem:$0x1C000] =	vst v63  }
0xb4: {  	_ =	swait.ge [sflag:s1], $0x2000  }
0xb5: {  	[sflag:s1] =	ssyncset.done $0x0  }
0xb6: {  	s21 =	sadd.s32 $0xFFFFFFFF, s14;
	p1 =	por $0x1, $0x1;
	[sflag:s1] =	ssyncadd.s32 $0xFFFFE000  }
.Ltmp8:
0xb7: {  	(pc) =	sbr.rel .LBB2_9-.Ltmp8, $4  }
0xb8: {  	_ = 	snop  }
0xb9: {  	s12 =	sadd.s32 $0xFFFFFD80, s13  }
0xba: {  	s12 =	sand.u32 $0x7C00, s12  }
0xbb: {  	s20 =	sadd.s32 s6, s12  }
.LBB2_12:
0xbc: {  	_ =	sfence.sel $0x180000  }
0xbd: {  	[bflag:$0x0] =	sbarrier.arrive $0xFFFF  }
0xbe: {  	_ =	strace $0x9000004D  }
0xbf: {  	s0 =	stileid.u32;
	[bflag:$0x2] =	sbarrier.arrive $0xFFFF  }
0xc0: {  	p0 =	sne.s32 s0, $0x0;
	s0 =	rddreg [dreg:$0x2]  }
0xc1: {  	s0 =	sadd.s32 @!p0 $0x100000, s0  }
0xc2: {  	[sflag:s0] =	ssyncadd.tile.s32 @!p0 $0x1;
	_ =	shalt  }
.Lfunc_end2:
_tile_overlayer_lowered:
.L_overlay_start_2:
0xc3: {  	(tag) =	ssettag $0x2  }
0xc4: {  	s0 =	rddreg [dreg:$0x0];
	s2 =	stileid.u32  }
0xc5: {  	s1 =	rddreg [dreg:$0x1];
	p0 =	sne.s32 s2, $0x0  }
0xc6: {  	s3 =	rddreg [dreg:$0x2];
	[bflag:$0x3] =	sbarrier.arrive $0xFFFF;
	s2 =	simm.s32 @!p0 $0x1C11  }
0xc7: {  	[timem:s3], [sflag:s2] =	dma.local @!p0 [hbm:s0], s1  }
0xc8: {  	s0 =	simm.s32 @!p0 $0x11  }
0xc9: {  	_ =	swait.ge @!p0 [sflag:s0], s1  }
0xca: {  	s1 =	ssub.s32 @!p0 $0x0, s1;
	[sflag:s0] =	ssyncset.done @!p0 $0x0  }
0xcb: {  	[sflag:s0] =	ssyncadd.s32 @!p0 s1  }
0xcc: {  	[bflag:$0x3] =	sbarrier.arrive $0xFFFF  }
0xcd: {  	_ =	shalt  }

// kernel: kernel.18.cloned.1.call-start
scs
__scs_entry_jumppad:
0x0: {  	(pc) =	sbr.rel $0x88, $3  }
0x1: {  	(tag) =	ssettag $0x0;
	lr =	simm.s32 $0x1  }
0x2: {  	[smem:$0x3F98] =	sst lr;
	_ =	strace $0xD0000000  }
0x3: {  	_ = 	snop  }
0x4: {  	_ = 	snop  }
0x5: {  	_ = 	snop  }
0x6: {  	_ = 	snop  }
0x7: {  	_ = 	snop  }
__scs_overlays_trampoline_lowered:
0x8: {  	[smem:$0x3FA7] =	sst s0  }
0x9: {  	[smem:$0x3FA8] =	sst s1  }
0xa: {  	[smem:$0x3FA9] =	sst s2  }
0xb: {  	[smem:$0x3FAA] =	sst s3  }
0xc: {  	[smem:$0x3FAB] =	sst s4  }
0xd: {  	[smem:$0x3FAC] =	sst s5  }
0xe: {  	[smem:$0x3FAD] =	sst s6  }
0xf: {  	[smem:$0x3FAE] =	sst s7  }
0x10: {  	[smem:$0x3FAF] =	sst s8  }
0x11: {  	[smem:$0x3FB0] =	sst s9;
	s0 =	simm.s32 @!p0 $0x0  }
0x12: {  	s1 =	sld [smem:$0x3F96];
	s0 =	simm.s32 @p0 $0x1  }
0x13: {  	[smem:$0x3FB1] =	sst s0;
	s0 =	simm.s32 @!p1 $0x0  }
0x14: {  	s2 =	sld [smem:$0x3F95];
	s0 =	simm.s32 @p1 $0x1  }
0x15: {  	[smem:$0x3FB2] =	sst s0;
	s0 =	simm.s32 @!p2 $0x0  }
0x16: {  	s3 =	sld [smem:$0x3FDB];
	s0 =	simm.s32 @p2 $0x1  }
0x17: {  	s4 =	simm.s32 $0x1BF5;
	[smem:$0x3FB4] =	sst s0  }
0x18: {  	s0 =	sld [smem:$0x3F97];
	_ =	swait.ge [sflag:s4], $0x0  }
0x19: {  	s7 =	sld [smem:$0x3F98]  }
0x1a: {  	s8 =	sadd.s32 $0xFFFFE003, lr  }
0x1b: {  	s9 =	sadd.s32 $0xFFFFFEF7, lr;
	s5 =	simm.s32 $0xFFFFFFFF;
	p2 =	slt.u32 s8, $0xFFFFF086  }
0x1c: {  	p1 =	slt.u32 s9, $0xF7A;
	s5 =	simm.s32 @!p2 $0x0  }
0x1d: {  	s5 =	simm.s32 @p1 $0x1;
	p0 =	seq.s32 s7, s2  }
0x1e: {  	s7 =	smul.u32 @!p0 $0xF7A, s2;
	p2 =	seq.s32 @!p0 s5, $0x0  }
0x1f: {  	s9 =	smul.u32 $0xF7A, s1;
	s8 =	simm.s32 @!p0 $0x1BF5;
	p2 =	por !p2, p0  }
0x20: {  	[sflag:s8] =	ssyncset.s32 @!p0 $0xFFFFF086;
	s6 =	sadd.s32 @!p0 s3, s7;
	s7 =	simm.s32 @!p0 $0x108  }
0x21: {  	s3 =	sadd.s32 s3, s9;
	s6 =	sadd.s32 @!p0 $0x88, s6;
	s7 =	simm.s32 @p2 $0x1082  }
0x22: {  	[simem:s7], [sflag:s8] =	dma.local @!p0 [hbm:s6], $0xF7A  }
0x23: {  	s9 =	sor.u32 $0xD0000000, s2;
	s6 =	simm.s32 $0x108;
	_ =	swait.ge @!p0 [sflag:s8], $0x0  }
0x24: {  	s3 =	sadd.s32 $0x88, s3;
	s6 =	simm.s32 @!p1 $0x1082;
	[sflag:s4] =	ssyncset.s32 $0xFFFFF086  }
0x25: {  	[simem:s6], [sflag:s4] =	dma.local [hbm:s3], $0xF7A  }
0x26: {  	[smem:$0x3F98] =	sst s1;
	(tag) =	ssettag s2;
	_ =	strace s9  }
0x27: {  	s1 =	sld [smem:$0x3FA8]  }
0x28: {  	s2 =	sld [smem:$0x3FA9]  }
0x29: {  	s4 =	sld [smem:$0x3FAB]  }
0x2a: {  	p0 =	seq.s32 s5, $0x0;
	s5 =	sld [smem:$0x3FAC]  }
0x2b: {  	s6 =	sld [smem:$0x3FAD]  }
0x2c: {  	s7 =	sld [smem:$0x3FAE]  }
0x2d: {  	s3 =	simm.s32 $0x108;
	s8 =	sld [smem:$0x3FAF]  }
0x2e: {  	s3 =	simm.s32 @!p0 $0x1082;
	s9 =	sld [smem:$0x3FB0]  }
0x2f: {  	lr =	sadd.s32 s0, s3;
	s0 =	sld [smem:$0x3FA7]  }
0x30: {  	s3 =	sld [smem:$0x3FAA]  }
0x31: {  	[smem:$0x3FB3] =	sst s10  }
0x32: {  	s10 =	sld [smem:$0x3FB1];
	_ =	sdelay $0x3  }
0x33: {  	p0 =	seq.s32 s10, $0x1;
	s10 =	sld [smem:$0x3FB3];
	_ =	sdelay $0x3  }
0x34: {  	[smem:$0x3FB3] =	sst s10  }
0x35: {  	s10 =	sld [smem:$0x3FB2];
	_ =	sdelay $0x3  }
0x36: {  	p1 =	seq.s32 s10, $0x1;
	s10 =	sld [smem:$0x3FB3];
	_ =	sdelay $0x3  }
0x37: {  	[smem:$0x3FB3] =	sst s10  }
0x38: {  	s10 =	sld [smem:$0x3FB4]  }
0x39: {  	_ = 	snop;
	(pc) =	sbr.ind lr, $3  }
0x3a: {  	_ = 	snop  }
0x3b: {  	_ = 	snop  }
0x3c: {  	p2 =	seq.s32 s10, $0x1;
	s10 =	sld [smem:$0x3FB3]  }
0x3d: {  	_ =	shalt  }
0x3e: {  	_ =	shalt  }
0x3f: {  	_ =	shalt  }
0x40: {  	_ =	shalt  }
0x41: {  	_ =	shalt  }
0x42: {  	_ =	shalt  }
0x43: {  	_ =	shalt  }
0x44: {  	_ =	shalt  }
0x45: {  	_ =	shalt  }
0x46: {  	_ =	shalt  }
0x47: {  	_ =	shalt  }
0x48: {  	_ =	shalt  }
0x49: {  	_ =	shalt  }
0x4a: {  	_ =	shalt  }
0x4b: {  	_ =	shalt  }
0x4c: {  	_ =	shalt  }
0x4d: {  	_ =	shalt  }
0x4e: {  	_ =	shalt  }
0x4f: {  	_ =	shalt  }
0x50: {  	_ =	shalt  }
0x51: {  	_ =	shalt  }
0x52: {  	_ =	shalt  }
0x53: {  	_ =	shalt  }
0x54: {  	_ =	shalt  }
0x55: {  	_ =	shalt  }
0x56: {  	_ =	shalt  }
0x57: {  	_ =	shalt  }
0x58: {  	_ =	shalt  }
0x59: {  	_ =	shalt  }
0x5a: {  	_ =	shalt  }
0x5b: {  	_ =	shalt  }
0x5c: {  	_ =	shalt  }
0x5d: {  	_ =	shalt  }
0x5e: {  	_ =	shalt  }
0x5f: {  	_ =	shalt  }
0x60: {  	_ =	shalt  }
0x61: {  	_ =	shalt  }
0x62: {  	_ =	shalt  }
0x63: {  	_ =	shalt  }
0x64: {  	_ =	shalt  }
0x65: {  	_ =	shalt  }
0x66: {  	_ =	shalt  }
0x67: {  	_ =	shalt  }
0x68: {  	_ =	shalt  }
0x69: {  	_ =	shalt  }
0x6a: {  	_ =	shalt  }
0x6b: {  	_ =	shalt  }
0x6c: {  	_ =	shalt  }
0x6d: {  	_ =	shalt  }
0x6e: {  	_ =	shalt  }
0x6f: {  	_ =	shalt  }
0x70: {  	_ =	shalt  }
0x71: {  	_ =	shalt  }
0x72: {  	_ =	shalt  }
0x73: {  	_ =	shalt  }
0x74: {  	_ =	shalt  }
0x75: {  	_ =	shalt  }
0x76: {  	_ =	shalt  }
0x77: {  	_ =	shalt  }
0x78: {  	_ =	shalt  }
0x79: {  	_ =	shalt  }
0x7a: {  	_ =	shalt  }
0x7b: {  	_ =	shalt  }
0x7c: {  	_ =	shalt  }
0x7d: {  	_ =	shalt  }
0x7e: {  	_ =	shalt  }
0x7f: {  	_ =	shalt  }
0x80: {  	_ =	shalt  }
0x81: {  	_ =	shalt  }
0x82: {  	_ =	shalt  }
0x83: {  	_ =	shalt  }
0x84: {  	_ =	shalt  }
0x85: {  	_ =	shalt  }
0x86: {  	_ =	shalt  }
0x87: {  	_ =	shalt  }
.Lfunc_end0:
.L_simem_size_0:
called_computation.3_lowered:
.L_overlay_start_0:
0x88: {  	s2 =	sld [smem:$0x3FD9]  }
0x89: {  	s3 =	sld [smem:$0x3FFE];
	_ =	sdelay $0x1  }
0x8a: {  	s1 =	srdreg.scid  }
0x8b: {  	s0 =	sand.u32 $0x1, s1  }
0x8c: {  	s16 =	sshll.u32 s0, $0xA;
	s2 =	sadd.s32 s3, s2  }
0x8d: {  	s2 =	sadd.s32 s2, s16  }
0x8e: {  	[smem:$0x3FBF] =	sst s2  }
0x8f: {  	_ = 	snop  }
0x90: {  	(tm) =	ssettm $0x1  }
0x91: {  	s17 =	sld [smem:$0x3FFB];
	_ =	sdelay $0x3  }
0x92: {  	_ =	strace s17  }
0x93: {  	s2 =	sld [smem:$0x3FFC];
	_ =	sdelay $0x3  }
0x94: {  	_ =	strace s2  }
0x95: {  	s2 =	sld [smem:$0x3FFD];
	_ =	sdelay $0x3  }
0x96: {  	_ =	strace s2  }
0x97: {  	_ =	strace $0x8FFFFFFF  }
0x98: {  	s18 =	sld [smem:$0x3FDB];
	_ =	sdelay $0x1  }
0x99: {  	s19 =	simm.s32 $_scs_section_size  }
0x9a: {  	s4 =	simm.s32 $_size__tile_overlayer_lowered;
	s5 =	simm.s32 $_tile_overlayer_lowered  }
0x9b: {  	s22 =	simm.s32 $0x1BFF;
	s21 =	sshll.u32 s5, $0x1;
	s2 =	sadd.s32 s19, s18  }
0x9c: {  	s6 =	simm.s32 $0x0;
	s20 =	sshll.u32 s4, $0x1;
	s4 =	sadd.s32 s21, s2  }
0x9d: {  	[timem:s6], [sflag:s22] =	dma.local [hbm:s4], s20  }
0x9e: {  	_ =	swait.ge [sflag:s22], s20  }
0x9f: {  	s3 =	ssub.s32 $0x0, s20;
	[sflag:s22] =	ssyncset.done $0x0  }
0xa0: {  	[sflag:s22] =	ssyncadd.s32 s3;
	_ =	sdelay $0x1  }
0xa1: {  	s23 =	simm.s32 $0x1B8B  }
0xa2: {  	_ =	swait.ge [sflag:s23], $0x1  }
0xa3: {  	[sflag:s23] =	ssyncset.done $0x0  }
0xa4: {  	s25 =	simm.s32 $0x1B8E;
	s24 =	sld [smem:$0x3FFE];
	[sflag:s23] =	ssyncadd.s32 $0xFFFFFFFF  }
0xa5: {  	s26 =	simm.s32 $execute0_lowered;
	[smem:$0x3FD2] =	sst s25  }
0xa6: {  	s4 =	sshll.u32 s26, $0x1;
	_ =	strace $0x8000004F;
	[dreg:$0x1] =	wrdreg $0xFFFFFFFF  }
0xa7: {  	s28 =	simm.s32 $_size_execute0_lowered;
	s2 =	sadd.s32 s2, s4;
	[dreg:$0x0] =	wrdreg $0x0  }
0xa8: {  	s4 =	sshll.u32 s28, $0x1;
	[dreg:$0x2] =	wrdreg s2  }
0xa9: {  	[dreg:$0x3] =	wrdreg s4  }
0xaa: {  	[dreg:$0x4] =	wrdreg $0xC0  }
0xab: {  	_ =	task [dreg:s6], $0x5FFFF  }
0xac: {  	[dreg:$0x1] =	wrdreg $0xFFFFFFFF  }
0xad: {  	[dreg:$0x0] =	wrdreg $0x60  }
0xae: {  	[dreg:$0x2] =	wrdreg s24  }
0xaf: {  	[dreg:$0x3] =	wrdreg $0x0  }
0xb0: {  	[dreg:$0x4] =	wrdreg $0x9  }
0xb1: {  	_ =	task.clear_ibuf [dreg:s6], $0x5FFFF;
	_ =	strace $0x9000004F  }
0xb2: {  	s29 =	simm.s32 $0x9;
	_ =	strace $0x80000051  }
0xb3: {  	_ =	swait.ge [sflag:s29], $0x1  }
0xb4: {  	[sflag:s29] =	ssyncadd.s32 $0xFFFFFFFF  }
0xb5: {  	_ =	strace $0x90000051  }
0xb6: {  	_ =	sfence  }
0xb7: {  	s30 =	sld [smem:$0x0];
	_ =	sdelay $0x2  }
0xb8: {  	s31 =	sshll.u32 s1, $0xD;
	s1 =	sshrl.u32 s1, $0x2  }
0xb9: {  	s3 =	sand.u32 $0x4000, s31;
	s1 =	sadd.s32 s1, s30  }
0xba: {  	s0 =	sor.u32 s3, s0;
	s1 =	sshll.u32 s1, $0x11  }
0xbb: {  	s0 =	sor.u32 s1, s0  }
0xbc: {  	s0 =	sadd.s32 $0x8F2B, s0  }
0xbd: {  	[sflag:s0] =	ssyncadd.remote.s32 $0x1  }
0xbe: {  	_ =	sfence.sel $0xFFFF  }
0xbf: {  	[dreg:$0x0] =	wrdreg $0xFFFFFFFF;
	(pc) =	sbr.abs _section_cstart, $3  }
0xc0: {  	[dreg:$0x1] =	wrdreg $0xFFFFFFFF  }
0xc1: {  	_ =	task.clear_ibuf [dreg:s6], $0x2FFFF;
	_ =	strace $0x9FFFFFFF  }
0xc2: {  	(tm) =	ssettm $0x7FFFFFFF  }
0xc3: {  	_ =	shalt  }
tec
execute0_lowered:
.L_overlay_start_1:
0x0: {  	(tag) =	ssettag $0x1  }
0x1: {  	s0 =	rddreg [dreg:$0x0]  }
0x2: {  	s2 =	rddreg [dreg:$0x1];
	s1 =	srdreg.scid  }
0x3: {  	s3 =	simm.s32 $0x0;
	s11 =	stileid.u32;
	s16 =	simm.s32 $0x11  }
0x4: {  	s28 =	simm.s32 $0x6;
	s29 =	simm.s32 $0x4;
	s30 =	simm.s32 $0x10  }
0x5: {  	s31 =	simm.s32 $0x13F80;
	s1 =	sand.u32 $0x1, s1;
	[smem:$0x7FF] =	sst s3  }
0x6: {  	s4 =	sshll.u32 s11, $0x1;
	s9 =	smul.u32 $0x13C00, s11;
	s5 =	sadd.s32 $0xDA00, s0  }
0x7: {  	s7 =	sadd.s32 $0x21A00, s0;
	s10 =	sadd.s32 $0x35A00, s0;
	s20 =	smul.u32 $0x4F000, s11  }
0x8: {  	s26 =	sshll.u32 s11, $0x6;
	s11 =	simm.s32 $0xA;
	s8 =	smul.u32 $0x13C000, s1  }
0x9: {  	_ =	strace $0x80000050;
	s6 =	sor.u32 s1, s4;
	s4 =	sadd.s32 $0x38200, s0  }
0xa: {  	[dreg:$0x3] =	wrdreg s10;
	s1 =	ssub.s32 $0x2, s1;
	s13 =	sor.u32 $0x1C11, s26  }
0xb: {  	s26 =	simm.s32 $0x18000;
	s10 =	simm.s32 $0x16000;
	s6 =	smul.u32 $0x5000, s6  }
0xc: {  	s19 =	sshrl.u32 s1, $0x1;
	s24 =	sshrl.u32 s20, $0x2;
	s8 =	sadd.s32 s9, s8  }
0xd: {  	[dreg:$0xa] =	wrdreg s13;
	s1 =	ssub.s32 s1, s19;
	s8 =	sshrl.u32 s8, $0x3  }
0xe: {  	s18 =	sshrl.u32 s6, $0x3;
	s25 =	smax.u32 s1, $0x1;
	s1 =	simm.s32 $0x7  }
0xf: {  	s12 =	sadd.s32 s7, s18;
	s0 =	sadd.s32 s8, s0;
	s8 =	sadd.s32 s24, s2  }
0x10: {  	[dreg:$0x9] =	wrdreg s25;
	s18 =	simm.s32 $0x13D00;
	s24 =	simm.s32 $0x40  }
0x11: {  	s25 =	simm.s32 $0x13F00;
	s21 =	sadd.s32 $0x10, s12;
	[dreg:$0x4] =	wrdreg s12  }
.Ltmp0:
0x12: {  	s22 =	sadd.s32 $0x20, s12;
	[dreg:$0x5] =	wrdreg s21;
	(pc) =	sbr.rel .LBB2_1-.Ltmp0, $4  }
0x13: {  	s23 =	sadd.s32 $0x30, s12;
	s0 =	sadd.s32 $0x5F400, s0;
	[dreg:$0x6] =	wrdreg s22  }
0x14: {  	s14 =	sshrl.u32 s8, $0x3;
	s8 =	simm.s32 $0x13E80;
	[dreg:$0x7] =	wrdreg s23  }
0x15: {  	s12 =	simm.s32 $0x0;
	[dreg:$0x8] =	wrdreg s0;
	s22 =	simm.s32 $0x3  }
0x16: {  	s23 =	simm.s32 $0xF;
	s0 =	simm.s32 $0x1A000;
	[dreg:$0xb] =	wrdreg s14  }
.LBB2_11:
0x17: {  	[bflag:$0x0] =	sbarrier.arrive $0xFFFF  }
0x18: {  	s9 =	rddreg [dreg:$0x8]  }
0x19: {  	s13 =	rddreg [dreg:$0xa]  }
0x1a: {  	s14 =	rddreg [dreg:$0xb]  }
0x1b: {  	[hbm:s9], [sflag:s13] =	dma.local [spmem:s14], $0x2780  }
0x1c: {  	_ =	swait.ge [sflag:s16], $0x2780  }
0x1d: {  	s12 =	rddreg [dreg:$0xc]  }
0x1e: {  	s21 =	rddreg [dreg:$0x9];
	s12 =	sadd.s32 $0x1, s12  }
0x1f: {  	p0 =	sne.s32 s12, s21  }
.Ltmp1:
0x20: {  	_ = 	snop;
	(pc) =	sbr.rel @!p0 .LBB2_12-.Ltmp1, $3  }
0x21: {  	_ =	sdelay $0x1  }
0x22: {  	[sflag:s16] =	ssyncset.done $0x0  }
0x23: {  	[sflag:s16] =	ssyncadd.s32 $0xFFFFD880  }
.LBB2_1:
0x24: {  	[dreg:$0xc] =	wrdreg s12  }
0x25: {  	s9 =	rddreg [dreg:$0x4];
	s21 =	simm.s32 $0x13C00  }
0x26: {  	[tilespmem:s21], [sflag:$0x11] =	stream.linear.gather [hbm4b:s9+s3], $0x80, $0x38;
	[tilespmem:$0x1C000] =	vst v63  }
0x27: {  	_ =	swait.ge [sflag:s16], $0x80  }
0x28: {  	[sflag:s16] =	ssyncset.done $0x0  }
0x29: {  	s15 =	simm.s32 $0x13C80;
	s12 =	rddreg [dreg:$0x5];
	[sflag:s16] =	ssyncadd.s32 $0xFFFFFF80  }
0x2a: {  	[tilespmem:s15], [sflag:$0x11] =	stream.linear.gather [hbm4b:s12+s3], $0x80, $0x38;
	[tilespmem:$0x1C000] =	vst v63  }
0x2b: {  	_ =	swait.ge [sflag:s16], $0x80  }
0x2c: {  	[sflag:s16] =	ssyncset.done $0x0  }
0x2d: {  	s17 =	rddreg [dreg:$0x6];
	[sflag:s16] =	ssyncadd.s32 $0xFFFFFF80  }
0x2e: {  	[tilespmem:s18], [sflag:$0x11] =	stream.linear.gather [hbm4b:s17+s3], $0x80, $0x38;
	[tilespmem:$0x1C000] =	vst v63  }
0x2f: {  	_ =	swait.ge [sflag:s16], $0x80  }
0x30: {  	[sflag:s16] =	ssyncset.done $0x0  }
0x31: {  	s20 =	simm.s32 $0x13D80;
	s19 =	rddreg [dreg:$0x7];
	[sflag:s16] =	ssyncadd.s32 $0xFFFFFF80  }
0x32: {  	[tilespmem:s20], [sflag:$0x11] =	stream.linear.gather [hbm4b:s19+s3], $0x80, $0x38;
	[tilespmem:$0x1C000] =	vst v63  }
0x33: {  	_ =	swait.ge [sflag:s16], $0x80  }
0x34: {  	[sflag:s16] =	ssyncset.done $0x0  }
0x35: {  	s21 =	rddreg [dreg:$0x3];
	[sflag:s16] =	ssyncadd.s32 $0xFFFFFF80  }
0x36: {  	[spmem:s14], [sflag:s13] =	dma.local [hbm:s21], $0x2780  }
.Ltmp2:
0x37: {  	_ =	swait.ge [sflag:s16], $0x2780;
	(pc) =	sbr.rel .LBB2_2-.Ltmp2, $4  }
0x38: {  	[sflag:s16] =	ssyncset.done $0x0  }
0x39: {  	[sflag:s16] =	ssyncadd.s32 $0xFFFFD880  }
0x3a: {  	[bflag:$0x0] =	sbarrier.arrive $0xFFFF  }
0x3b: {  	s9 =	simm.s32 $0x0;
	s13 =	simm.s32 $0x280;
	s14 =	simm.s32 $0x3  }
.LBB2_5:
0x3c: {  	s12 =	simm.s32 $0x13C80;
	s21 =	simm.s32 $0x2  }
0x3d: {  	[tilespmem:s10], [sflag:$0x2] =	stream.indirect.gather [hbm4b:s4+s24], $0x80, s12, s24, $0xb8;
	[tilespmem:$0x1C000] =	vst v63  }
.LBB2_9:
0x3e: {  	s12 =	sshll.u32 s21, $0x7  }
0x3f: {  	s12 =	sand.u32 $0x300, s12  }
0x40: {  	s12 =	sor.u32 s20, s12  }
0x41: {  	s12 =	sshrl.u32 s12, $0x3  }
0x42: {  	s12 =	sadd.s32 s5, s12  }
0x43: {  	[tilespmem:s25], [sflag:$0xF] =	stream.linear.gather [hbm4b:s12+s3], $0x80, $0x38;
	[tilespmem:$0x1C000] =	vst v63  }
0x44: {  	s12 =	simm.s32 @!p0 $0xB  }
0x45: {  	_ =	swait.ge @!p0 [sflag:s12], $0x80  }
0x46: {  	[sflag:s12] =	ssyncset.done @!p0 $0x0  }
0x47: {  	p1 =	por $0x0, $0x0;
	[sflag:s12] =	ssyncadd.s32 @!p0 $0xFFFFFF80  }
0x48: {  	[tilespmem:s26], [sflag:$0x3] =	stream.indirect.gather [hbm4b:s4+s24], $0x80, s18, s24, $0xb8;
	[tilespmem:$0x1C000] =	vst v63  }
.LBB2_10:
0x49: {  	p2 =	sgt.u32 s21, $0xA1  }
0x4a: {  	p3 =	sgt.u32 @!p2 s9, $0x26  }
0x4b: {  	p3 =	por p3, p2  }
0x4c: {  	s12 =	sadd.s32 @!p3 $0xFFFFFF80, s13  }
0x4d: {  	s15 =	simm.s32 @!p2 $0x1;
	s17 =	sand.u32 @!p3 $0xFC00, s12  }
0x4e: {  	_ =	swait.ge @!p2 [sflag:s15], $0x2000;
	s12 =	sand.u32 @!p3 $0x200, s12;
	s17 =	sadd.s32 @!p3 s6, s17  }
0x4f: {  	[sflag:s15] =	ssyncset.done @!p2 $0x0;
	s12 =	sor.u32 @!p3 s12, s17  }
0x50: {  	[sflag:s15] =	ssyncadd.s32 @!p2 $0xFFFFE000;
	s12 =	sshrl.u32 @!p3 s12, $0x3  }
0x51: {  	s15 =	simm.s32 @!p3 $0x0;
	s17 =	simm.s32 @!p3 $0x13C00;
	s12 =	sadd.s32 @!p3 s7, s12  }
0x52: {  	[tilespmem:s17], [sflag:$0x9] =	stream.linear.gather @!p3 [hbm4b:s12+s15], $0x80, $0x38;
	[tilespmem:$0x1C000] =	vst v63  }
0x53: {  	s12 =	simm.s32 @!p2 $0xD  }
0x54: {  	_ =	swait.ge @!p2 [sflag:s12], $0x80  }
0x55: {  	s15 =	simm.s32 @!p2 $0x13E00;
	[sflag:s12] =	ssyncset.done @!p2 $0x0  }
0x56: {  	s17 =	simm.s32 @!p2 $0x14000;
	[sflag:s12] =	ssyncadd.s32 @!p2 $0xFFFFFF80;
	s12 =	simm.s32 @!p2 $0x40  }
0x57: {  	[spmem:s2] =	stream.indirect.scatter.add.f32 @!p2 [tilespmem:s17], [sflag:$0x5], $0x80, s15, s12, $0xb8;
	[tilespmem:$0x1C000] =	vst v63  }
0x58: {  	s12 =	sadd.s32 @!p1 $0xFFFFFD80, s13;
	s15 =	simm.s32 @!p0 $0x8  }
0x59: {  	s17 =	sadd.s32 @!p1 $0xFFFFFF00, s13;
	s12 =	sand.u32 @!p1 $0x7C00, s12;
	_ =	swait.ge @!p0 [sflag:s15], $0x2000  }
0x5a: {  	s17 =	sand.u32 @!p1 $0x380, s17;
	s12 =	sadd.s32 @!p1 s6, s12;
	[sflag:s15] =	ssyncset.done @!p0 $0x0  }
0x5b: {  	s12 =	sor.u32 @!p1 s12, s17;
	[sflag:s15] =	ssyncadd.s32 @!p0 $0xFFFFE000  }
0x5c: {  	p0 =	seq.s32 @!p1 s13, $0x280;
	s15 =	simm.s32 @!p1 $0x0;
	s12 =	sshrl.u32 @!p1 s12, $0x3  }
0x5d: {  	s17 =	simm.s32 @!p1 $0x13F80;
	p0 =	por p0, p1;
	s12 =	sadd.s32 @!p1 s5, s12  }
0x5e: {  	[tilespmem:s17], [sflag:$0x10] =	stream.linear.gather @!p1 [hbm4b:s12+s15], $0x80, $0x38;
	[tilespmem:$0x1C000] =	vst v63  }
0x5f: {  	s12 =	simm.s32 @!p0 $0xC  }
0x60: {  	_ =	swait.ge @!p0 [sflag:s12], $0x80  }
0x61: {  	s15 =	simm.s32 @!p1 $0x13D80;
	s17 =	simm.s32 @!p1 $0x1A000;
	[sflag:s12] =	ssyncset.done @!p0 $0x0  }
0x62: {  	[sflag:s12] =	ssyncadd.s32 @!p0 $0xFFFFFF80;
	s12 =	simm.s32 @!p1 $0x40;
	p0 =	sgt.u32 s14, $0xA1  }
0x63: {  	[tilespmem:s17], [sflag:$0x4] =	stream.indirect.gather @!p1 [hbm4b:s4+s12], $0x80, s15, s12, $0xb8;
	[tilespmem:$0x1C000] =	vst v63  }
0x64: {  	p1 =	sgt.u32 @!p0 s9, $0x26  }
0x65: {  	p1 =	por p1, p0  }
0x66: {  	s12 =	simm.s32 @!p0 $0x2;
	s15 =	sand.u32 @!p1 $0xFC00, s13  }
0x67: {  	_ =	swait.ge @!p0 [sflag:s12], $0x2000;
	s17 =	sand.u32 @!p1 $0x280, s13;
	s15 =	sadd.s32 @!p1 s6, s15  }
0x68: {  	[sflag:s12] =	ssyncset.done @!p0 $0x0;
	s15 =	sor.u32 @!p1 s17, s15  }
0x69: {  	[sflag:s12] =	ssyncadd.s32 @!p0 $0xFFFFE000;
	s12 =	sshrl.u32 @!p1 s15, $0x3  }
0x6a: {  	s17 =	simm.s32 @!p1 $0x13C80;
	s15 =	simm.s32 @!p1 $0x0;
	s12 =	sadd.s32 @!p1 s7, s12  }
0x6b: {  	[tilespmem:s17], [sflag:$0xA] =	stream.linear.gather @!p1 [hbm4b:s12+s15], $0x80, $0x38;
	[tilespmem:$0x1C000] =	vst v63  }
0x6c: {  	s12 =	simm.s32 @!p0 $0xE  }
0x6d: {  	_ =	swait.ge @!p0 [sflag:s12], $0x80  }
0x6e: {  	s13 =	sadd.s32 $0x200, s13;
	s15 =	simm.s32 @!p0 $0x13E80;
	[sflag:s12] =	ssyncset.done @!p0 $0x0  }
0x6f: {  	s17 =	simm.s32 @!p0 $0x16000;
	[sflag:s12] =	ssyncadd.s32 @!p0 $0xFFFFFF80;
	s12 =	simm.s32 @!p0 $0x40  }
0x70: {  	[spmem:s2] =	stream.indirect.scatter.add.f32 @!p0 [tilespmem:s17], [sflag:$0x6], $0x80, s15, s12, $0xb8;
	[tilespmem:$0x1C000] =	vst v63  }
0x71: {  	p0 =	sne.s32 s13, $0x5480  }
.Ltmp3:
0x72: {  	_ = 	snop;
	(pc) =	sbr.rel @!p0 .LBB2_11-.Ltmp3, $2  }
0x73: {  	_ =	sdelay $0x2  }
0x74: {  	s14 =	sadd.s32 $0x4, s14;
	s9 =	sadd.s32 $0x1, s9  }
.LBB2_2:
0x75: {  	p0 =	seq.s32 s13, $0x280  }
0x76: {  	p1 =	sne.s32 @!p0 s13, $0x5280  }
0x77: {  	p1 =	por p0, p1  }
.Ltmp4:
0x78: {  	_ = 	snop;
	(pc) =	sbr.rel @p1 .LBB2_4-.Ltmp4, $4  }
0x79: {  	s20 =	simm.s32 @!p0 $0x5  }
0x7a: {  	_ =	swait.ge @!p0 [sflag:s20], $0x2000  }
0x7b: {  	[sflag:s20] =	ssyncset.done @!p0 $0x0  }
0x7c: {  	[sflag:s20] =	ssyncadd.s32 @!p0 $0xFFFFE000  }
0x7d: {  	_ =	swait.ge [sflag:s22], $0x2000  }
0x7e: {  	[sflag:s22] =	ssyncset.done $0x0  }
0x7f: {  	[sflag:s22] =	ssyncadd.s32 $0xFFFFE000  }
0x80: {  	_ =	swait.ge [sflag:s23], $0x80  }
0x81: {  	[sflag:s23] =	ssyncset.done $0x0  }
0x82: {  	[sflag:s23] =	ssyncadd.s32 $0xFFFFFF80  }
0x83: {  	[spmem:s2] =	stream.indirect.scatter.add.f32 [tilespmem:s26], [sflag:$0x7], $0x80, s25, s24, $0xb8;
	[tilespmem:$0x1C000] =	vst v63  }
0x84: {  	_ =	swait.ge [sflag:s28], $0x2000  }
.Ltmp5:
0x85: {  	[sflag:s28] =	ssyncset.done $0x0;
	(pc) =	sbr.rel .LBB2_7-.Ltmp5, $4  }
0x86: {  	[sflag:s28] =	ssyncadd.s32 $0xFFFFE000  }
0x87: {  	_ =	swait.ge [sflag:s29], $0x2000  }
0x88: {  	[sflag:s29] =	ssyncset.done $0x0  }
0x89: {  	p2 =	por $0x1, $0x1;
	[sflag:s29] =	ssyncadd.s32 $0xFFFFE000  }
.LBB2_4:
0x8a: {  	s21 =	sadd.s32 $0xFFFFFD80, s13  }
0x8b: {  	s20 =	sand.u32 $0x7C00, s21  }
0x8c: {  	s21 =	sand.u32 $0x200, s21;
	s20 =	sadd.s32 s6, s20  }
0x8d: {  	s19 =	sor.u32 s21, s20  }
0x8e: {  	s19 =	sshrl.u32 s19, $0x3  }
0x8f: {  	s12 =	simm.s32 $0x13E00;
	s19 =	sadd.s32 s5, s19  }
0x90: {  	[tilespmem:s12], [sflag:$0xD] =	stream.linear.gather [hbm4b:s19+s3], $0x80, $0x38;
	[tilespmem:$0x1C000] =	vst v63  }
0x91: {  	s17 =	simm.s32 @p0 $0x14000;
	s19 =	simm.s32 @p0 $0x40;
	s12 =	simm.s32 @p0 $0x13C00  }
0x92: {  	[tilespmem:s17], [sflag:$0x1] =	stream.indirect.gather @p0 [hbm4b:s4+s19], $0x80, s12, s19, $0xb8;
	[tilespmem:$0x1C000] =	vst v63  }
0x93: {  	s12 =	simm.s32 @!p0 $0x9  }
0x94: {  	_ =	swait.ge @!p0 [sflag:s12], $0x80  }
0x95: {  	s17 =	simm.s32 @!p0 $0x13C00;
	[sflag:s12] =	ssyncset.done @!p0 $0x0  }
0x96: {  	s19 =	simm.s32 @!p0 $0x14000;
	[sflag:s12] =	ssyncadd.s32 @!p0 $0xFFFFFF80;
	s12 =	simm.s32 @!p0 $0x40  }
0x97: {  	[tilespmem:s19], [sflag:$0x1] =	stream.indirect.gather @!p0 [hbm4b:s4+s12], $0x80, s17, s12, $0xb8;
	[tilespmem:$0x1C000] =	vst v63  }
0x98: {  	s17 =	simm.s32 @!p0 $0x3  }
0x99: {  	s19 =	sor.u32 @!p0 s20, s21;
	_ =	swait.ge @!p0 [sflag:s17], $0x2000  }
0x9a: {  	s19 =	sor.u32 @!p0 $0x100, s19;
	[sflag:s17] =	ssyncset.done @!p0 $0x0  }
0x9b: {  	[sflag:s17] =	ssyncadd.s32 @!p0 $0xFFFFE000;
	s17 =	sshrl.u32 @!p0 s19, $0x3  }
0x9c: {  	s15 =	simm.s32 @!p0 $0x13D00;
	s19 =	simm.s32 @!p0 $0x0;
	s17 =	sadd.s32 @!p0 s7, s17  }
0x9d: {  	[tilespmem:s15], [sflag:$0xB] =	stream.linear.gather @!p0 [hbm4b:s17+s19], $0x80, $0x38;
	[tilespmem:$0x1C000] =	vst v63  }
0x9e: {  	s15 =	simm.s32 @!p0 $0xF  }
0x9f: {  	_ =	swait.ge @!p0 [sflag:s15], $0x80  }
0xa0: {  	p1 =	sne.s32 s13, $0x280;
	[sflag:s15] =	ssyncset.done @!p0 $0x0  }
0xa1: {  	s17 =	simm.s32 @!p0 $0x18000;
	[sflag:s15] =	ssyncadd.s32 @!p0 $0xFFFFFF80;
	s15 =	simm.s32 @!p0 $0x13F00  }
0xa2: {  	[spmem:s2] =	stream.indirect.scatter.add.f32 @!p0 [tilespmem:s17], [sflag:$0x7], $0x80, s15, s12, $0xb8;
	[tilespmem:$0x1C000] =	vst v63  }
.Ltmp6:
0xa3: {  	s21 =	sor.u32 s20, s21;
	s12 =	simm.s32 @!p0 $0x6;
	(pc) =	sbr.rel @!p1 .LBB2_5-.Ltmp6, $4  }
0xa4: {  	s17 =	sor.u32 $0x80, s21;
	_ =	swait.ge @!p0 [sflag:s12], $0x2000  }
0xa5: {  	s15 =	sshrl.u32 s17, $0x3;
	[sflag:s12] =	ssyncset.done @!p0 $0x0  }
0xa6: {  	s19 =	sadd.s32 s5, s15;
	[sflag:s12] =	ssyncadd.s32 @!p0 $0xFFFFE000  }
0xa7: {  	[tilespmem:s8], [sflag:$0xE] =	stream.linear.gather [hbm4b:s19+s3], $0x80, $0x38;
	[tilespmem:$0x1C000] =	vst v63  }
0xa8: {  	_ =	swait.ge [sflag:s11], $0x80  }
0xa9: {  	[sflag:s11] =	ssyncset.done $0x0  }
0xaa: {  	s12 =	simm.s32 $0x13C80;
	[sflag:s11] =	ssyncadd.s32 $0xFFFFFF80  }
0xab: {  	[tilespmem:s10], [sflag:$0x2] =	stream.indirect.gather [hbm4b:s4+s24], $0x80, s12, s24, $0xb8;
	[tilespmem:$0x1C000] =	vst v63  }
0xac: {  	s21 =	sor.u32 $0x180, s21;
	_ =	swait.ge [sflag:s29], $0x2000  }
0xad: {  	s15 =	simm.s32 $0x13D80;
	s12 =	sshrl.u32 s21, $0x3;
	[sflag:s29] =	ssyncset.done $0x0  }
0xae: {  	p2 =	por $0x0, $0x0;
	s12 =	sadd.s32 s7, s12;
	[sflag:s29] =	ssyncadd.s32 $0xFFFFE000  }
0xaf: {  	[tilespmem:s15], [sflag:$0xC] =	stream.linear.gather [hbm4b:s12+s3], $0x80, $0x38;
	[tilespmem:$0x1C000] =	vst v63  }
.LBB2_7:
0xb0: {  	_ =	swait.ge [sflag:s30], $0x80  }
0xb1: {  	[sflag:s30] =	ssyncset.done $0x0  }
.Ltmp7:
0xb2: {  	[sflag:s30] =	ssyncadd.s32 $0xFFFFFF80;
	(pc) =	sbr.rel @p2 .LBB2_10-.Ltmp7, $4  }
0xb3: {  	[spmem:s2] =	stream.indirect.scatter.add.f32 [tilespmem:s0], [sflag:$0x8], $0x80, s31, s24, $0xb8;
	[tilespmem:$0x1C000] =	vst v63  }
0xb4: {  	_ =	swait.ge [sflag:s1], $0x2000  }
0xb5: {  	[sflag:s1] =	ssyncset.done $0x0  }
0xb6: {  	s21 =	sadd.s32 $0xFFFFFFFF, s14;
	p1 =	por $0x1, $0x1;
	[sflag:s1] =	ssyncadd.s32 $0xFFFFE000  }
.Ltmp8:
0xb7: {  	(pc) =	sbr.rel .LBB2_9-.Ltmp8, $4  }
0xb8: {  	_ = 	snop  }
0xb9: {  	s12 =	sadd.s32 $0xFFFFFD80, s13  }
0xba: {  	s12 =	sand.u32 $0x7C00, s12  }
0xbb: {  	s20 =	sadd.s32 s6, s12  }
.LBB2_12:
0xbc: {  	_ =	sfence.sel $0x180000  }
0xbd: {  	[bflag:$0x0] =	sbarrier.arrive $0xFFFF  }
0xbe: {  	_ =	strace $0x90000050  }
0xbf: {  	s0 =	stileid.u32;
	[bflag:$0x2] =	sbarrier.arrive $0xFFFF  }
0xc0: {  	p0 =	sne.s32 s0, $0x0;
	s0 =	rddreg [dreg:$0x2]  }
0xc1: {  	s0 =	sadd.s32 @!p0 $0x100000, s0  }
0xc2: {  	[sflag:s0] =	ssyncadd.tile.s32 @!p0 $0x1;
	_ =	shalt  }
.Lfunc_end2:
_tile_overlayer_lowered:
.L_overlay_start_2:
0xc3: {  	(tag) =	ssettag $0x2  }
0xc4: {  	s0 =	rddreg [dreg:$0x0];
	s2 =	stileid.u32  }
0xc5: {  	s1 =	rddreg [dreg:$0x1];
	p0 =	sne.s32 s2, $0x0  }
0xc6: {  	s3 =	rddreg [dreg:$0x2];
	[bflag:$0x3] =	sbarrier.arrive $0xFFFF;
	s2 =	simm.s32 @!p0 $0x1C11  }
0xc7: {  	[timem:s3], [sflag:s2] =	dma.local @!p0 [hbm:s0], s1  }
0xc8: {  	s0 =	simm.s32 @!p0 $0x11  }
0xc9: {  	_ =	swait.ge @!p0 [sflag:s0], s1  }
0xca: {  	s1 =	ssub.s32 @!p0 $0x0, s1;
	[sflag:s0] =	ssyncset.done @!p0 $0x0  }
0xcb: {  	[sflag:s0] =	ssyncadd.s32 @!p0 s1  }
0xcc: {  	[bflag:$0x3] =	sbarrier.arrive $0xFFFF  }
0xcd: {  	_ =	shalt  }

// kernel: kernel.9.cloned.1.call-start
scs
__scs_entry_jumppad:
0x0: {  	(pc) =	sbr.rel $0x88, $3  }
0x1: {  	(tag) =	ssettag $0x0;
	lr =	simm.s32 $0x1  }
0x2: {  	[smem:$0x3F98] =	sst lr;
	_ =	strace $0xD0000000  }
0x3: {  	_ = 	snop  }
0x4: {  	_ = 	snop  }
0x5: {  	_ = 	snop  }
0x6: {  	_ = 	snop  }
0x7: {  	_ = 	snop  }
__scs_overlays_trampoline_lowered:
0x8: {  	[smem:$0x3FA7] =	sst s0  }
0x9: {  	[smem:$0x3FA8] =	sst s1  }
0xa: {  	[smem:$0x3FA9] =	sst s2  }
0xb: {  	[smem:$0x3FAA] =	sst s3  }
0xc: {  	[smem:$0x3FAB] =	sst s4  }
0xd: {  	[smem:$0x3FAC] =	sst s5  }
0xe: {  	[smem:$0x3FAD] =	sst s6  }
0xf: {  	[smem:$0x3FAE] =	sst s7  }
0x10: {  	[smem:$0x3FAF] =	sst s8  }
0x11: {  	[smem:$0x3FB0] =	sst s9;
	s0 =	simm.s32 @!p0 $0x0  }
0x12: {  	s1 =	sld [smem:$0x3F96];
	s0 =	simm.s32 @p0 $0x1  }
0x13: {  	[smem:$0x3FB1] =	sst s0;
	s0 =	simm.s32 @!p1 $0x0  }
0x14: {  	s2 =	sld [smem:$0x3F95];
	s0 =	simm.s32 @p1 $0x1  }
0x15: {  	[smem:$0x3FB2] =	sst s0;
	s0 =	simm.s32 @!p2 $0x0  }
0x16: {  	s3 =	sld [smem:$0x3FDB];
	s0 =	simm.s32 @p2 $0x1  }
0x17: {  	s4 =	simm.s32 $0x1BF5;
	[smem:$0x3FB4] =	sst s0  }
0x18: {  	s0 =	sld [smem:$0x3F97];
	_ =	swait.ge [sflag:s4], $0x0  }
0x19: {  	s7 =	sld [smem:$0x3F98]  }
0x1a: {  	s8 =	sadd.s32 $0xFFFFE003, lr  }
0x1b: {  	s9 =	sadd.s32 $0xFFFFFEF7, lr;
	s5 =	simm.s32 $0xFFFFFFFF;
	p2 =	slt.u32 s8, $0xFFFFF086  }
0x1c: {  	p1 =	slt.u32 s9, $0xF7A;
	s5 =	simm.s32 @!p2 $0x0  }
0x1d: {  	s5 =	simm.s32 @p1 $0x1;
	p0 =	seq.s32 s7, s2  }
0x1e: {  	s7 =	smul.u32 @!p0 $0xF7A, s2;
	p2 =	seq.s32 @!p0 s5, $0x0  }
0x1f: {  	s9 =	smul.u32 $0xF7A, s1;
	s8 =	simm.s32 @!p0 $0x1BF5;
	p2 =	por !p2, p0  }
0x20: {  	[sflag:s8] =	ssyncset.s32 @!p0 $0xFFFFF086;
	s6 =	sadd.s32 @!p0 s3, s7;
	s7 =	simm.s32 @!p0 $0x108  }
0x21: {  	s3 =	sadd.s32 s3, s9;
	s6 =	sadd.s32 @!p0 $0x88, s6;
	s7 =	simm.s32 @p2 $0x1082  }
0x22: {  	[simem:s7], [sflag:s8] =	dma.local @!p0 [hbm:s6], $0xF7A  }
0x23: {  	s9 =	sor.u32 $0xD0000000, s2;
	s6 =	simm.s32 $0x108;
	_ =	swait.ge @!p0 [sflag:s8], $0x0  }
0x24: {  	s3 =	sadd.s32 $0x88, s3;
	s6 =	simm.s32 @!p1 $0x1082;
	[sflag:s4] =	ssyncset.s32 $0xFFFFF086  }
0x25: {  	[simem:s6], [sflag:s4] =	dma.local [hbm:s3], $0xF7A  }
0x26: {  	[smem:$0x3F98] =	sst s1;
	(tag) =	ssettag s2;
	_ =	strace s9  }
0x27: {  	s1 =	sld [smem:$0x3FA8]  }
0x28: {  	s2 =	sld [smem:$0x3FA9]  }
0x29: {  	s4 =	sld [smem:$0x3FAB]  }
0x2a: {  	p0 =	seq.s32 s5, $0x0;
	s5 =	sld [smem:$0x3FAC]  }
0x2b: {  	s6 =	sld [smem:$0x3FAD]  }
0x2c: {  	s7 =	sld [smem:$0x3FAE]  }
0x2d: {  	s3 =	simm.s32 $0x108;
	s8 =	sld [smem:$0x3FAF]  }
0x2e: {  	s3 =	simm.s32 @!p0 $0x1082;
	s9 =	sld [smem:$0x3FB0]  }
0x2f: {  	lr =	sadd.s32 s0, s3;
	s0 =	sld [smem:$0x3FA7]  }
0x30: {  	s3 =	sld [smem:$0x3FAA]  }
0x31: {  	[smem:$0x3FB3] =	sst s10  }
0x32: {  	s10 =	sld [smem:$0x3FB1];
	_ =	sdelay $0x3  }
0x33: {  	p0 =	seq.s32 s10, $0x1;
	s10 =	sld [smem:$0x3FB3];
	_ =	sdelay $0x3  }
0x34: {  	[smem:$0x3FB3] =	sst s10  }
0x35: {  	s10 =	sld [smem:$0x3FB2];
	_ =	sdelay $0x3  }
0x36: {  	p1 =	seq.s32 s10, $0x1;
	s10 =	sld [smem:$0x3FB3];
	_ =	sdelay $0x3  }
0x37: {  	[smem:$0x3FB3] =	sst s10  }
0x38: {  	s10 =	sld [smem:$0x3FB4]  }
0x39: {  	_ = 	snop;
	(pc) =	sbr.ind lr, $3  }
0x3a: {  	_ = 	snop  }
0x3b: {  	_ = 	snop  }
0x3c: {  	p2 =	seq.s32 s10, $0x1;
	s10 =	sld [smem:$0x3FB3]  }
0x3d: {  	_ =	shalt  }
0x3e: {  	_ =	shalt  }
0x3f: {  	_ =	shalt  }
0x40: {  	_ =	shalt  }
0x41: {  	_ =	shalt  }
0x42: {  	_ =	shalt  }
0x43: {  	_ =	shalt  }
0x44: {  	_ =	shalt  }
0x45: {  	_ =	shalt  }
0x46: {  	_ =	shalt  }
0x47: {  	_ =	shalt  }
0x48: {  	_ =	shalt  }
0x49: {  	_ =	shalt  }
0x4a: {  	_ =	shalt  }
0x4b: {  	_ =	shalt  }
0x4c: {  	_ =	shalt  }
0x4d: {  	_ =	shalt  }
0x4e: {  	_ =	shalt  }
0x4f: {  	_ =	shalt  }
0x50: {  	_ =	shalt  }
0x51: {  	_ =	shalt  }
0x52: {  	_ =	shalt  }
0x53: {  	_ =	shalt  }
0x54: {  	_ =	shalt  }
0x55: {  	_ =	shalt  }
0x56: {  	_ =	shalt  }
0x57: {  	_ =	shalt  }
0x58: {  	_ =	shalt  }
0x59: {  	_ =	shalt  }
0x5a: {  	_ =	shalt  }
0x5b: {  	_ =	shalt  }
0x5c: {  	_ =	shalt  }
0x5d: {  	_ =	shalt  }
0x5e: {  	_ =	shalt  }
0x5f: {  	_ =	shalt  }
0x60: {  	_ =	shalt  }
0x61: {  	_ =	shalt  }
0x62: {  	_ =	shalt  }
0x63: {  	_ =	shalt  }
0x64: {  	_ =	shalt  }
0x65: {  	_ =	shalt  }
0x66: {  	_ =	shalt  }
0x67: {  	_ =	shalt  }
0x68: {  	_ =	shalt  }
0x69: {  	_ =	shalt  }
0x6a: {  	_ =	shalt  }
0x6b: {  	_ =	shalt  }
0x6c: {  	_ =	shalt  }
0x6d: {  	_ =	shalt  }
0x6e: {  	_ =	shalt  }
0x6f: {  	_ =	shalt  }
0x70: {  	_ =	shalt  }
0x71: {  	_ =	shalt  }
0x72: {  	_ =	shalt  }
0x73: {  	_ =	shalt  }
0x74: {  	_ =	shalt  }
0x75: {  	_ =	shalt  }
0x76: {  	_ =	shalt  }
0x77: {  	_ =	shalt  }
0x78: {  	_ =	shalt  }
0x79: {  	_ =	shalt  }
0x7a: {  	_ =	shalt  }
0x7b: {  	_ =	shalt  }
0x7c: {  	_ =	shalt  }
0x7d: {  	_ =	shalt  }
0x7e: {  	_ =	shalt  }
0x7f: {  	_ =	shalt  }
0x80: {  	_ =	shalt  }
0x81: {  	_ =	shalt  }
0x82: {  	_ =	shalt  }
0x83: {  	_ =	shalt  }
0x84: {  	_ =	shalt  }
0x85: {  	_ =	shalt  }
0x86: {  	_ =	shalt  }
0x87: {  	_ =	shalt  }
.Lfunc_end0:
.L_simem_size_0:
called_computation_lowered:
.L_overlay_start_0:
0x88: {  	s2 =	sld [smem:$0x3FD9]  }
0x89: {  	s3 =	sld [smem:$0x3FFE];
	_ =	sdelay $0x1  }
0x8a: {  	s1 =	srdreg.scid  }
0x8b: {  	s0 =	sand.u32 $0x1, s1  }
0x8c: {  	s16 =	sshll.u32 s0, $0xA;
	s2 =	sadd.s32 s3, s2  }
0x8d: {  	s2 =	sadd.s32 s2, s16  }
0x8e: {  	[smem:$0x3FBF] =	sst s2  }
0x8f: {  	_ = 	snop  }
0x90: {  	(tm) =	ssettm $0x1  }
0x91: {  	s17 =	sld [smem:$0x3FFB];
	_ =	sdelay $0x3  }
0x92: {  	_ =	strace s17  }
0x93: {  	s2 =	sld [smem:$0x3FFC];
	_ =	sdelay $0x3  }
0x94: {  	_ =	strace s2  }
0x95: {  	s2 =	sld [smem:$0x3FFD];
	_ =	sdelay $0x3  }
0x96: {  	_ =	strace s2  }
0x97: {  	_ =	strace $0x8FFFFFFF  }
0x98: {  	s18 =	sld [smem:$0x3FDB];
	_ =	sdelay $0x1  }
0x99: {  	s19 =	simm.s32 $_scs_section_size  }
0x9a: {  	s4 =	simm.s32 $_size__tile_overlayer_lowered;
	s5 =	simm.s32 $_tile_overlayer_lowered  }
0x9b: {  	s22 =	simm.s32 $0x1BFF;
	s21 =	sshll.u32 s5, $0x1;
	s2 =	sadd.s32 s19, s18  }
0x9c: {  	s6 =	simm.s32 $0x0;
	s20 =	sshll.u32 s4, $0x1;
	s4 =	sadd.s32 s21, s2  }
0x9d: {  	[timem:s6], [sflag:s22] =	dma.local [hbm:s4], s20  }
0x9e: {  	_ =	swait.ge [sflag:s22], s20  }
0x9f: {  	s3 =	ssub.s32 $0x0, s20;
	[sflag:s22] =	ssyncset.done $0x0  }
0xa0: {  	[sflag:s22] =	ssyncadd.s32 s3;
	_ =	sdelay $0x1  }
0xa1: {  	s23 =	simm.s32 $0x1B8B  }
0xa2: {  	_ =	swait.ge [sflag:s23], $0x1  }
0xa3: {  	[sflag:s23] =	ssyncset.done $0x0  }
0xa4: {  	s25 =	simm.s32 $0x1B8E;
	s24 =	sld [smem:$0x3FFE];
	[sflag:s23] =	ssyncadd.s32 $0xFFFFFFFF  }
0xa5: {  	s26 =	simm.s32 $execute0_lowered;
	[smem:$0x3FD2] =	sst s25  }
0xa6: {  	s4 =	sshll.u32 s26, $0x1;
	_ =	strace $0x80000046;
	[dreg:$0x1] =	wrdreg $0xFFFFFFFF  }
0xa7: {  	s28 =	simm.s32 $_size_execute0_lowered;
	s2 =	sadd.s32 s2, s4;
	[dreg:$0x0] =	wrdreg $0x0  }
0xa8: {  	s4 =	sshll.u32 s28, $0x1;
	[dreg:$0x2] =	wrdreg s2  }
0xa9: {  	[dreg:$0x3] =	wrdreg s4  }
0xaa: {  	[dreg:$0x4] =	wrdreg $0xC0  }
0xab: {  	_ =	task [dreg:s6], $0x5FFFF  }
0xac: {  	[dreg:$0x1] =	wrdreg $0xFFFFFFFF  }
0xad: {  	[dreg:$0x0] =	wrdreg $0x60  }
0xae: {  	[dreg:$0x2] =	wrdreg s24  }
0xaf: {  	[dreg:$0x3] =	wrdreg $0x0  }
0xb0: {  	[dreg:$0x4] =	wrdreg $0x9  }
0xb1: {  	_ =	task.clear_ibuf [dreg:s6], $0x5FFFF;
	_ =	strace $0x90000046  }
0xb2: {  	s29 =	simm.s32 $0x9;
	_ =	strace $0x80000048  }
0xb3: {  	_ =	swait.ge [sflag:s29], $0x1  }
0xb4: {  	[sflag:s29] =	ssyncadd.s32 $0xFFFFFFFF  }
0xb5: {  	_ =	strace $0x90000048  }
0xb6: {  	_ =	sfence  }
0xb7: {  	s30 =	sld [smem:$0x0];
	_ =	sdelay $0x2  }
0xb8: {  	s31 =	sshll.u32 s1, $0xD;
	s1 =	sshrl.u32 s1, $0x2  }
0xb9: {  	s3 =	sand.u32 $0x4000, s31;
	s1 =	sadd.s32 s1, s30  }
0xba: {  	s0 =	sor.u32 s3, s0;
	s1 =	sshll.u32 s1, $0x11  }
0xbb: {  	s0 =	sor.u32 s1, s0  }
0xbc: {  	s0 =	sadd.s32 $0x8F2B, s0  }
0xbd: {  	[sflag:s0] =	ssyncadd.remote.s32 $0x1  }
0xbe: {  	_ =	sfence.sel $0xFFFF  }
0xbf: {  	[dreg:$0x0] =	wrdreg $0xFFFFFFFF;
	(pc) =	sbr.abs _section_cstart, $3  }
0xc0: {  	[dreg:$0x1] =	wrdreg $0xFFFFFFFF  }
0xc1: {  	_ =	task.clear_ibuf [dreg:s6], $0x2FFFF;
	_ =	strace $0x9FFFFFFF  }
0xc2: {  	(tm) =	ssettm $0x7FFFFFFF  }
0xc3: {  	_ =	shalt  }
tec
execute0_lowered:
.L_overlay_start_1:
0x0: {  	(tag) =	ssettag $0x1  }
0x1: {  	s1 =	srdreg.scid;
	s3 =	rddreg [dreg:$0x0]  }
0x2: {  	s0 =	stileid.u32;
	s5 =	rddreg [dreg:$0x1];
	s2 =	simm.s32 $0x0  }
0x3: {  	s11 =	simm.s32 $0x80;
	s12 =	simm.s32 $0x400;
	s13 =	simm.s32 $0x1400  }
0x4: {  	s14 =	simm.s32 $0x14000;
	s15 =	simm.s32 $0x7800;
	s16 =	simm.s32 $0x100  }
0x5: {  	s17 =	simm.s32 $0x0;
	s4 =	sand.u32 $0x1, s1;
	s1 =	rddreg [dreg:$0x2]  }
0x6: {  	s25 =	sshll.u32 s0, $0x1;
	[smem:$0x7FF] =	sst s2;
	s7 =	smul.u32 $0x500, s0  }
0x7: {  	s26 =	sshrl.u32 s0, $0x3;
	s9 =	smul.u32 $0x5000, s0;
	s29 =	sshll.u32 s0, $0x7  }
0x8: {  	s6 =	sor.u32 s4, s25;
	_ =	strace $0x80000047;
	s8 =	sshll.u32 s4, $0x7  }
0x9: {  	s4 =	ssub.s32 $0x2, s4;
	s31 =	sand.u32 $0x380, s29;
	s6 =	smul.u32 $0x500, s6  }
0xa: {  	s7 =	sor.u32 s8, s7;
	s8 =	smul.u32 $0x50000, s26;
	s28 =	sshrl.u32 s4, $0x1  }
0xb: {  	s9 =	sshrl.u32 s9, $0x2;
	s7 =	sshrl.u32 s7, $0x3;
	s10 =	ssub.s32 s4, s28  }
0xc: {  	s6 =	sadd.s32 s6, s3;
	s7 =	sadd.s32 s7, s3;
	s30 =	sshrl.u32 s8, $0x2  }
0xd: {  	s8 =	simm.s32 $0x2800;
	s4 =	sadd.s32 s30, s5;
	s3 =	sadd.s32 $0x3000, s6  }
0xe: {  	s5 =	sadd.s32 s9, s5;
	s6 =	sadd.s32 $0xD000, s7;
	s7 =	smax.u32 s10, $0x1  }
0xf: {  	v0 =	vimm.f32 $0.0e+00;
	v1 =	vimm.f32 $1.000000000e+00;
	s9 =	simm.s32 $0x1;
	s10 =	simm.s32 $0x5000;
	s4 =	sadd.s32 s31, s4  }
.LBB2_1:
0x10: {  	[tilespmem:s8], [sflag:$0x1] =	stream.linear.gather [hbm4b:s3+s2], $0x2800, $0x38;
	[tilespmem:$0xA000] =	vst v63  }
0x11: {  	_ =	swait.ge [sflag:s9], $0x2800  }
0x12: {  	[sflag:s9] =	ssyncset.done $0x0  }
0x13: {  	s18 =	simm.s32 $0x0;
	[sflag:s9] =	ssyncadd.s32 $0xFFFFD800  }
.LBB2_2:
0x14: {  	p0 =	sne.s32 s18, $0x9FC0  }
.Ltmp0:
0x15: {  	_ = 	snop;
	(pc) =	sbr.rel @p0 .LBB2_2-.Ltmp0, $3  }
0x16: {  	_ =	sdelay $0x1  }
0x17: {  	s19 =	sshra.s32 s18, $0x2  }
0x18: {  	s18 =	sadd.s32 $0x40, s18;
	[tilespmem:s19+$0x5000] =	vst v0  }
0x19: {  	s19 =	simm.s32 $0x0;
	s18 =	simm.s32 $0x40  }
.LBB2_4:
0x1a: {  	p0 =	sne.s32 s18, $0x9FC0;
	v2 =	vld [tilespmem:s19+$0x2800];
	_ =	sdelay $0x3  }
.Ltmp1:
0x1b: {  	(pc) =	sbr.rel @p0 .LBB2_4-.Ltmp1, $2  }
0x1c: {  	_ =	sdelay $0x2  }
0x1d: {  	s19 =	sshra.s32 s18, $0x2;
	s18 =	sadd.s32 $0x40, s18;
	[tilespmem:v2+s10+$0x0] =	vst.idx.add.f32.msk $0xffff, v1  }
0x1e: {  	v2 =	vld [tilespmem:s19+$0x2800];
	_ =	sdelay $0x7  }
0x1f: {  	s18 =	simm.s32 $0x5000;
	[tilespmem:v2+s10+$0x0] =	vst.idx.add.f32.msk $0xffff, v1  }
0x20: {  	[spmem:s4] =	stream.strided.scatter [tilespmem:s18], [sflag:$0x1], $0x2800, s12, s11, $0x38;
	[tilespmem:$0xA000] =	vst v63  }
0x21: {  	_ =	swait.ge [sflag:s9], $0x2800  }
0x22: {  	[sflag:s9] =	ssyncset.done $0x0  }
0x23: {  	[sflag:s9] =	ssyncadd.s32 $0xFFFFD800  }
0x24: {  	[bflag:$0x0] =	sbarrier.arrive $0xFFFF  }
0x25: {  	[tilespmem:s15], [sflag:$0x1] =	stream.strided.gather [spmem:s5], $0x2800, s14, s13, $0x38;
	[tilespmem:$0xA000] =	vst v63  }
0x26: {  	s30 =	simm.s32 $0x0;
	_ =	swait.ge [sflag:s9], $0x2800  }
0x27: {  	s20 =	sand.u32 $0x70, s30;
	s19 =	sand.u32 $0x1C00, s30;
	[sflag:s9] =	ssyncset.done $0x0  }
0x28: {  	s19 =	sor.u32 s20, s19;
	[sflag:s9] =	ssyncadd.s32 $0xFFFFD800  }
0x29: {  	v2 =	vld [tilespmem:s19+$0x7880]  }
0x2a: {  	v3 =	vld [tilespmem:s19+$0x7800];
	_ =	sdelay $0x1  }
0x2b: {  	v4 =	vld [tilespmem:s19+$0x7900];
	_ =	sdelay $0x1  }
0x2c: {  	v5 =	vld [tilespmem:s19+$0x7980]  }
0x2d: {  	v2 =	vadd.f32 v2, v3  }
0x2e: {  	v3 =	vld [tilespmem:s19+$0x7A00]  }
0x2f: {  	v2 =	vadd.f32 v4, v2  }
0x30: {  	v56 =	vld [tilespmem:s19+$0x7A80]  }
0x31: {  	v2 =	vadd.f32 v5, v2  }
0x32: {  	v57 =	vld [tilespmem:s19+$0x7B00]  }
0x33: {  	v2 =	vadd.f32 v3, v2  }
0x34: {  	v3 =	vld [tilespmem:s19+$0x7B80]  }
0x35: {  	v2 =	vadd.f32 v56, v2  }
0x36: {  	v58 =	vld [tilespmem:s19+$0x8C00]  }
0x37: {  	v2 =	vadd.f32 v57, v2  }
0x38: {  	v59 =	vld [tilespmem:s19+$0x8C80]  }
0x39: {  	v2 =	vadd.f32 v3, v2  }
0x3a: {  	v3 =	vld [tilespmem:s19+$0x8D00]  }
0x3b: {  	v2 =	vadd.f32 v58, v2  }
0x3c: {  	v60 =	vld [tilespmem:s19+$0x8D80]  }
0x3d: {  	v2 =	vadd.f32 v59, v2  }
0x3e: {  	v61 =	vld [tilespmem:s19+$0x8E00]  }
0x3f: {  	v2 =	vadd.f32 v3, v2  }
0x40: {  	v3 =	vld [tilespmem:s19+$0x8E80]  }
0x41: {  	v2 =	vadd.f32 v60, v2  }
0x42: {  	v62 =	vld [tilespmem:s19+$0x8F00]  }
0x43: {  	v2 =	vadd.f32 v61, v2  }
0x44: {  	v63 =	vld [tilespmem:s19+$0x8F80]  }
0x45: {  	v2 =	vadd.f32 v3, v2;
	_ =	sdelay $0x1  }
0x46: {  	v2 =	vadd.f32 v62, v2;
	_ =	sdelay $0x1  }
0x47: {  	s31 =	simm.s32 $0x10;
	s20 =	simm.s32 $0x80;
	v2 =	vadd.f32 v63, v2  }
0x48: {  	s21 =	sand.u32 $0x1C00, s20;
	s19 =	sand.u32 $0x70, s31  }
0x49: {  	s19 =	sor.u32 s19, s21;
	s21 =	simm.s32 $0x20;
	[tilespmem:s18+$0x0] =	vst v2  }
.LBB2_6:
0x4a: {  	p0 =	sne.s32 s21, $0x270;
	v2 =	vld [tilespmem:s19+$0x7880]  }
0x4b: {  	v3 =	vld [tilespmem:s19+$0x7800];
	_ =	sdelay $0x1  }
0x4c: {  	v4 =	vld [tilespmem:s19+$0x7900];
	_ =	sdelay $0x1  }
0x4d: {  	v5 =	vld [tilespmem:s19+$0x7980]  }
0x4e: {  	v2 =	vadd.f32 v2, v3  }
0x4f: {  	v3 =	vld [tilespmem:s19+$0x7A00]  }
0x50: {  	v2 =	vadd.f32 v4, v2  }
0x51: {  	v4 =	vld [tilespmem:s19+$0x7A80]  }
0x52: {  	v2 =	vadd.f32 v5, v2  }
0x53: {  	v5 =	vld [tilespmem:s19+$0x7B00]  }
0x54: {  	v2 =	vadd.f32 v3, v2  }
0x55: {  	v3 =	vld [tilespmem:s19+$0x7B80]  }
0x56: {  	v2 =	vadd.f32 v4, v2  }
0x57: {  	v4 =	vld [tilespmem:s19+$0x8C00]  }
0x58: {  	v2 =	vadd.f32 v5, v2  }
0x59: {  	v5 =	vld [tilespmem:s19+$0x8C80]  }
0x5a: {  	v2 =	vadd.f32 v3, v2  }
0x5b: {  	v3 =	vld [tilespmem:s19+$0x8D00]  }
0x5c: {  	v2 =	vadd.f32 v4, v2  }
0x5d: {  	v4 =	vld [tilespmem:s19+$0x8D80]  }
0x5e: {  	v2 =	vadd.f32 v5, v2  }
0x5f: {  	v5 =	vld [tilespmem:s19+$0x8E00]  }
0x60: {  	v2 =	vadd.f32 v3, v2  }
0x61: {  	v3 =	vld [tilespmem:s19+$0x8E80]  }
0x62: {  	v2 =	vadd.f32 v4, v2  }
0x63: {  	v4 =	vld [tilespmem:s19+$0x8F00]  }
0x64: {  	v2 =	vadd.f32 v5, v2  }
0x65: {  	v5 =	vld [tilespmem:s19+$0x8F80]  }
0x66: {  	v2 =	vadd.f32 v3, v2;
	_ =	sdelay $0x1  }
.Ltmp2:
0x67: {  	v2 =	vadd.f32 v4, v2;
	(pc) =	sbr.rel @p0 .LBB2_6-.Ltmp2, $4  }
0x68: {  	_ = 	snop  }
0x69: {  	s20 =	sadd.s32 $0x80, s20;
	v2 =	vadd.f32 v5, v2  }
0x6a: {  	s18 =	sadd.s32 $0x10, s18;
	s22 =	sand.u32 $0x1C00, s20;
	s19 =	sand.u32 $0x70, s21  }
0x6b: {  	s21 =	sadd.s32 $0x10, s21;
	s19 =	sor.u32 s19, s22;
	[tilespmem:s18+$0x0] =	vst v2  }
0x6c: {  	v2 =	vld [tilespmem:s19+$0x7880]  }
0x6d: {  	v3 =	vld [tilespmem:s19+$0x7800];
	_ =	sdelay $0x1  }
0x6e: {  	v4 =	vld [tilespmem:s19+$0x7900];
	_ =	sdelay $0x1  }
0x6f: {  	v5 =	vld [tilespmem:s19+$0x7980]  }
0x70: {  	v2 =	vadd.f32 v2, v3  }
0x71: {  	v3 =	vld [tilespmem:s19+$0x7A00]  }
0x72: {  	v2 =	vadd.f32 v4, v2  }
0x73: {  	v56 =	vld [tilespmem:s19+$0x7A80]  }
0x74: {  	v2 =	vadd.f32 v5, v2  }
0x75: {  	v57 =	vld [tilespmem:s19+$0x7B00]  }
0x76: {  	v2 =	vadd.f32 v3, v2  }
0x77: {  	v3 =	vld [tilespmem:s19+$0x7B80]  }
0x78: {  	v2 =	vadd.f32 v56, v2  }
0x79: {  	v58 =	vld [tilespmem:s19+$0x8C00]  }
0x7a: {  	v2 =	vadd.f32 v57, v2  }
0x7b: {  	v59 =	vld [tilespmem:s19+$0x8C80]  }
0x7c: {  	v2 =	vadd.f32 v3, v2  }
0x7d: {  	v3 =	vld [tilespmem:s19+$0x8D00]  }
0x7e: {  	v2 =	vadd.f32 v58, v2  }
0x7f: {  	v60 =	vld [tilespmem:s19+$0x8D80]  }
0x80: {  	v2 =	vadd.f32 v59, v2  }
0x81: {  	v61 =	vld [tilespmem:s19+$0x8E00]  }
0x82: {  	v2 =	vadd.f32 v3, v2  }
0x83: {  	v3 =	vld [tilespmem:s19+$0x8E80]  }
0x84: {  	v2 =	vadd.f32 v60, v2  }
0x85: {  	v62 =	vld [tilespmem:s19+$0x8F00]  }
0x86: {  	v2 =	vadd.f32 v61, v2  }
0x87: {  	v63 =	vld [tilespmem:s19+$0x8F80]  }
0x88: {  	v2 =	vadd.f32 v3, v2;
	_ =	sdelay $0x1  }
0x89: {  	v2 =	vadd.f32 v62, v2;
	_ =	sdelay $0x1  }
0x8a: {  	s17 =	sadd.s32 $0x1, s17;
	v2 =	vadd.f32 v63, v2  }
0x8b: {  	s18 =	sadd.s32 $0x10, s18;
	p0 =	sne.s32 s17, s7  }
.Ltmp3:
0x8c: {  	[tilespmem:s18+$0x0] =	vst v2;
	(pc) =	sbr.rel @p0 .LBB2_1-.Ltmp3, $4  }
0x8d: {  	[hbm4b:s6+s11] =	stream.strided.scatter [tilespmem:s10], [sflag:$0x1], $0x280, s16, s11, $0x38;
	[tilespmem:$0xA000] =	vst v63  }
0x8e: {  	_ =	swait.ge [sflag:s9], $0x280  }
0x8f: {  	[sflag:s9] =	ssyncset.done $0x0  }
0x90: {  	[sflag:s9] =	ssyncadd.s32 $0xFFFFFD80  }
0x91: {  	_ =	sfence.sel $0x180000  }
0x92: {  	[bflag:$0x0] =	sbarrier.arrive $0xFFFF  }
0x93: {  	p0 =	sne.s32 s0, $0x0;
	_ =	strace $0x90000047  }
0x94: {  	s0 =	sadd.s32 @!p0 $0x100000, s1;
	[bflag:$0x2] =	sbarrier.arrive $0xFFFF  }
0x95: {  	[sflag:s0] =	ssyncadd.tile.s32 @!p0 $0x1;
	_ =	shalt  }
.Lfunc_end2:
_tile_overlayer_lowered:
.L_overlay_start_2:
0x96: {  	(tag) =	ssettag $0x2  }
0x97: {  	s0 =	rddreg [dreg:$0x0];
	s2 =	stileid.u32  }
0x98: {  	s1 =	rddreg [dreg:$0x1];
	p0 =	sne.s32 s2, $0x0  }
0x99: {  	s3 =	rddreg [dreg:$0x2];
	[bflag:$0x3] =	sbarrier.arrive $0xFFFF;
	s2 =	simm.s32 @!p0 $0x1C01  }
0x9a: {  	[timem:s3], [sflag:s2] =	dma.local @!p0 [hbm:s0], s1  }
0x9b: {  	s0 =	simm.s32 @!p0 $0x1  }
0x9c: {  	_ =	swait.ge @!p0 [sflag:s0], s1  }
0x9d: {  	s1 =	ssub.s32 @!p0 $0x0, s1;
	[sflag:s0] =	ssyncset.done @!p0 $0x0  }
0x9e: {  	[sflag:s0] =	ssyncadd.s32 @!p0 s1  }
0x9f: {  	[bflag:$0x3] =	sbarrier.arrive $0xFFFF  }
0xa0: {  	_ =	shalt  }

</sc_bundles>
